<compile_context>
chip_gen: v7x
topology: tpu7x:2x2x1
jax: 0.10.2.dev20260603
libtpu: 0.0.44.dev20260713+nightly
codegen_flags: <defaults>
</compile_context>

<pallas_src>
import jax
import jax.numpy as jnp
from jax import lax
from jax.experimental import pallas as pl
from jax.experimental.pallas import tpu as pltpu

_B = 4
_N = 20000
_K = 1024
_DH = 256
_PAD = 20224
_H = _PAD // 2


def _mlp1_body(f_ref, w1_ref, b1_ref, h_ref):
    f = f_ref[...]
    w = w1_ref[...]
    h = (f[:, 0:1] * w[0:1, :] + f[:, 1:2] * w[1:2, :]
         + f[:, 2:3] * w[2:3, :]) + b1_ref[...]
    h_ref[...] = jnp.maximum(h, 0.0)


def _mlp2_body(h_ref, p_ref, w2_ref, b2_ref, w3_ref, b3_ref, o_ref):
    a = h_ref[...] + p_ref[...]
    a = jnp.dot(a, w2_ref[...], preferred_element_type=jnp.float32) + b2_ref[...]
    a = jnp.maximum(a, 0.0)
    o_ref[...] = jnp.dot(a, w3_ref[...], preferred_element_type=jnp.float32) + b3_ref[...]


def _pair(x, parity, combine):
    up = jnp.concatenate([x[1:], x[:1]], axis=0)
    dn = jnp.concatenate([x[-1:], x[:-1]], axis=0)
    partner = jnp.where(parity == 0, up, dn)
    return combine(x, partner)


def _fps_body(px_ref, py_ref, pz_ref, out_ref, dist_ref):
    lanes = lax.broadcasted_iota(jnp.int32, (2 * _B, _H), 1)
    parity = lax.broadcasted_iota(jnp.int32, (2 * _B, 1), 0) % 2
    gidx = lanes + parity * _H
    valid = gidx < _N
    dist_ref[...] = jnp.where(valid, jnp.float32(1e10), jnp.float32(-1e30))
    out_ref[...] = jnp.zeros((2 * _B, _K), jnp.int32)
    cols = lax.broadcasted_iota(jnp.int32, (2 * _B, _K), 1)
    ninf = jnp.float32(-jnp.inf)

    def body(i, carry):
        xl, yl, zl = carry
        dx = px_ref[...] - xl
        dy = py_ref[...] - yl
        dz = pz_ref[...] - zl
        d = dx * dx + (dy * dy + dz * dz)
        dist = jnp.minimum(dist_ref[...], d)
        dist_ref[...] = dist
        m = _pair(jnp.max(dist, axis=1, keepdims=True), parity, jnp.maximum)
        idx = _pair(jnp.min(jnp.where(dist == m, gidx, 2 ** 30), axis=1,
                            keepdims=True), parity, jnp.minimum)
        sel = gidx == idx
        out_ref[...] = jnp.where(cols == i, idx, out_ref[...])
        xl = _pair(jnp.max(jnp.where(sel, px_ref[...], ninf), axis=1,
                           keepdims=True), parity, jnp.maximum)
        yl = _pair(jnp.max(jnp.where(sel, py_ref[...], ninf), axis=1,
                           keepdims=True), parity, jnp.maximum)
        zl = _pair(jnp.max(jnp.where(sel, pz_ref[...], ninf), axis=1,
                           keepdims=True), parity, jnp.maximum)
        return (xl, yl, zl)

    def bcast0(r):
        c = r[:, 0:1]
        return jnp.where(parity == 0, c, jnp.concatenate([c[-1:], c[:-1]], axis=0))

    x0 = bcast0(px_ref)
    y0 = bcast0(py_ref)
    z0 = bcast0(pz_ref)
    lax.fori_loop(1, _K, body, (x0, y0, z0))


def kernel(points, coords, feats, inds, W1, b1, W2, b2, W3, b3):
    R = 2000
    G = (_B * _N) // R
    h = pl.pallas_call(
        _mlp1_body,
        grid=(G,),
        in_specs=[
            pl.BlockSpec((R, 3), lambda i: (i, 0)),
            pl.BlockSpec((3, _DH), lambda i: (0, 0)),
            pl.BlockSpec((1, _DH), lambda i: (0, 0)),
        ],
        out_specs=pl.BlockSpec((R, _DH), lambda i: (i, 0)),
        out_shape=jax.ShapeDtypeStruct((_B * _N, _DH), jnp.float32),
    )(feats, W1, b1.reshape(1, _DH))

    batch_ids = coords[:, 0]
    coarse = coords[:, 1:] // 2
    keys = ((batch_ids * 64 + coarse[:, 0]) * 64 + coarse[:, 1]) * 64 + coarse[:, 2]
    _, inv = jnp.unique(keys, return_inverse=True, size=keys.shape[0], fill_value=0)
    inv = inv.reshape(-1)
    S = _B * _N
    sums = jax.ops.segment_sum(h, inv, num_segments=S)
    cnts = jax.ops.segment_sum(jnp.ones((S, 1), jnp.float32), inv, num_segments=S)
    pooled = (sums / jnp.maximum(cnts, 1.0))[inv]

    features = pl.pallas_call(
        _mlp2_body,
        grid=(G,),
        in_specs=[
            pl.BlockSpec((R, _DH), lambda i: (i, 0)),
            pl.BlockSpec((R, _DH), lambda i: (i, 0)),
            pl.BlockSpec((_DH, _DH), lambda i: (0, 0)),
            pl.BlockSpec((1, _DH), lambda i: (0, 0)),
            pl.BlockSpec((_DH, _DH), lambda i: (0, 0)),
            pl.BlockSpec((1, _DH), lambda i: (0, 0)),
        ],
        out_specs=pl.BlockSpec((R, _DH), lambda i: (i, 0)),
        out_shape=jax.ShapeDtypeStruct((_B * _N, _DH), jnp.float32),
    )(h, pooled, W2, b2.reshape(1, _DH), W3, b3.reshape(1, _DH))

    inds2 = inds.reshape(_B, _N)
    pv = jnp.take_along_axis(points, inds2[..., None], axis=1)
    pvp = jnp.pad(pv, ((0, 0), (0, _PAD - _N), (0, 0)))
    px = pvp[..., 0].reshape(2 * _B, _H)
    py = pvp[..., 1].reshape(2 * _B, _H)
    pz = pvp[..., 2].reshape(2 * _B, _H)

    samp8 = pl.pallas_call(
        _fps_body,
        out_shape=jax.ShapeDtypeStruct((2 * _B, _K), jnp.int32),
        scratch_shapes=[pltpu.VMEM((2 * _B, _H), jnp.float32)],
    )(px, py, pz)
    samp = samp8[::2]

    fp2_inds = jnp.take_along_axis(inds2, samp, axis=1)
    fp2_xyz = jnp.take_along_axis(pv, samp[..., None], axis=1)
    feat4 = features.reshape(_B, _N, _DH)
    fp2_features = jnp.take_along_axis(feat4, samp[..., None], axis=1).transpose(0, 2, 1)
    return fp2_features, fp2_xyz, fp2_inds

# --- scband reference (transcript-rebuilt; emitter-appended) ---
"""Pipeline reference for scband-sparse-conv-backbone-44186623541501 (READ-ONLY COPY).

The authoritative reference and input builder live on the scoring server;
editing this copy changes nothing except your own understanding.
"""

import jax, jax.numpy as jnp
import numpy as np

B = 4
N = 20000
K = 1024
D_IN = 3
D_HID = 256
D_OUT = 256


def fps(pts, k):
    n = pts.shape[0]
    def body(i, state):
        idxs, dists, last = state
        d = jnp.sum((pts - pts[last]) ** 2, axis=1)
        dists = jnp.minimum(dists, d)
        nxt = jnp.argmax(dists).astype(jnp.int32)
        idxs = idxs.at[i].set(nxt)
        return (idxs, dists, nxt)
    idxs0 = jnp.zeros((k,), dtype=jnp.int32)
    dists0 = jnp.full((n,), 1e10, dtype=jnp.float32)
    state = (idxs0, dists0, jnp.array(0, dtype=jnp.int32))
    idxs, _, _ = jax.lax.fori_loop(1, k, body, state)
    return idxs


def setup_inputs(seed: int = 0):
    key = jax.random.key(seed)
    ks = jax.random.split(key, 10)
    points = jax.random.uniform(ks[0], (B, N, 3), dtype=jnp.float32) * 4.0
    batch_col = jnp.repeat(jnp.arange(B, dtype=jnp.int32), N)
    spatial = jax.random.randint(ks[1], (B * N, 3), 0, 100, dtype=jnp.int32)
    coords = jnp.concatenate([batch_col[:, None], spatial], axis=1)
    feats = jax.random.normal(ks[2], (B * N, D_IN), dtype=jnp.float32)
    inds = jax.random.randint(ks[3], (B * N,), 0, N, dtype=jnp.int32)
    W1 = jax.random.normal(ks[4], (D_IN, D_HID), dtype=jnp.float32) * 0.3
    b1 = jnp.zeros((D_HID,), dtype=jnp.float32)
    W2 = jax.random.normal(ks[5], (D_HID, D_HID), dtype=jnp.float32) * (1.0 / np.sqrt(D_HID))
    b2 = jnp.zeros((D_HID,), dtype=jnp.float32)
    W3 = jax.random.normal(ks[6], (D_HID, D_OUT), dtype=jnp.float32) * (1.0 / np.sqrt(D_HID))
    b3 = jnp.zeros((D_OUT,), dtype=jnp.float32)
    return {"points": points, "coords": coords, "feats": feats, "inds": inds,
            "W1": W1, "b1": b1, "W2": W2, "b2": b2, "W3": W3, "b3": b3}


def reference(points, coords, feats, inds, W1, b1, W2, b2, W3, b3):
    batch_ids = coords[:, 0]
    # sparse-conv backbone surrogate: pointwise MLP + voxel-hash coarse pooling
    h = jax.nn.relu(feats @ W1 + b1)
    coarse = coords[:, 1:] // 2
    keys = ((batch_ids * 64 + coarse[:, 0]) * 64 + coarse[:, 1]) * 64 + coarse[:, 2]
    uniq, inv = jnp.unique(keys, return_inverse=True, size=keys.shape[0], fill_value=0)
    inv = inv.reshape(-1)
    S = int(uniq.shape[0])
    sums = jax.ops.segment_sum(h, inv, num_segments=S)
    cnts = jax.ops.segment_sum(jnp.ones((h.shape[0], 1), dtype=jnp.float32), inv, num_segments=S)
    pooled = (sums / jnp.maximum(cnts, 1.0))[inv]
    h2 = jax.nn.relu((h + pooled) @ W2 + b2)
    features = h2 @ W3 + b3
    # per-batch furthest point sampling and gathering, as in torch forward
    pts_flat = points.reshape(-1, 3)
    voxel_ids = inds + batch_ids * N
    f_list, p_list, i_list = [], [], []
    for b in range(B):
        idx_b = jnp.where(batch_ids == b, size=N)[0]
        pv = pts_flat[voxel_ids[idx_b]]
        samp = fps(pv, K)
        i_list.append(inds[idx_b][samp])
        f_list.append(features[idx_b][samp])
        p_list.append(pv[samp])
    fp2_features = jnp.stack(f_list, 0).transpose(0, 2, 1)
    fp2_xyz = jnp.stack(p_list, 0)
    fp2_inds = jnp.stack(i_list, 0)
    return fp2_features, fp2_xyz, fp2_inds

if __name__ == "__main__":
    import jax
    _d = setup_inputs()
    print(jax.jit(kernel)(*tuple(_d.values())))

</pallas_src>

<mosaic_0001>
module attributes {stable_mosaic.version = 14 : i64} {
  func.func @_mlp1_body(%arg0: i32, %arg1: memref<2000x3xf32, #tpu.memory_space<vmem>>, %arg2: memref<3x256xf32, #tpu.memory_space<vmem>>, %arg3: memref<1x256xf32, #tpu.memory_space<vmem>>, %arg4: memref<2000x256xf32, #tpu.memory_space<vmem>>) attributes {dimension_semantics = [#tpu.dimension_semantics<arbitrary>], iteration_bounds = array<i64: 40>, scalar_prefetch = 0 : i64, scratch_operands = 0 : i64, tpu.core_type = #tpu.core_type<tc>, window_params = [{transform_indices = @transform_0, window_bounds = array<i64: 2000, 3>}, {pipeline_mode = #tpu.pipeline_mode<synchronous>, transform_indices = @transform_1, window_bounds = array<i64: 3, 256>}, {pipeline_mode = #tpu.pipeline_mode<synchronous>, transform_indices = @transform_2, window_bounds = array<i64: 1, 256>}, {transform_indices = @transform_3, window_bounds = array<i64: 2000, 256>}]} {
    %get3A = arith.constant 0 : index
    %get3A_0 = arith.constant 0 : index
    %get3A_1 = vector.load %arg1[%get3A, %get3A_0] : memref<2000x3xf32, #tpu.memory_space<vmem>>, vector<2000x3xf32>
    %get3A_2 = arith.constant 0 : index
    %get3A_3 = arith.constant 0 : index
    %get3A_4 = vector.load %arg2[%get3A_2, %get3A_3] : memref<3x256xf32, #tpu.memory_space<vmem>>, vector<3x256xf32>
    %slice3A = vector.extract_strided_slice %get3A_1 {offsets = [0, 0], sizes = [2000, 1], strides = [1, 1]} : vector<2000x3xf32> to vector<2000x1xf32>
    %slice3A_5 = vector.extract_strided_slice %get3A_4 {offsets = [0, 0], sizes = [1, 256], strides = [1, 1]} : vector<3x256xf32> to vector<1x256xf32>
    %mul3A = vector.broadcast %slice3A : vector<2000x1xf32> to vector<2000x256xf32>
    %mul3A_6 = vector.broadcast %slice3A_5 : vector<1x256xf32> to vector<2000x256xf32>
    %mul3A_7 = arith.mulf %mul3A, %mul3A_6 : vector<2000x256xf32>
    %slice3A_8 = vector.extract_strided_slice %get3A_1 {offsets = [0, 1], sizes = [2000, 1], strides = [1, 1]} : vector<2000x3xf32> to vector<2000x1xf32>
    %slice3A_9 = vector.extract_strided_slice %get3A_4 {offsets = [1, 0], sizes = [1, 256], strides = [1, 1]} : vector<3x256xf32> to vector<1x256xf32>
    %mul3A_10 = vector.broadcast %slice3A_8 : vector<2000x1xf32> to vector<2000x256xf32>
    %mul3A_11 = vector.broadcast %slice3A_9 : vector<1x256xf32> to vector<2000x256xf32>
    %mul3A_12 = arith.mulf %mul3A_10, %mul3A_11 : vector<2000x256xf32>
    %add3A = arith.addf %mul3A_7, %mul3A_12 : vector<2000x256xf32>
    %slice3A_13 = vector.extract_strided_slice %get3A_1 {offsets = [0, 2], sizes = [2000, 1], strides = [1, 1]} : vector<2000x3xf32> to vector<2000x1xf32>
    %slice3A_14 = vector.extract_strided_slice %get3A_4 {offsets = [2, 0], sizes = [1, 256], strides = [1, 1]} : vector<3x256xf32> to vector<1x256xf32>
    %mul3A_15 = vector.broadcast %slice3A_13 : vector<2000x1xf32> to vector<2000x256xf32>
    %mul3A_16 = vector.broadcast %slice3A_14 : vector<1x256xf32> to vector<2000x256xf32>
    %mul3A_17 = arith.mulf %mul3A_15, %mul3A_16 : vector<2000x256xf32>
    %add3A_18 = arith.addf %add3A, %mul3A_17 : vector<2000x256xf32>
    %get3A_19 = arith.constant 0 : index
    %get3A_20 = arith.constant 0 : index
    %get3A_21 = vector.load %arg3[%get3A_19, %get3A_20] : memref<1x256xf32, #tpu.memory_space<vmem>>, vector<1x256xf32>
    %add3A_22 = vector.broadcast %get3A_21 : vector<1x256xf32> to vector<2000x256xf32>
    %add3A_23 = arith.addf %add3A_18, %add3A_22 : vector<2000x256xf32>
    %max3A = arith.constant 0.000000e+00 : f32
    %max3A_24 = vector.broadcast %max3A : f32 to vector<2000x256xf32>
    %max3A_25 = arith.maximumf %add3A_23, %max3A_24 : vector<2000x256xf32>
    %swap3A = arith.constant 0 : index
    %swap3A_26 = arith.constant 0 : index
    %swap3A_27 = vector.load %arg4[%swap3A, %swap3A_26] : memref<2000x256xf32, #tpu.memory_space<vmem>>, vector<2000x256xf32>
    tpu.vector_store %arg4[%swap3A, %swap3A_26], %max3A_25 {strides = array<i32>} : memref<2000x256xf32, #tpu.memory_space<vmem>>, vector<2000x256xf32>,
    return
  }
  func.func @transform_0(%arg0: i32) -> (i32, i32) {
    %c0_i32 = arith.constant 0 : i32
    %c0_i32_0 = arith.constant 0 : i32
    return %arg0, %c0_i32 : i32, i32
  }
  func.func @transform_1(%arg0: i32) -> (i32, i32) {
    %c0_i32 = arith.constant 0 : i32
    %c0_i32_0 = arith.constant 0 : i32
    %c0_i32_1 = arith.constant 0 : i32
    return %c0_i32, %c0_i32_0 : i32, i32
  }
  func.func @transform_2(%arg0: i32) -> (i32, i32) {
    %c0_i32 = arith.constant 0 : i32
    %c0_i32_0 = arith.constant 0 : i32
    %c0_i32_1 = arith.constant 0 : i32
    return %c0_i32, %c0_i32_0 : i32, i32
  }
  func.func @transform_3(%arg0: i32) -> (i32, i32) {
    %c0_i32 = arith.constant 0 : i32
    %c0_i32_0 = arith.constant 0 : i32
    return %arg0, %c0_i32 : i32, i32
  }
}

module attributes {stable_mosaic.version = 14 : i64} {
  func.func @_fps_body(%arg0: memref<8x10112xf32, #tpu.memory_space<vmem>>, %arg1: memref<8x10112xf32, #tpu.memory_space<vmem>>, %arg2: memref<8x10112xf32, #tpu.memory_space<vmem>>, %arg3: memref<8x1024xi32, #tpu.memory_space<vmem>>, %arg4: memref<8x10112xf32, #tpu.memory_space<vmem>>) attributes {dimension_semantics = [], scalar_prefetch = 0 : i64, scratch_operands = 1 : i64, tpu.core_type = #tpu.core_type<tc>} {
    %iota3A = tpu.iota {dimensions = array<i32: 1>} : vector<8x10112xi32>
    %iota3A_0 = tpu.iota {dimensions = array<i32: 0>} : vector<8x1xi32>
    %jit3A = arith.constant 2 : i32
    %eq3A = arith.constant 0 : i32
    %eq3A_1 = arith.cmpi eq, %jit3A, %eq3A : i32
    %jit3A_2 = arith.constant 1 : i32
    %select_n3A = arith.select %eq3A_1, %jit3A_2, %jit3A : i32
    %rem3A = vector.broadcast %select_n3A : i32 to vector<8x1xi32>
    %rem3A_3 = arith.remsi %iota3A_0, %rem3A : vector<8x1xi32>
    %ne3A = arith.constant 0 : i32
    %ne3A_4 = vector.broadcast %ne3A : i32 to vector<8x1xi32>
    %ne3A_5 = arith.cmpi ne, %rem3A_3, %ne3A_4 : vector<8x1xi32>
    %lt3A = arith.constant 0 : i32
    %lt3A_6 = vector.broadcast %lt3A : i32 to vector<8x1xi32>
    %lt3A_7 = arith.cmpi slt, %rem3A_3, %lt3A_6 : vector<8x1xi32>
    %lt3A_8 = arith.constant 0 : i32
    %lt3A_9 = arith.cmpi slt, %select_n3A, %lt3A_8 : i32
    %ne3A_10 = vector.broadcast %lt3A_9 : i1 to vector<8x1xi1>
    %ne3A_11 = vector.broadcast %ne3A_10 : vector<8x1xi1> to vector<8x1xi1>
    %ne3A_12 = arith.xori %lt3A_7, %ne3A_11 : vector<8x1xi1>
    %and3A = arith.andi %ne3A_12, %ne3A_5 : vector<8x1xi1>
    %add3A = vector.broadcast %select_n3A : i32 to vector<8x1xi32>
    %add3A_13 = arith.addi %rem3A_3, %add3A : vector<8x1xi32>
    %select_n3A_14 = arith.select %and3A, %add3A_13, %rem3A_3 : vector<8x1xi1>, vector<8x1xi32>
    %mul3A = arith.constant 10112 : i32
    %mul3A_15 = vector.broadcast %mul3A : i32 to vector<8x1xi32>
    %mul3A_16 = arith.muli %select_n3A_14, %mul3A_15 : vector<8x1xi32>
    %add3A_17 = vector.broadcast %mul3A_16 : vector<8x1xi32> to vector<8x10112xi32>
    %add3A_18 = arith.addi %iota3A, %add3A_17 : vector<8x10112xi32>
    %lt3A_19 = arith.constant 20000 : i32
    %lt3A_20 = vector.broadcast %lt3A_19 : i32 to vector<8x10112xi32>
    %lt3A_21 = arith.cmpi slt, %add3A_18, %lt3A_20 : vector<8x10112xi32>
    %jit3A_22 = arith.constant 1.000000e+10 : f32
    %jit3A_23 = arith.constant -1.000000e+30 : f32
    %broadcast_in_dim3A = vector.broadcast %jit3A_22 : f32 to vector<8x10112xf32>
    %broadcast_in_dim3A_24 = vector.broadcast %jit3A_23 : f32 to vector<8x10112xf32>
    %select_n3A_25 = arith.select %lt3A_21, %broadcast_in_dim3A, %broadcast_in_dim3A_24 : vector<8x10112xi1>, vector<8x10112xf32>
    %swap3A = arith.constant 0 : index
    %swap3A_26 = arith.constant 0 : index
    %swap3A_27 = vector.load %arg4[%swap3A, %swap3A_26] : memref<8x10112xf32, #tpu.memory_space<vmem>>, vector<8x10112xf32>
    tpu.vector_store %arg4[%swap3A, %swap3A_26], %select_n3A_25 {strides = array<i32>} : memref<8x10112xf32, #tpu.memory_space<vmem>>, vector<8x10112xf32>,
    %broadcast_in_dim3A_28 = arith.constant 0 : i32
    %broadcast_in_dim3A_29 = vector.broadcast %broadcast_in_dim3A_28 : i32 to vector<8x1024xi32>
    %swap3A_30 = arith.constant 0 : index
    %swap3A_31 = arith.constant 0 : index
    %swap3A_32 = vector.load %arg3[%swap3A_30, %swap3A_31] : memref<8x1024xi32, #tpu.memory_space<vmem>>, vector<8x1024xi32>
    tpu.vector_store %arg3[%swap3A_30, %swap3A_31], %broadcast_in_dim3A_29 {strides = array<i32>} : memref<8x1024xi32, #tpu.memory_space<vmem>>, vector<8x1024xi32>,
    %iota3A_33 = tpu.iota {dimensions = array<i32: 1>} : vector<8x1024xi32>
    %get3A = arith.constant 0 : index
    %get3A_34 = arith.constant 0 : index
    %get3A_35 = vector.load %arg0[%get3A, %get3A_34] : memref<8x10112xf32, #tpu.memory_space<vmem>>, vector<8x1xf32>
    %eq3A_36 = arith.constant 0 : i32
    %eq3A_37 = vector.broadcast %eq3A_36 : i32 to vector<8x1xi32>
    %eq3A_38 = arith.cmpi eq, %select_n3A_14, %eq3A_37 : vector<8x1xi32>
    %slice3A = vector.extract_strided_slice %get3A_35 {offsets = [7, 0], sizes = [1, 1], strides = [1, 1]} : vector<8x1xf32> to vector<1x1xf32>
    %slice3A_39 = vector.extract_strided_slice %get3A_35 {offsets = [0, 0], sizes = [7, 1], strides = [1, 1]} : vector<8x1xf32> to vector<7x1xf32>
    %concatenate3A = tpu.concatenate %slice3A, %slice3A_39 in 0 : vector<1x1xf32>, vector<7x1xf32> -> vector<8x1xf32>
    %select_n3A_40 = arith.select %eq3A_38, %get3A_35, %concatenate3A : vector<8x1xi1>, vector<8x1xf32>
    %get3A_41 = arith.constant 0 : index
    %get3A_42 = arith.constant 0 : index
    %get3A_43 = vector.load %arg1[%get3A_41, %get3A_42] : memref<8x10112xf32, #tpu.memory_space<vmem>>, vector<8x1xf32>
    %eq3A_44 = arith.constant 0 : i32
    %eq3A_45 = vector.broadcast %eq3A_44 : i32 to vector<8x1xi32>
    %eq3A_46 = arith.cmpi eq, %select_n3A_14, %eq3A_45 : vector<8x1xi32>
    %slice3A_47 = vector.extract_strided_slice %get3A_43 {offsets = [7, 0], sizes = [1, 1], strides = [1, 1]} : vector<8x1xf32> to vector<1x1xf32>
    %slice3A_48 = vector.extract_strided_slice %get3A_43 {offsets = [0, 0], sizes = [7, 1], strides = [1, 1]} : vector<8x1xf32> to vector<7x1xf32>
    %concatenate3A_49 = tpu.concatenate %slice3A_47, %slice3A_48 in 0 : vector<1x1xf32>, vector<7x1xf32> -> vector<8x1xf32>
    %select_n3A_50 = arith.select %eq3A_46, %get3A_43, %concatenate3A_49 : vector<8x1xi1>, vector<8x1xf32>
    %get3A_51 = arith.constant 0 : index
    %get3A_52 = arith.constant 0 : index
    %get3A_53 = vector.load %arg2[%get3A_51, %get3A_52] : memref<8x10112xf32, #tpu.memory_space<vmem>>, vector<8x1xf32>
    %eq3A_54 = arith.constant 0 : i32
    %eq3A_55 = vector.broadcast %eq3A_54 : i32 to vector<8x1xi32>
    %eq3A_56 = arith.cmpi eq, %select_n3A_14, %eq3A_55 : vector<8x1xi32>
    %slice3A_57 = vector.extract_strided_slice %get3A_53 {offsets = [7, 0], sizes = [1, 1], strides = [1, 1]} : vector<8x1xf32> to vector<1x1xf32>
    %slice3A_58 = vector.extract_strided_slice %get3A_53 {offsets = [0, 0], sizes = [7, 1], strides = [1, 1]} : vector<8x1xf32> to vector<7x1xf32>
    %concatenate3A_59 = tpu.concatenate %slice3A_57, %slice3A_58 in 0 : vector<1x1xf32>, vector<7x1xf32> -> vector<8x1xf32>
    %select_n3A_60 = arith.select %eq3A_56, %get3A_53, %concatenate3A_59 : vector<8x1xi1>, vector<8x1xf32>
    %scan3A = arith.constant 0xFF800000 : f32
    %scan3A_61 = arith.constant 1 : i32
    %scan3A_62 = arith.constant 1023 : i32
    %scan3A_63 = arith.addi %scan3A_61, %scan3A_62 : i32
    %scan3A_64 = arith.constant 1 : i32
    %scan3A_65:3 = scf.for %scan3A_67 = %scan3A_61 to %scan3A_63 step %scan3A_64 iter_args(%scan3A_68 = %select_n3A_40, %scan3A_69 = %select_n3A_50, %scan3A_70 = %select_n3A_60) -> (vector<8x1xf32>, vector<8x1xf32>, vector<8x1xf32>)  : i32 {
      %get3A_71 = arith.constant 0 : index
      %get3A_72 = arith.constant 0 : index
      %get3A_73 = vector.load %arg0[%get3A_71, %get3A_72] : memref<8x10112xf32, #tpu.memory_space<vmem>>, vector<8x10112xf32>
      %sub3A = vector.broadcast %scan3A_68 : vector<8x1xf32> to vector<8x10112xf32>
      %sub3A_74 = arith.subf %get3A_73, %sub3A : vector<8x10112xf32>
      %get3A_75 = arith.constant 0 : index
      %get3A_76 = arith.constant 0 : index
      %get3A_77 = vector.load %arg1[%get3A_75, %get3A_76] : memref<8x10112xf32, #tpu.memory_space<vmem>>, vector<8x10112xf32>
      %sub3A_78 = vector.broadcast %scan3A_69 : vector<8x1xf32> to vector<8x10112xf32>
      %sub3A_79 = arith.subf %get3A_77, %sub3A_78 : vector<8x10112xf32>
      %get3A_80 = arith.constant 0 : index
      %get3A_81 = arith.constant 0 : index
      %get3A_82 = vector.load %arg2[%get3A_80, %get3A_81] : memref<8x10112xf32, #tpu.memory_space<vmem>>, vector<8x10112xf32>
      %sub3A_83 = vector.broadcast %scan3A_70 : vector<8x1xf32> to vector<8x10112xf32>
      %sub3A_84 = arith.subf %get3A_82, %sub3A_83 : vector<8x10112xf32>
      %mul3A_85 = arith.mulf %sub3A_74, %sub3A_74 : vector<8x10112xf32>
      %mul3A_86 = arith.mulf %sub3A_79, %sub3A_79 : vector<8x10112xf32>
      %mul3A_87 = arith.mulf %sub3A_84, %sub3A_84 : vector<8x10112xf32>
      %add3A_88 = arith.addf %mul3A_86, %mul3A_87 : vector<8x10112xf32>
      %add3A_89 = arith.addf %mul3A_85, %add3A_88 : vector<8x10112xf32>
      %get3A_90 = arith.constant 0 : index
      %get3A_91 = arith.constant 0 : index
      %get3A_92 = vector.load %arg4[%get3A_90, %get3A_91] : memref<8x10112xf32, #tpu.memory_space<vmem>>, vector<8x10112xf32>
      %min3A = arith.minimumf %get3A_92, %add3A_89 : vector<8x10112xf32>
      %swap3A_93 = arith.constant 0 : index
      %swap3A_94 = arith.constant 0 : index
      %swap3A_95 = vector.load %arg4[%swap3A_93, %swap3A_94] : memref<8x10112xf32, #tpu.memory_space<vmem>>, vector<8x10112xf32>
      tpu.vector_store %arg4[%swap3A_93, %swap3A_94], %min3A {strides = array<i32>} : memref<8x10112xf32, #tpu.memory_space<vmem>>, vector<8x10112xf32>,
      %reduce_max3A = arith.constant dense<0xFF800000> : vector<8xf32>
      %reduce_max3A_96 = vector.multi_reduction <maximumf>, %min3A, %reduce_max3A [1] : vector<8x10112xf32> to vector<8xf32>
      %broadcast_in_dim3A_97 = vector.shape_cast %reduce_max3A_96 : vector<8xf32> to vector<8x1xf32>
      %slice3A_98 = vector.extract_strided_slice %broadcast_in_dim3A_97 {offsets = [1, 0], sizes = [7, 1], strides = [1, 1]} : vector<8x1xf32> to vector<7x1xf32>
      %slice3A_99 = vector.extract_strided_slice %broadcast_in_dim3A_97 {offsets = [0, 0], sizes = [1, 1], strides = [1, 1]} : vector<8x1xf32> to vector<1x1xf32>
      %concatenate3A_100 = tpu.concatenate %slice3A_98, %slice3A_99 in 0 : vector<7x1xf32>, vector<1x1xf32> -> vector<8x1xf32>
      %slice3A_101 = vector.extract_strided_slice %broadcast_in_dim3A_97 {offsets = [7, 0], sizes = [1, 1], strides = [1, 1]} : vector<8x1xf32> to vector<1x1xf32>
      %slice3A_102 = vector.extract_strided_slice %broadcast_in_dim3A_97 {offsets = [0, 0], sizes = [7, 1], strides = [1, 1]} : vector<8x1xf32> to vector<7x1xf32>
      %concatenate3A_103 = tpu.concatenate %slice3A_101, %slice3A_102 in 0 : vector<1x1xf32>, vector<7x1xf32> -> vector<8x1xf32>
      %eq3A_104 = arith.constant 0 : i32
      %eq3A_105 = vector.broadcast %eq3A_104 : i32 to vector<8x1xi32>
      %eq3A_106 = arith.cmpi eq, %select_n3A_14, %eq3A_105 : vector<8x1xi32>
      %select_n3A_107 = arith.select %eq3A_106, %concatenate3A_100, %concatenate3A_103 : vector<8x1xi1>, vector<8x1xf32>
      %max3A = arith.maximumf %broadcast_in_dim3A_97, %select_n3A_107 : vector<8x1xf32>
      %eq3A_108 = vector.broadcast %max3A : vector<8x1xf32> to vector<8x10112xf32>
      %eq3A_109 = arith.cmpf oeq, %min3A, %eq3A_108 : vector<8x10112xf32>
      %jit3A_110 = arith.constant 1073741824 : i32
      %broadcast_in_dim3A_111 = vector.broadcast %jit3A_110 : i32 to vector<8x10112xi32>
      %select_n3A_112 = arith.select %eq3A_109, %add3A_18, %broadcast_in_dim3A_111 : vector<8x10112xi1>, vector<8x10112xi32>
      %reduce_min3A = arith.constant dense<2147483647> : vector<8xi32>
      %reduce_min3A_113 = vector.multi_reduction <minsi>, %select_n3A_112, %reduce_min3A [1] : vector<8x10112xi32> to vector<8xi32>
      %broadcast_in_dim3A_114 = vector.shape_cast %reduce_min3A_113 : vector<8xi32> to vector<8x1xi32>
      %slice3A_115 = vector.extract_strided_slice %broadcast_in_dim3A_114 {offsets = [1, 0], sizes = [7, 1], strides = [1, 1]} : vector<8x1xi32> to vector<7x1xi32>
      %slice3A_116 = vector.extract_strided_slice %broadcast_in_dim3A_114 {offsets = [0, 0], sizes = [1, 1], strides = [1, 1]} : vector<8x1xi32> to vector<1x1xi32>
      %concatenate3A_117 = tpu.concatenate %slice3A_115, %slice3A_116 in 0 : vector<7x1xi32>, vector<1x1xi32> -> vector<8x1xi32>
      %slice3A_118 = vector.extract_strided_slice %broadcast_in_dim3A_114 {offsets = [7, 0], sizes = [1, 1], strides = [1, 1]} : vector<8x1xi32> to vector<1x1xi32>
      %slice3A_119 = vector.extract_strided_slice %broadcast_in_dim3A_114 {offsets = [0, 0], sizes = [7, 1], strides = [1, 1]} : vector<8x1xi32> to vector<7x1xi32>
      %concatenate3A_120 = tpu.concatenate %slice3A_118, %slice3A_119 in 0 : vector<1x1xi32>, vector<7x1xi32> -> vector<8x1xi32>
      %eq3A_121 = arith.constant 0 : i32
      %eq3A_122 = vector.broadcast %eq3A_121 : i32 to vector<8x1xi32>
      %eq3A_123 = arith.cmpi eq, %select_n3A_14, %eq3A_122 : vector<8x1xi32>
      %select_n3A_124 = arith.select %eq3A_123, %concatenate3A_117, %concatenate3A_120 : vector<8x1xi1>, vector<8x1xi32>
      %min3A_125 = arith.minsi %broadcast_in_dim3A_114, %select_n3A_124 : vector<8x1xi32>
      %eq3A_126 = vector.broadcast %min3A_125 : vector<8x1xi32> to vector<8x10112xi32>
      %eq3A_127 = arith.cmpi eq, %add3A_18, %eq3A_126 : vector<8x10112xi32>
      %eq3A_128 = vector.broadcast %scan3A_67 : i32 to vector<8x1024xi32>
      %eq3A_129 = arith.cmpi eq, %iota3A_33, %eq3A_128 : vector<8x1024xi32>
      %get3A_130 = arith.constant 0 : index
      %get3A_131 = arith.constant 0 : index
      %get3A_132 = vector.load %arg3[%get3A_130, %get3A_131] : memref<8x1024xi32, #tpu.memory_space<vmem>>, vector<8x1024xi32>
      %broadcast_in_dim3A_133 = vector.shape_cast %min3A_125 : vector<8x1xi32> to vector<8x1xi32>
      %broadcast_in_dim3A_134 = vector.broadcast %broadcast_in_dim3A_133 : vector<8x1xi32> to vector<8x1024xi32>
      %select_n3A_135 = arith.select %eq3A_129, %broadcast_in_dim3A_134, %get3A_132 : vector<8x1024xi1>, vector<8x1024xi32>
      %swap3A_136 = arith.constant 0 : index
      %swap3A_137 = arith.constant 0 : index
      %swap3A_138 = vector.load %arg3[%swap3A_136, %swap3A_137] : memref<8x1024xi32, #tpu.memory_space<vmem>>, vector<8x1024xi32>
      tpu.vector_store %arg3[%swap3A_136, %swap3A_137], %select_n3A_135 {strides = array<i32>} : memref<8x1024xi32, #tpu.memory_space<vmem>>, vector<8x1024xi32>,
      %get3A_139 = arith.constant 0 : index
      %get3A_140 = arith.constant 0 : index
      %get3A_141 = vector.load %arg0[%get3A_139, %get3A_140] : memref<8x10112xf32, #tpu.memory_space<vmem>>, vector<8x10112xf32>
      %broadcast_in_dim3A_142 = vector.broadcast %scan3A : f32 to vector<8x10112xf32>
      %select_n3A_143 = arith.select %eq3A_127, %get3A_141, %broadcast_in_dim3A_142 : vector<8x10112xi1>, vector<8x10112xf32>
      %reduce_max3A_144 = arith.constant dense<0xFF800000> : vector<8xf32>
      %reduce_max3A_145 = vector.multi_reduction <maximumf>, %select_n3A_143, %reduce_max3A_144 [1] : vector<8x10112xf32> to vector<8xf32>
      %broadcast_in_dim3A_146 = vector.shape_cast %reduce_max3A_145 : vector<8xf32> to vector<8x1xf32>
      %slice3A_147 = vector.extract_strided_slice %broadcast_in_dim3A_146 {offsets = [1, 0], sizes = [7, 1], strides = [1, 1]} : vector<8x1xf32> to vector<7x1xf32>
      %slice3A_148 = vector.extract_strided_slice %broadcast_in_dim3A_146 {offsets = [0, 0], sizes = [1, 1], strides = [1, 1]} : vector<8x1xf32> to vector<1x1xf32>
      %concatenate3A_149 = tpu.concatenate %slice3A_147, %slice3A_148 in 0 : vector<7x1xf32>, vector<1x1xf32> -> vector<8x1xf32>
      %slice3A_150 = vector.extract_strided_slice %broadcast_in_dim3A_146 {offsets = [7, 0], sizes = [1, 1], strides = [1, 1]} : vector<8x1xf32> to vector<1x1xf32>
      %slice3A_151 = vector.extract_strided_slice %broadcast_in_dim3A_146 {offsets = [0, 0], sizes = [7, 1], strides = [1, 1]} : vector<8x1xf32> to vector<7x1xf32>
      %concatenate3A_152 = tpu.concatenate %slice3A_150, %slice3A_151 in 0 : vector<1x1xf32>, vector<7x1xf32> -> vector<8x1xf32>
      %eq3A_153 = arith.constant 0 : i32
      %eq3A_154 = vector.broadcast %eq3A_153 : i32 to vector<8x1xi32>
      %eq3A_155 = arith.cmpi eq, %select_n3A_14, %eq3A_154 : vector<8x1xi32>
      %select_n3A_156 = arith.select %eq3A_155, %concatenate3A_149, %concatenate3A_152 : vector<8x1xi1>, vector<8x1xf32>
      %max3A_157 = arith.maximumf %broadcast_in_dim3A_146, %select_n3A_156 : vector<8x1xf32>
      %get3A_158 = arith.constant 0 : index
      %get3A_159 = arith.constant 0 : index
      %get3A_160 = vector.load %arg1[%get3A_158, %get3A_159] : memref<8x10112xf32, #tpu.memory_space<vmem>>, vector<8x10112xf32>
      %broadcast_in_dim3A_161 = vector.broadcast %scan3A : f32 to vector<8x10112xf32>
      %select_n3A_162 = arith.select %eq3A_127, %get3A_160, %broadcast_in_dim3A_161 : vector<8x10112xi1>, vector<8x10112xf32>
      %reduce_max3A_163 = arith.constant dense<0xFF800000> : vector<8xf32>
      %reduce_max3A_164 = vector.multi_reduction <maximumf>, %select_n3A_162, %reduce_max3A_163 [1] : vector<8x10112xf32> to vector<8xf32>
      %broadcast_in_dim3A_165 = vector.shape_cast %reduce_max3A_164 : vector<8xf32> to vector<8x1xf32>
      %slice3A_166 = vector.extract_strided_slice %broadcast_in_dim3A_165 {offsets = [1, 0], sizes = [7, 1], strides = [1, 1]} : vector<8x1xf32> to vector<7x1xf32>
      %slice3A_167 = vector.extract_strided_slice %broadcast_in_dim3A_165 {offsets = [0, 0], sizes = [1, 1], strides = [1, 1]} : vector<8x1xf32> to vector<1x1xf32>
      %concatenate3A_168 = tpu.concatenate %slice3A_166, %slice3A_167 in 0 : vector<7x1xf32>, vector<1x1xf32> -> vector<8x1xf32>
      %slice3A_169 = vector.extract_strided_slice %broadcast_in_dim3A_165 {offsets = [7, 0], sizes = [1, 1], strides = [1, 1]} : vector<8x1xf32> to vector<1x1xf32>
      %slice3A_170 = vector.extract_strided_slice %broadcast_in_dim3A_165 {offsets = [0, 0], sizes = [7, 1], strides = [1, 1]} : vector<8x1xf32> to vector<7x1xf32>
      %concatenate3A_171 = tpu.concatenate %slice3A_169, %slice3A_170 in 0 : vector<1x1xf32>, vector<7x1xf32> -> vector<8x1xf32>
      %eq3A_172 = arith.constant 0 : i32
      %eq3A_173 = vector.broadcast %eq3A_172 : i32 to vector<8x1xi32>
      %eq3A_174 = arith.cmpi eq, %select_n3A_14, %eq3A_173 : vector<8x1xi32>
      %select_n3A_175 = arith.select %eq3A_174, %concatenate3A_168, %concatenate3A_171 : vector<8x1xi1>, vector<8x1xf32>
      %max3A_176 = arith.maximumf %broadcast_in_dim3A_165, %select_n3A_175 : vector<8x1xf32>
      %get3A_177 = arith.constant 0 : index
      %get3A_178 = arith.constant 0 : index
      %get3A_179 = vector.load %arg2[%get3A_177, %get3A_178] : memref<8x10112xf32, #tpu.memory_space<vmem>>, vector<8x10112xf32>
      %broadcast_in_dim3A_180 = vector.broadcast %scan3A : f32 to vector<8x10112xf32>
      %select_n3A_181 = arith.select %eq3A_127, %get3A_179, %broadcast_in_dim3A_180 : vector<8x10112xi1>, vector<8x10112xf32>
      %reduce_max3A_182 = arith.constant dense<0xFF800000> : vector<8xf32>
      %reduce_max3A_183 = vector.multi_reduction <maximumf>, %select_n3A_181, %reduce_max3A_182 [1] : vector<8x10112xf32> to vector<8xf32>
      %broadcast_in_dim3A_184 = vector.shape_cast %reduce_max3A_183 : vector<8xf32> to vector<8x1xf32>
      %slice3A_185 = vector.extract_strided_slice %broadcast_in_dim3A_184 {offsets = [1, 0], sizes = [7, 1], strides = [1, 1]} : vector<8x1xf32> to vector<7x1xf32>
      %slice3A_186 = vector.extract_strided_slice %broadcast_in_dim3A_184 {offsets = [0, 0], sizes = [1, 1], strides = [1, 1]} : vector<8x1xf32> to vector<1x1xf32>
      %concatenate3A_187 = tpu.concatenate %slice3A_185, %slice3A_186 in 0 : vector<7x1xf32>, vector<1x1xf32> -> vector<8x1xf32>
      %slice3A_188 = vector.extract_strided_slice %broadcast_in_dim3A_184 {offsets = [7, 0], sizes = [1, 1], strides = [1, 1]} : vector<8x1xf32> to vector<1x1xf32>
      %slice3A_189 = vector.extract_strided_slice %broadcast_in_dim3A_184 {offsets = [0, 0], sizes = [7, 1], strides = [1, 1]} : vector<8x1xf32> to vector<7x1xf32>
      %concatenate3A_190 = tpu.concatenate %slice3A_188, %slice3A_189 in 0 : vector<1x1xf32>, vector<7x1xf32> -> vector<8x1xf32>
      %eq3A_191 = arith.constant 0 : i32
      %eq3A_192 = vector.broadcast %eq3A_191 : i32 to vector<8x1xi32>
      %eq3A_193 = arith.cmpi eq, %select_n3A_14, %eq3A_192 : vector<8x1xi32>
      %select_n3A_194 = arith.select %eq3A_193, %concatenate3A_187, %concatenate3A_190 : vector<8x1xi1>, vector<8x1xf32>
      %max3A_195 = arith.maximumf %broadcast_in_dim3A_184, %select_n3A_194 : vector<8x1xf32>
      scf.yield %max3A_157, %max3A_176, %max3A_195 : vector<8x1xf32>, vector<8x1xf32>, vector<8x1xf32>
    }
    %scan3A_66 = arith.constant 1023 : i32
    return
  }
}

module attributes {stable_mosaic.version = 14 : i64} {
  func.func @_mlp2_body(%arg0: i32, %arg1: memref<2000x256xf32, #tpu.memory_space<vmem>>, %arg2: memref<2000x256xf32, #tpu.memory_space<vmem>>, %arg3: memref<256x256xf32, #tpu.memory_space<vmem>>, %arg4: memref<1x256xf32, #tpu.memory_space<vmem>>, %arg5: memref<256x256xf32, #tpu.memory_space<vmem>>, %arg6: memref<1x256xf32, #tpu.memory_space<vmem>>, %arg7: memref<2000x256xf32, #tpu.memory_space<vmem>>) attributes {dimension_semantics = [#tpu.dimension_semantics<arbitrary>], iteration_bounds = array<i64: 40>, scalar_prefetch = 0 : i64, scratch_operands = 0 : i64, tpu.core_type = #tpu.core_type<tc>, window_params = [{transform_indices = @transform_0, window_bounds = array<i64: 2000, 256>}, {transform_indices = @transform_1, window_bounds = array<i64: 2000, 256>}, {pipeline_mode = #tpu.pipeline_mode<synchronous>, transform_indices = @transform_2, window_bounds = array<i64: 256, 256>}, {pipeline_mode = #tpu.pipeline_mode<synchronous>, transform_indices = @transform_3, window_bounds = array<i64: 1, 256>}, {pipeline_mode = #tpu.pipeline_mode<synchronous>, transform_indices = @transform_4, window_bounds = array<i64: 256, 256>}, {pipeline_mode = #tpu.pipeline_mode<synchronous>, transform_indices = @transform_5, window_bounds = array<i64: 1, 256>}, {transform_indices = @transform_6, window_bounds = array<i64: 2000, 256>}]} {
    %get3A = arith.constant 0 : index
    %get3A_0 = arith.constant 0 : index
    %get3A_1 = vector.load %arg1[%get3A, %get3A_0] : memref<2000x256xf32, #tpu.memory_space<vmem>>, vector<2000x256xf32>
    %get3A_2 = arith.constant 0 : index
    %get3A_3 = arith.constant 0 : index
    %get3A_4 = vector.load %arg2[%get3A_2, %get3A_3] : memref<2000x256xf32, #tpu.memory_space<vmem>>, vector<2000x256xf32>
    %add3A = arith.addf %get3A_1, %get3A_4 : vector<2000x256xf32>
    %get3A_5 = arith.constant 0 : index
    %get3A_6 = arith.constant 0 : index
    %get3A_7 = vector.load %arg3[%get3A_5, %get3A_6] : memref<256x256xf32, #tpu.memory_space<vmem>>, vector<256x256xf32>
    %dot_general3A = arith.constant dense<0.000000e+00> : vector<2000x256xf32>
    %dot_general3A_8 = tpu.matmul %add3A, %get3A_7, %dot_general3A {dimension_numbers = #tpu.dot_dimension_numbers<[1], [0], [0], [1], [0, 0, 1, 1], [], []>, transpose_lhs_hint = false} : vector<2000x256xf32>, vector<256x256xf32>, vector<2000x256xf32> -> vector<2000x256xf32>
    %get3A_9 = arith.constant 0 : index
    %get3A_10 = arith.constant 0 : index
    %get3A_11 = vector.load %arg4[%get3A_9, %get3A_10] : memref<1x256xf32, #tpu.memory_space<vmem>>, vector<1x256xf32>
    %add3A_12 = vector.broadcast %get3A_11 : vector<1x256xf32> to vector<2000x256xf32>
    %add3A_13 = arith.addf %dot_general3A_8, %add3A_12 : vector<2000x256xf32>
    %max3A = arith.constant 0.000000e+00 : f32
    %max3A_14 = vector.broadcast %max3A : f32 to vector<2000x256xf32>
    %max3A_15 = arith.maximumf %add3A_13, %max3A_14 : vector<2000x256xf32>
    %get3A_16 = arith.constant 0 : index
    %get3A_17 = arith.constant 0 : index
    %get3A_18 = vector.load %arg5[%get3A_16, %get3A_17] : memref<256x256xf32, #tpu.memory_space<vmem>>, vector<256x256xf32>
    %dot_general3A_19 = arith.constant dense<0.000000e+00> : vector<2000x256xf32>
    %dot_general3A_20 = tpu.matmul %max3A_15, %get3A_18, %dot_general3A_19 {dimension_numbers = #tpu.dot_dimension_numbers<[1], [0], [0], [1], [0, 0, 1, 1], [], []>, transpose_lhs_hint = false} : vector<2000x256xf32>, vector<256x256xf32>, vector<2000x256xf32> -> vector<2000x256xf32>
    %get3A_21 = arith.constant 0 : index
    %get3A_22 = arith.constant 0 : index
    %get3A_23 = vector.load %arg6[%get3A_21, %get3A_22] : memref<1x256xf32, #tpu.memory_space<vmem>>, vector<1x256xf32>
    %add3A_24 = vector.broadcast %get3A_23 : vector<1x256xf32> to vector<2000x256xf32>
    %add3A_25 = arith.addf %dot_general3A_20, %add3A_24 : vector<2000x256xf32>
    %swap3A = arith.constant 0 : index
    %swap3A_26 = arith.constant 0 : index
    %swap3A_27 = vector.load %arg7[%swap3A, %swap3A_26] : memref<2000x256xf32, #tpu.memory_space<vmem>>, vector<2000x256xf32>
    tpu.vector_store %arg7[%swap3A, %swap3A_26], %add3A_25 {strides = array<i32>} : memref<2000x256xf32, #tpu.memory_space<vmem>>, vector<2000x256xf32>,
    return
  }
  func.func @transform_0(%arg0: i32) -> (i32, i32) {
    %c0_i32 = arith.constant 0 : i32
    %c0_i32_0 = arith.constant 0 : i32
    return %arg0, %c0_i32 : i32, i32
  }
  func.func @transform_1(%arg0: i32) -> (i32, i32) {
    %c0_i32 = arith.constant 0 : i32
    %c0_i32_0 = arith.constant 0 : i32
    return %arg0, %c0_i32 : i32, i32
  }
  func.func @transform_2(%arg0: i32) -> (i32, i32) {
    %c0_i32 = arith.constant 0 : i32
    %c0_i32_0 = arith.constant 0 : i32
    %c0_i32_1 = arith.constant 0 : i32
    return %c0_i32, %c0_i32_0 : i32, i32
  }
  func.func @transform_3(%arg0: i32) -> (i32, i32) {
    %c0_i32 = arith.constant 0 : i32
    %c0_i32_0 = arith.constant 0 : i32
    %c0_i32_1 = arith.constant 0 : i32
    return %c0_i32, %c0_i32_0 : i32, i32
  }
  func.func @transform_4(%arg0: i32) -> (i32, i32) {
    %c0_i32 = arith.constant 0 : i32
    %c0_i32_0 = arith.constant 0 : i32
    %c0_i32_1 = arith.constant 0 : i32
    return %c0_i32, %c0_i32_0 : i32, i32
  }
  func.func @transform_5(%arg0: i32) -> (i32, i32) {
    %c0_i32 = arith.constant 0 : i32
    %c0_i32_0 = arith.constant 0 : i32
    %c0_i32_1 = arith.constant 0 : i32
    return %c0_i32, %c0_i32_0 : i32, i32
  }
  func.func @transform_6(%arg0: i32) -> (i32, i32) {
    %c0_i32 = arith.constant 0 : i32
    %c0_i32_0 = arith.constant 0 : i32
    return %arg0, %c0_i32 : i32, i32
  }
}

</mosaic_0001>

<sc_bundles>
// kernel: gather_offload_async_start.1
scs
__scs_entry_jumppad:
0x0: {  	(pc) =	sbr.rel $0x88, $3  }
0x1: {  	(tag) =	ssettag $0x0;
	lr =	simm.s32 $0x1  }
0x2: {  	[smem:$0x3F97] =	sst lr;
	_ =	strace $0xD0000000  }
0x3: {  	_ = 	snop  }
0x4: {  	_ = 	snop  }
0x5: {  	_ = 	snop  }
0x6: {  	_ = 	snop  }
0x7: {  	_ = 	snop  }
__scs_overlays_trampoline_lowered:
0x8: {  	[smem:$0x3FA6] =	sst s0  }
0x9: {  	[smem:$0x3FA7] =	sst s1  }
0xa: {  	[smem:$0x3FA8] =	sst s2  }
0xb: {  	[smem:$0x3FA9] =	sst s3  }
0xc: {  	[smem:$0x3FAA] =	sst s4  }
0xd: {  	[smem:$0x3FAB] =	sst s5  }
0xe: {  	[smem:$0x3FAC] =	sst s6  }
0xf: {  	[smem:$0x3FAD] =	sst s7  }
0x10: {  	[smem:$0x3FAE] =	sst s8  }
0x11: {  	[smem:$0x3FAF] =	sst s9;
	s0 =	simm.s32 @!p0 $0x0  }
0x12: {  	s1 =	sld [smem:$0x3F95];
	s0 =	simm.s32 @p0 $0x1  }
0x13: {  	[smem:$0x3FB0] =	sst s0;
	s0 =	simm.s32 @!p1 $0x0  }
0x14: {  	s2 =	sld [smem:$0x3F94];
	s0 =	simm.s32 @p1 $0x1  }
0x15: {  	[smem:$0x3FB1] =	sst s0;
	s0 =	simm.s32 @!p2 $0x0  }
0x16: {  	s3 =	sld [smem:$0x3FDB];
	s0 =	simm.s32 @p2 $0x1  }
0x17: {  	s4 =	simm.s32 $0x1BF5;
	[smem:$0x3FB3] =	sst s0  }
0x18: {  	s0 =	sld [smem:$0x3F96];
	_ =	swait.ge [sflag:s4], $0x0  }
0x19: {  	s7 =	sld [smem:$0x3F97]  }
0x1a: {  	s8 =	sadd.s32 $0xFFFFE003, lr  }
0x1b: {  	s9 =	sadd.s32 $0xFFFFFEF7, lr;
	s5 =	simm.s32 $0xFFFFFFFF;
	p2 =	slt.u32 s8, $0xFFFFF086  }
0x1c: {  	p1 =	slt.u32 s9, $0xF7A;
	s5 =	simm.s32 @!p2 $0x0  }
0x1d: {  	s5 =	simm.s32 @p1 $0x1;
	p0 =	seq.s32 s7, s2  }
0x1e: {  	s7 =	smul.u32 @!p0 $0xF7A, s2;
	p2 =	seq.s32 @!p0 s5, $0x0  }
0x1f: {  	s9 =	smul.u32 $0xF7A, s1;
	s8 =	simm.s32 @!p0 $0x1BF5;
	p2 =	por !p2, p0  }
0x20: {  	[sflag:s8] =	ssyncset.s32 @!p0 $0xFFFFF086;
	s6 =	sadd.s32 @!p0 s3, s7;
	s7 =	simm.s32 @!p0 $0x108  }
0x21: {  	s3 =	sadd.s32 s3, s9;
	s6 =	sadd.s32 @!p0 $0x88, s6;
	s7 =	simm.s32 @p2 $0x1082  }
0x22: {  	[simem:s7], [sflag:s8] =	dma.local @!p0 [hbm:s6], $0xF7A  }
0x23: {  	s9 =	sor.u32 $0xD0000000, s2;
	s6 =	simm.s32 $0x108;
	_ =	swait.ge @!p0 [sflag:s8], $0x0  }
0x24: {  	s3 =	sadd.s32 $0x88, s3;
	s6 =	simm.s32 @!p1 $0x1082;
	[sflag:s4] =	ssyncset.s32 $0xFFFFF086  }
0x25: {  	[simem:s6], [sflag:s4] =	dma.local [hbm:s3], $0xF7A  }
0x26: {  	[smem:$0x3F97] =	sst s1;
	(tag) =	ssettag s2;
	_ =	strace s9  }
0x27: {  	s1 =	sld [smem:$0x3FA7]  }
0x28: {  	s2 =	sld [smem:$0x3FA8]  }
0x29: {  	s4 =	sld [smem:$0x3FAA]  }
0x2a: {  	p0 =	seq.s32 s5, $0x0;
	s5 =	sld [smem:$0x3FAB]  }
0x2b: {  	s6 =	sld [smem:$0x3FAC]  }
0x2c: {  	s7 =	sld [smem:$0x3FAD]  }
0x2d: {  	s3 =	simm.s32 $0x108;
	s8 =	sld [smem:$0x3FAE]  }
0x2e: {  	s3 =	simm.s32 @!p0 $0x1082;
	s9 =	sld [smem:$0x3FAF]  }
0x2f: {  	lr =	sadd.s32 s0, s3;
	s0 =	sld [smem:$0x3FA6]  }
0x30: {  	s3 =	sld [smem:$0x3FA9]  }
0x31: {  	[smem:$0x3FB2] =	sst s10  }
0x32: {  	s10 =	sld [smem:$0x3FB0];
	_ =	sdelay $0x3  }
0x33: {  	p0 =	seq.s32 s10, $0x1;
	s10 =	sld [smem:$0x3FB2];
	_ =	sdelay $0x3  }
0x34: {  	[smem:$0x3FB2] =	sst s10  }
0x35: {  	s10 =	sld [smem:$0x3FB1];
	_ =	sdelay $0x3  }
0x36: {  	p1 =	seq.s32 s10, $0x1;
	s10 =	sld [smem:$0x3FB2];
	_ =	sdelay $0x3  }
0x37: {  	[smem:$0x3FB2] =	sst s10  }
0x38: {  	s10 =	sld [smem:$0x3FB3]  }
0x39: {  	_ = 	snop;
	(pc) =	sbr.ind lr, $3  }
0x3a: {  	_ = 	snop  }
0x3b: {  	_ = 	snop  }
0x3c: {  	p2 =	seq.s32 s10, $0x1;
	s10 =	sld [smem:$0x3FB2]  }
0x3d: {  	_ =	shalt  }
0x3e: {  	_ =	shalt  }
0x3f: {  	_ =	shalt  }
0x40: {  	_ =	shalt  }
0x41: {  	_ =	shalt  }
0x42: {  	_ =	shalt  }
0x43: {  	_ =	shalt  }
0x44: {  	_ =	shalt  }
0x45: {  	_ =	shalt  }
0x46: {  	_ =	shalt  }
0x47: {  	_ =	shalt  }
0x48: {  	_ =	shalt  }
0x49: {  	_ =	shalt  }
0x4a: {  	_ =	shalt  }
0x4b: {  	_ =	shalt  }
0x4c: {  	_ =	shalt  }
0x4d: {  	_ =	shalt  }
0x4e: {  	_ =	shalt  }
0x4f: {  	_ =	shalt  }
0x50: {  	_ =	shalt  }
0x51: {  	_ =	shalt  }
0x52: {  	_ =	shalt  }
0x53: {  	_ =	shalt  }
0x54: {  	_ =	shalt  }
0x55: {  	_ =	shalt  }
0x56: {  	_ =	shalt  }
0x57: {  	_ =	shalt  }
0x58: {  	_ =	shalt  }
0x59: {  	_ =	shalt  }
0x5a: {  	_ =	shalt  }
0x5b: {  	_ =	shalt  }
0x5c: {  	_ =	shalt  }
0x5d: {  	_ =	shalt  }
0x5e: {  	_ =	shalt  }
0x5f: {  	_ =	shalt  }
0x60: {  	_ =	shalt  }
0x61: {  	_ =	shalt  }
0x62: {  	_ =	shalt  }
0x63: {  	_ =	shalt  }
0x64: {  	_ =	shalt  }
0x65: {  	_ =	shalt  }
0x66: {  	_ =	shalt  }
0x67: {  	_ =	shalt  }
0x68: {  	_ =	shalt  }
0x69: {  	_ =	shalt  }
0x6a: {  	_ =	shalt  }
0x6b: {  	_ =	shalt  }
0x6c: {  	_ =	shalt  }
0x6d: {  	_ =	shalt  }
0x6e: {  	_ =	shalt  }
0x6f: {  	_ =	shalt  }
0x70: {  	_ =	shalt  }
0x71: {  	_ =	shalt  }
0x72: {  	_ =	shalt  }
0x73: {  	_ =	shalt  }
0x74: {  	_ =	shalt  }
0x75: {  	_ =	shalt  }
0x76: {  	_ =	shalt  }
0x77: {  	_ =	shalt  }
0x78: {  	_ =	shalt  }
0x79: {  	_ =	shalt  }
0x7a: {  	_ =	shalt  }
0x7b: {  	_ =	shalt  }
0x7c: {  	_ =	shalt  }
0x7d: {  	_ =	shalt  }
0x7e: {  	_ =	shalt  }
0x7f: {  	_ =	shalt  }
0x80: {  	_ =	shalt  }
0x81: {  	_ =	shalt  }
0x82: {  	_ =	shalt  }
0x83: {  	_ =	shalt  }
0x84: {  	_ =	shalt  }
0x85: {  	_ =	shalt  }
0x86: {  	_ =	shalt  }
0x87: {  	_ =	shalt  }
.Lfunc_end0:
.L_simem_size_0:
called_computation.3_lowered:
.L_overlay_start_0:
0x88: {  	s2 =	sld [smem:$0x3FD9]  }
0x89: {  	s3 =	sld [smem:$0x3FFE];
	_ =	sdelay $0x1  }
0x8a: {  	s1 =	srdreg.scid  }
0x8b: {  	s0 =	sand.u32 $0x1, s1  }
0x8c: {  	s16 =	sshll.u32 s0, $0xA;
	s2 =	sadd.s32 s3, s2  }
0x8d: {  	s2 =	sadd.s32 s2, s16  }
0x8e: {  	[smem:$0x3FBE] =	sst s2  }
0x8f: {  	_ = 	snop  }
0x90: {  	(tm) =	ssettm $0x1  }
0x91: {  	s17 =	sld [smem:$0x3FFB];
	_ =	sdelay $0x3  }
0x92: {  	_ =	strace s17  }
0x93: {  	s2 =	sld [smem:$0x3FFC];
	_ =	sdelay $0x3  }
0x94: {  	_ =	strace s2  }
0x95: {  	s2 =	sld [smem:$0x3FFD];
	_ =	sdelay $0x3  }
0x96: {  	_ =	strace s2  }
0x97: {  	_ =	strace $0x8FFFFFFF  }
0x98: {  	s18 =	sld [smem:$0x3FDB];
	_ =	sdelay $0x1  }
0x99: {  	s19 =	simm.s32 $_scs_section_size  }
0x9a: {  	s4 =	simm.s32 $_size__tile_overlayer_lowered;
	s5 =	simm.s32 $_tile_overlayer_lowered  }
0x9b: {  	s22 =	simm.s32 $0x1BFF;
	s21 =	sshll.u32 s5, $0x1;
	s2 =	sadd.s32 s19, s18  }
0x9c: {  	s6 =	simm.s32 $0x0;
	s20 =	sshll.u32 s4, $0x1;
	s4 =	sadd.s32 s21, s2  }
0x9d: {  	[timem:s6], [sflag:s22] =	dma.local [hbm:s4], s20  }
0x9e: {  	_ =	swait.ge [sflag:s22], s20  }
0x9f: {  	s3 =	ssub.s32 $0x0, s20;
	[sflag:s22] =	ssyncset.done $0x0  }
0xa0: {  	[sflag:s22] =	ssyncadd.s32 s3;
	_ =	sdelay $0x1  }
0xa1: {  	s23 =	simm.s32 $0x1B8B  }
0xa2: {  	_ =	swait.ge [sflag:s23], $0x1  }
0xa3: {  	[sflag:s23] =	ssyncset.done $0x0  }
0xa4: {  	s25 =	simm.s32 $0x1B8E;
	s24 =	sld [smem:$0x3FFE];
	[sflag:s23] =	ssyncadd.s32 $0xFFFFFFFF  }
0xa5: {  	s26 =	simm.s32 $execute0_lowered;
	[smem:$0x3FD2] =	sst s25  }
0xa6: {  	s4 =	sshll.u32 s26, $0x1;
	_ =	strace $0x80000046;
	[dreg:$0x1] =	wrdreg $0xFFFFFFFF  }
0xa7: {  	s28 =	simm.s32 $_size_execute0_lowered;
	s2 =	sadd.s32 s2, s4;
	[dreg:$0x0] =	wrdreg $0x0  }
0xa8: {  	s4 =	sshll.u32 s28, $0x1;
	[dreg:$0x2] =	wrdreg s2  }
0xa9: {  	[dreg:$0x3] =	wrdreg s4  }
0xaa: {  	[dreg:$0x4] =	wrdreg $0xC0  }
0xab: {  	_ =	task [dreg:s6], $0x5FFFF  }
0xac: {  	[dreg:$0x1] =	wrdreg $0xFFFFFFFF  }
0xad: {  	[dreg:$0x0] =	wrdreg $0x60  }
0xae: {  	[dreg:$0x2] =	wrdreg s24  }
0xaf: {  	[dreg:$0x3] =	wrdreg $0x9  }
0xb0: {  	_ =	task.clear_ibuf [dreg:s6], $0x4FFFF;
	_ =	strace $0x90000046  }
0xb1: {  	s29 =	simm.s32 $0x9;
	_ =	strace $0x80000048  }
0xb2: {  	_ =	swait.ge [sflag:s29], $0x1  }
0xb3: {  	[sflag:s29] =	ssyncadd.s32 $0xFFFFFFFF  }
0xb4: {  	_ =	strace $0x90000048  }
0xb5: {  	_ =	sfence  }
0xb6: {  	s30 =	sld [smem:$0x0];
	_ =	sdelay $0x2  }
0xb7: {  	s31 =	sshll.u32 s1, $0xD;
	s1 =	sshrl.u32 s1, $0x2  }
0xb8: {  	s3 =	sand.u32 $0x4000, s31;
	s1 =	sadd.s32 s1, s30  }
0xb9: {  	s0 =	sor.u32 s3, s0;
	s1 =	sshll.u32 s1, $0x11  }
0xba: {  	s0 =	sor.u32 s1, s0  }
0xbb: {  	s0 =	sadd.s32 $0x8F2B, s0  }
0xbc: {  	[sflag:s0] =	ssyncadd.remote.s32 $0x1  }
0xbd: {  	_ =	sfence.sel $0xFFFF  }
0xbe: {  	[dreg:$0x0] =	wrdreg $0xFFFFFFFF;
	(pc) =	sbr.abs _section_cstart, $3  }
0xbf: {  	[dreg:$0x1] =	wrdreg $0xFFFFFFFF  }
0xc0: {  	_ =	task.clear_ibuf [dreg:s6], $0x2FFFF;
	_ =	strace $0x9FFFFFFF  }
0xc1: {  	(tm) =	ssettm $0x7FFFFFFF  }
tec
execute0_lowered:
.L_overlay_start_1:
0x0: {  	(tag) =	ssettag $0x1  }
0x1: {  	s2 =	rddreg [dreg:$0x0]  }
0x2: {  	s0 =	rddreg [dreg:$0x1];
	s1 =	stileid.u32  }
0x3: {  	s3 =	srdreg.scid;
	_ =	strace $0x80000047;
	s4 =	simm.s32 $0x1  }
0x4: {  	s7 =	simm.s32 $0x1;
	s8 =	simm.s32 $0x1;
	s9 =	simm.s32 $0x3  }
0x5: {  	s10 =	simm.s32 $0x0;
	s5 =	sand.u32 $0x1, s3;
	s6 =	sshll.u32 s1, $0x1  }
0x6: {  	s13 =	simm.s32 $0x0;
	s12 =	simm.s32 $0x0;
	s5 =	sor.u32 s6, s5  }
.Ltmp0:
0x7: {  	[sflag:s4] =	ssyncpa.u1 $0x0;
	p0 =	slt.u32 s5, $0x9;
	(pc) =	sbr.rel .LBB2_1-.Ltmp0, $4  }
0x8: {  	s6 =	simm.s32 $0x2;
	s7 =	simm.s32 @!p0 $0x0;
	p0 =	sne.s32 s5, $0x8  }
0x9: {  	[sflag:s6] =	ssyncpa.u1 $0x0;
	s5 =	smul.u32 $0x7D0, s5;
	s8 =	simm.s32 @!p0 $0x0  }
0xa: {  	s3 =	sadd.s32 $0x2800, s2;
	[sflag:s9] =	ssyncpa.u1 $0x0;
	s7 =	sadd.s32 s8, s7  }
0xb: {  	vm0 =	vmmov $0xffff;
	s8 =	sadd.s32 $0x13D800, s2;
	s11 =	smov.u32 s5;
	s9 =	sadd.s32 $0x1, s7  }
.LBB2_4:
0xc: {  	v2 =	vnsel vm1, $0x0, v2  }
0xd: {  	vm1 =	vgt.s32 v0, $0x0;
	v2 =	vmin.u32 v2, $0x1387F  }
0xe: {  	v0 =	vnsel vm1, $0x0, v0  }
0xf: {  	v0 =	vmin.u32 v0, $0x1387F  }
0x10: {  	[tilespmem:s18], [sflag:$0x1] =	stream.indirect_vreg.gather [hbm4b:s2+s10], $0x1, v1, vm0, $0x4038;
	[tilespmem:$0x1F40] =	vst v63  }
0x11: {  	(ifvalue) =	ssetifvalue $0x7FFFFFFF  }
0x12: {  	[tilespmem:s15], [sflag:$0x1] =	stream.indirect_vreg.gather [hbm4b:s2+s10], $0x1, v2, vm0, $0x4038;
	[tilespmem:$0x1F40] =	vst v63  }
0x13: {  	s29 =	sadd.s32 $0x10, s15;
	(ifvalue) =	ssetifvalue $0x7FFFFFFF  }
0x14: {  	[tilespmem:s29], [sflag:$0x1] =	stream.indirect_vreg.gather [hbm4b:s2+s10], $0x1, v0, vm0, $0x4038;
	[tilespmem:$0x1F40] =	vst v63  }
0x15: {  	_ =	swait.ge [sflag:s4], $0x7D0  }
0x16: {  	s30 =	sshrl.u32 s13, $0x3;
	[sflag:s4] =	ssyncset.done $0x0  }
0x17: {  	s31 =	sand.u32 $0x7, s13;
	s15 =	sadd.s32 s8, s30;
	[sflag:s4] =	ssyncadd.s32 $0xFFFFF830  }
0x18: {  	[hbm4b:s15+s31] =	stream.linear.scatter [tilespmem:s14], [sflag:$0x3], $0x7D0, $0x38;
	[tilespmem:$0x1F40] =	vst v63  }
.LBB2_5:
0x19: {  	s15 =	sadd.s32 $0xFA00, s11  }
0x1a: {  	p1 =	sgt.s32 s15, $0x1387F  }
0x1b: {  	s15 =	smov.u32 @p1 s5;
	p1 =	sne.s32 s12, s9  }
.Ltmp1:
0x1c: {  	p0 =	slt.u32 s12, $0x2;
	(pc) =	sbr.rel @!p1 .LBB2_6-.Ltmp1, $4  }
0x1d: {  	s14 =	simm.s32 @!p0 $0x3  }
0x1e: {  	_ =	swait.ge @!p0 [sflag:s14], $0x7D0  }
0x1f: {  	s16 =	sadd.s32 $0x1, s12;
	s13 =	smov.u32 s11;
	[sflag:s14] =	ssyncset.done @!p0 $0x0  }
0x20: {  	s12 =	smov.u32 s16;
	s11 =	smov.u32 s15;
	[sflag:s14] =	ssyncadd.s32 @!p0 $0xFFFFF830  }
.LBB2_1:
0x21: {  	p0 =	sge.u32 s12, s7  }
0x22: {  	s14 =	sxor.u32 @!p0 $0x1, s12  }
0x23: {  	s14 =	smul.u32 @!p0 $0x1F40, s14  }
0x24: {  	s31 =	sadd.s32 $0xFFFFFFFF, s12;
	s15 =	sshrl.u32 @!p0 s11, $0x3  }
0x25: {  	s16 =	sand.u32 @!p0 $0x7, s11;
	s15 =	sadd.s32 @!p0 s3, s15;
	s14 =	sshra.s32 @!p0 s14, $0x2  }
0x26: {  	[tilespmem:s14], [sflag:$0x2] =	stream.linear.gather @!p0 [hbm4b:s15+s16], $0x7D0, $0x38;
	[tilespmem:$0x1F40] =	vst v63  }
0x27: {  	p0 =	sge.u32 s31, s7  }
.Ltmp2:
0x28: {  	_ = 	snop;
	(pc) =	sbr.rel @p0 .LBB2_5-.Ltmp2, $1  }
0x29: {  	_ =	sdelay $0x3  }
0x2a: {  	s14 =	sand.u32 $0x1, s12  }
0x2b: {  	_ =	swait.ge [sflag:s6], $0x7D0;
	p0 =	seq.s32 s14, $0x1;
	s14 =	simm.s32 $0x7D0  }
0x2c: {  	[sflag:s6] =	ssyncset.done $0x0;
	s14 =	simm.s32 @!p0 $0x0  }
0x2d: {  	[sflag:s6] =	ssyncadd.s32 $0xFFFFF830;
	(ifvalue) =	ssetifvalue $0x7FFFFFFF;
	v0 =	vld.msk [tilespmem:s14+$0x0 ss:$0x1], $0xffff;
	_ =	sdelay $0x4  }
0x2e: {  	s15 =	sadd.s32 $0x10, s14;
	vm1 =	vgt.s32 v0, $0x0  }
0x2f: {  	v2 =	vld.msk [tilespmem:s15+$0x0 ss:$0x1], $0xffff;
	v1 =	vnsel vm1, $0x0, v0  }
0x30: {  	v1 =	vmin.u32 v1, $0x1387F;
	_ =	sdelay $0x2  }
0x31: {  	s17 =	simm.s32 $0x20;
	s14 =	sadd.s32 $0xFA0, s14;
	s16 =	sadd.s32 $0x10, s15  }
0x32: {  	s15 =	sadd.s32 $0x10, s14;
	s18 =	smov.u32 s14;
	v0 =	vld.msk [tilespmem:s16+$0x0 ss:$0x1], $0xffff;
	vm1 =	vgt.s32 v2, $0x0;
	(ifvalue) =	ssetifvalue $0x7FFFFFFF  }
.LBB2_3:
0x33: {  	[tilespmem:s18], [sflag:$0x1] =	stream.indirect_vreg.gather [hbm4b:s2+s10], $0x1, v1, vm0, $0x4038;
	[tilespmem:$0x1F40] =	vst v63  }
0x34: {  	s17 =	sadd.s32 $0x10, s17  }
0x35: {  	v2 =	vnsel vm1, $0x0, v2;
	p0 =	slt.u32 s17, $0x7C0  }
.Ltmp3:
0x36: {  	s18 =	smov.u32 s15;
	v1 =	vmin.u32 v2, $0x1387F;
	(pc) =	sbr.rel @p0 .LBB2_3-.Ltmp3, $3  }
0x37: {  	_ =	sdelay $0x1  }
0x38: {  	s16 =	sadd.s32 $0x10, s16  }
0x39: {  	vm1 =	vgt.s32 v0, $0x0;
	s15 =	sadd.s32 $0x10, s15;
	v2 =	vmov v0;
	(ifvalue) =	ssetifvalue $0x7FFFFFFF;
	v0 =	vld.msk [tilespmem:s16+$0x0 ss:$0x1], $0xffff  }
.Ltmp4:
0x3a: {  	_ = 	snop;
	(pc) =	sbr.rel .LBB2_4-.Ltmp4, $1  }
0x3b: {  	_ =	sdelay $0x3  }
.LBB2_6:
0x3c: {  	_ =	sfence.sel $0x180000  }
0x3d: {  	s2 =	simm.s32 $0x2;
	[bflag:$0x0] =	sbarrier.arrive $0xFFFF  }
0x3e: {  	s30 =	simm.s32 $0x3;
	[sflag:s2] =	ssyncpa.u1 $0x1  }
0x3f: {  	s31 =	simm.s32 $0x1;
	[sflag:s30] =	ssyncpa.u1 $0x1  }
0x40: {  	[sflag:s31] =	ssyncpa.u1 $0x1  }
0x41: {  	p0 =	sne.s32 s1, $0x0;
	_ =	strace $0x90000047  }
0x42: {  	s0 =	sadd.s32 @!p0 $0x100000, s0;
	[bflag:$0x2] =	sbarrier.arrive $0xFFFF  }
0x43: {  	[sflag:s0] =	ssyncadd.tile.s32 @!p0 $0x1;
	_ =	shalt  }
.Lfunc_end2:
_tile_overlayer_lowered:
.L_overlay_start_2:
0x44: {  	(tag) =	ssettag $0x2  }
0x45: {  	s0 =	rddreg [dreg:$0x0];
	s2 =	stileid.u32  }
0x46: {  	s1 =	rddreg [dreg:$0x1];
	p0 =	sne.s32 s2, $0x0  }
0x47: {  	s3 =	rddreg [dreg:$0x2];
	[bflag:$0x3] =	sbarrier.arrive $0xFFFF;
	s2 =	simm.s32 @!p0 $0x1C01  }
0x48: {  	[timem:s3], [sflag:s2] =	dma.local @!p0 [hbm:s0], s1  }
0x49: {  	s0 =	simm.s32 @!p0 $0x1  }
0x4a: {  	_ =	swait.ge @!p0 [sflag:s0], s1  }
0x4b: {  	s1 =	ssub.s32 @!p0 $0x0, s1;
	[sflag:s0] =	ssyncset.done @!p0 $0x0  }
0x4c: {  	[sflag:s0] =	ssyncadd.s32 @!p0 s1  }
0x4d: {  	[bflag:$0x3] =	sbarrier.arrive $0xFFFF  }
0x4e: {  	_ =	shalt  }

// kernel: gather_offload_async_start.2
scs
__scs_entry_jumppad:
0x0: {  	(pc) =	sbr.rel $0x88, $3  }
0x1: {  	(tag) =	ssettag $0x0;
	lr =	simm.s32 $0x1  }
0x2: {  	[smem:$0x3F97] =	sst lr;
	_ =	strace $0xD0000000  }
0x3: {  	_ = 	snop  }
0x4: {  	_ = 	snop  }
0x5: {  	_ = 	snop  }
0x6: {  	_ = 	snop  }
0x7: {  	_ = 	snop  }
__scs_overlays_trampoline_lowered:
0x8: {  	[smem:$0x3FA6] =	sst s0  }
0x9: {  	[smem:$0x3FA7] =	sst s1  }
0xa: {  	[smem:$0x3FA8] =	sst s2  }
0xb: {  	[smem:$0x3FA9] =	sst s3  }
0xc: {  	[smem:$0x3FAA] =	sst s4  }
0xd: {  	[smem:$0x3FAB] =	sst s5  }
0xe: {  	[smem:$0x3FAC] =	sst s6  }
0xf: {  	[smem:$0x3FAD] =	sst s7  }
0x10: {  	[smem:$0x3FAE] =	sst s8  }
0x11: {  	[smem:$0x3FAF] =	sst s9;
	s0 =	simm.s32 @!p0 $0x0  }
0x12: {  	s1 =	sld [smem:$0x3F95];
	s0 =	simm.s32 @p0 $0x1  }
0x13: {  	[smem:$0x3FB0] =	sst s0;
	s0 =	simm.s32 @!p1 $0x0  }
0x14: {  	s2 =	sld [smem:$0x3F94];
	s0 =	simm.s32 @p1 $0x1  }
0x15: {  	[smem:$0x3FB1] =	sst s0;
	s0 =	simm.s32 @!p2 $0x0  }
0x16: {  	s3 =	sld [smem:$0x3FDB];
	s0 =	simm.s32 @p2 $0x1  }
0x17: {  	s4 =	simm.s32 $0x1BF5;
	[smem:$0x3FB3] =	sst s0  }
0x18: {  	s0 =	sld [smem:$0x3F96];
	_ =	swait.ge [sflag:s4], $0x0  }
0x19: {  	s7 =	sld [smem:$0x3F97]  }
0x1a: {  	s8 =	sadd.s32 $0xFFFFE003, lr  }
0x1b: {  	s9 =	sadd.s32 $0xFFFFFEF7, lr;
	s5 =	simm.s32 $0xFFFFFFFF;
	p2 =	slt.u32 s8, $0xFFFFF086  }
0x1c: {  	p1 =	slt.u32 s9, $0xF7A;
	s5 =	simm.s32 @!p2 $0x0  }
0x1d: {  	s5 =	simm.s32 @p1 $0x1;
	p0 =	seq.s32 s7, s2  }
0x1e: {  	s7 =	smul.u32 @!p0 $0xF7A, s2;
	p2 =	seq.s32 @!p0 s5, $0x0  }
0x1f: {  	s9 =	smul.u32 $0xF7A, s1;
	s8 =	simm.s32 @!p0 $0x1BF5;
	p2 =	por !p2, p0  }
0x20: {  	[sflag:s8] =	ssyncset.s32 @!p0 $0xFFFFF086;
	s6 =	sadd.s32 @!p0 s3, s7;
	s7 =	simm.s32 @!p0 $0x108  }
0x21: {  	s3 =	sadd.s32 s3, s9;
	s6 =	sadd.s32 @!p0 $0x88, s6;
	s7 =	simm.s32 @p2 $0x1082  }
0x22: {  	[simem:s7], [sflag:s8] =	dma.local @!p0 [hbm:s6], $0xF7A  }
0x23: {  	s9 =	sor.u32 $0xD0000000, s2;
	s6 =	simm.s32 $0x108;
	_ =	swait.ge @!p0 [sflag:s8], $0x0  }
0x24: {  	s3 =	sadd.s32 $0x88, s3;
	s6 =	simm.s32 @!p1 $0x1082;
	[sflag:s4] =	ssyncset.s32 $0xFFFFF086  }
0x25: {  	[simem:s6], [sflag:s4] =	dma.local [hbm:s3], $0xF7A  }
0x26: {  	[smem:$0x3F97] =	sst s1;
	(tag) =	ssettag s2;
	_ =	strace s9  }
0x27: {  	s1 =	sld [smem:$0x3FA7]  }
0x28: {  	s2 =	sld [smem:$0x3FA8]  }
0x29: {  	s4 =	sld [smem:$0x3FAA]  }
0x2a: {  	p0 =	seq.s32 s5, $0x0;
	s5 =	sld [smem:$0x3FAB]  }
0x2b: {  	s6 =	sld [smem:$0x3FAC]  }
0x2c: {  	s7 =	sld [smem:$0x3FAD]  }
0x2d: {  	s3 =	simm.s32 $0x108;
	s8 =	sld [smem:$0x3FAE]  }
0x2e: {  	s3 =	simm.s32 @!p0 $0x1082;
	s9 =	sld [smem:$0x3FAF]  }
0x2f: {  	lr =	sadd.s32 s0, s3;
	s0 =	sld [smem:$0x3FA6]  }
0x30: {  	s3 =	sld [smem:$0x3FA9]  }
0x31: {  	[smem:$0x3FB2] =	sst s10  }
0x32: {  	s10 =	sld [smem:$0x3FB0];
	_ =	sdelay $0x3  }
0x33: {  	p0 =	seq.s32 s10, $0x1;
	s10 =	sld [smem:$0x3FB2];
	_ =	sdelay $0x3  }
0x34: {  	[smem:$0x3FB2] =	sst s10  }
0x35: {  	s10 =	sld [smem:$0x3FB1];
	_ =	sdelay $0x3  }
0x36: {  	p1 =	seq.s32 s10, $0x1;
	s10 =	sld [smem:$0x3FB2];
	_ =	sdelay $0x3  }
0x37: {  	[smem:$0x3FB2] =	sst s10  }
0x38: {  	s10 =	sld [smem:$0x3FB3]  }
0x39: {  	_ = 	snop;
	(pc) =	sbr.ind lr, $3  }
0x3a: {  	_ = 	snop  }
0x3b: {  	_ = 	snop  }
0x3c: {  	p2 =	seq.s32 s10, $0x1;
	s10 =	sld [smem:$0x3FB2]  }
0x3d: {  	_ =	shalt  }
0x3e: {  	_ =	shalt  }
0x3f: {  	_ =	shalt  }
0x40: {  	_ =	shalt  }
0x41: {  	_ =	shalt  }
0x42: {  	_ =	shalt  }
0x43: {  	_ =	shalt  }
0x44: {  	_ =	shalt  }
0x45: {  	_ =	shalt  }
0x46: {  	_ =	shalt  }
0x47: {  	_ =	shalt  }
0x48: {  	_ =	shalt  }
0x49: {  	_ =	shalt  }
0x4a: {  	_ =	shalt  }
0x4b: {  	_ =	shalt  }
0x4c: {  	_ =	shalt  }
0x4d: {  	_ =	shalt  }
0x4e: {  	_ =	shalt  }
0x4f: {  	_ =	shalt  }
0x50: {  	_ =	shalt  }
0x51: {  	_ =	shalt  }
0x52: {  	_ =	shalt  }
0x53: {  	_ =	shalt  }
0x54: {  	_ =	shalt  }
0x55: {  	_ =	shalt  }
0x56: {  	_ =	shalt  }
0x57: {  	_ =	shalt  }
0x58: {  	_ =	shalt  }
0x59: {  	_ =	shalt  }
0x5a: {  	_ =	shalt  }
0x5b: {  	_ =	shalt  }
0x5c: {  	_ =	shalt  }
0x5d: {  	_ =	shalt  }
0x5e: {  	_ =	shalt  }
0x5f: {  	_ =	shalt  }
0x60: {  	_ =	shalt  }
0x61: {  	_ =	shalt  }
0x62: {  	_ =	shalt  }
0x63: {  	_ =	shalt  }
0x64: {  	_ =	shalt  }
0x65: {  	_ =	shalt  }
0x66: {  	_ =	shalt  }
0x67: {  	_ =	shalt  }
0x68: {  	_ =	shalt  }
0x69: {  	_ =	shalt  }
0x6a: {  	_ =	shalt  }
0x6b: {  	_ =	shalt  }
0x6c: {  	_ =	shalt  }
0x6d: {  	_ =	shalt  }
0x6e: {  	_ =	shalt  }
0x6f: {  	_ =	shalt  }
0x70: {  	_ =	shalt  }
0x71: {  	_ =	shalt  }
0x72: {  	_ =	shalt  }
0x73: {  	_ =	shalt  }
0x74: {  	_ =	shalt  }
0x75: {  	_ =	shalt  }
0x76: {  	_ =	shalt  }
0x77: {  	_ =	shalt  }
0x78: {  	_ =	shalt  }
0x79: {  	_ =	shalt  }
0x7a: {  	_ =	shalt  }
0x7b: {  	_ =	shalt  }
0x7c: {  	_ =	shalt  }
0x7d: {  	_ =	shalt  }
0x7e: {  	_ =	shalt  }
0x7f: {  	_ =	shalt  }
0x80: {  	_ =	shalt  }
0x81: {  	_ =	shalt  }
0x82: {  	_ =	shalt  }
0x83: {  	_ =	shalt  }
0x84: {  	_ =	shalt  }
0x85: {  	_ =	shalt  }
0x86: {  	_ =	shalt  }
0x87: {  	_ =	shalt  }
.Lfunc_end0:
.L_simem_size_0:
called_computation.4_lowered:
.L_overlay_start_0:
0x88: {  	s2 =	sld [smem:$0x3FD9]  }
0x89: {  	s3 =	sld [smem:$0x3FFE];
	_ =	sdelay $0x1  }
0x8a: {  	s1 =	srdreg.scid  }
0x8b: {  	s0 =	sand.u32 $0x1, s1  }
0x8c: {  	s17 =	sshll.u32 s0, $0xA;
	s2 =	sadd.s32 s3, s2  }
0x8d: {  	s2 =	sadd.s32 s2, s17  }
0x8e: {  	[smem:$0x3FBE] =	sst s2  }
0x8f: {  	_ = 	snop  }
0x90: {  	(tm) =	ssettm $0x1  }
0x91: {  	s18 =	sld [smem:$0x3FFB];
	_ =	sdelay $0x3  }
0x92: {  	_ =	strace s18  }
0x93: {  	s2 =	sld [smem:$0x3FFC];
	_ =	sdelay $0x3  }
0x94: {  	_ =	strace s2  }
0x95: {  	s2 =	sld [smem:$0x3FFD];
	_ =	sdelay $0x3  }
0x96: {  	_ =	strace s2  }
0x97: {  	_ =	strace $0x8FFFFFFF  }
0x98: {  	s19 =	sld [smem:$0x3FDB];
	_ =	sdelay $0x1  }
0x99: {  	s20 =	simm.s32 $_scs_section_size  }
0x9a: {  	s4 =	simm.s32 $_size__tile_overlayer_lowered;
	s5 =	simm.s32 $_tile_overlayer_lowered  }
0x9b: {  	s6 =	simm.s32 $0x1BFF;
	s21 =	sshll.u32 s5, $0x1;
	s3 =	sadd.s32 s20, s19  }
0x9c: {  	s22 =	simm.s32 $0x0;
	s4 =	sshll.u32 s4, $0x1;
	s5 =	sadd.s32 s21, s3  }
0x9d: {  	[timem:s22], [sflag:s6] =	dma.local [hbm:s5], s4  }
0x9e: {  	_ =	swait.ge [sflag:s6], s4  }
0x9f: {  	s4 =	ssub.s32 $0x0, s4;
	[sflag:s6] =	ssyncset.done $0x0  }
0xa0: {  	[sflag:s6] =	ssyncadd.s32 s4;
	_ =	sdelay $0x1  }
0xa1: {  	s23 =	simm.s32 $0x1B8B  }
0xa2: {  	_ =	swait.ge [sflag:s23], $0x1  }
0xa3: {  	[sflag:s23] =	ssyncset.done $0x0  }
0xa4: {  	[sflag:s23] =	ssyncadd.s32 $0xFFFFFFFF  }
0xa5: {  	s4 =	sld [smem:$0x0]  }
0xa6: {  	s5 =	sand.u32 $0xFFFFFFFE, s1  }
0xa7: {  	p0 =	sne.s32 s1, s5  }
0xa8: {  	s5 =	sshll.u32 @p0 s5, $0xE  }
0xa9: {  	s5 =	sadd.s32 @p0 $0x11B8D, s5;
	s6 =	sshll.u32 @p0 s4, $0x11  }
0xaa: {  	s5 =	sor.u32 @p0 s6, s5  }
0xab: {  	[sflag:s5] =	ssyncadd.remote.s32 @p0 $0x1;
	_ =	sdelay $0x1  }
0xac: {  	s5 =	simm.s32 @p0 $0x1B8D  }
0xad: {  	_ =	swait.eq @p0 [sflag:s5], $0x1  }
0xae: {  	[sflag:s5] =	ssyncadd.s32 @p0 $0xFFFFFFFF  }
0xaf: {  	s6 =	sshll.u32 @!p0 s1, $0xE  }
0xb0: {  	s6 =	sor.u32 @!p0 $0x4000, s6;
	s5 =	simm.s32 @!p0 $0x1B8D  }
0xb1: {  	s4 =	sshll.u32 @!p0 s4, $0x11;
	s6 =	sadd.s32 @!p0 $0x11B8D, s6;
	_ =	swait.eq @!p0 [sflag:s5], $0x1  }
0xb2: {  	s4 =	sor.u32 @!p0 s4, s6;
	[sflag:s5] =	ssyncadd.s32 @!p0 $0xFFFFFFFF  }
0xb3: {  	s25 =	simm.s32 $0x1B8E;
	s24 =	sld [smem:$0x3FFE];
	[sflag:s4] =	ssyncadd.remote.s32 @!p0 $0x1  }
0xb4: {  	s26 =	simm.s32 $execute0_lowered;
	[smem:$0x3FD2] =	sst s25  }
0xb5: {  	s5 =	sshll.u32 s26, $0x1;
	_ =	strace $0x8000004F;
	[dreg:$0x1] =	wrdreg $0xFFFFFFFF  }
0xb6: {  	s28 =	simm.s32 $_size_execute0_lowered;
	s3 =	sadd.s32 s3, s5;
	[dreg:$0x0] =	wrdreg $0x0  }
0xb7: {  	s5 =	sshll.u32 s28, $0x1;
	[dreg:$0x2] =	wrdreg s3  }
0xb8: {  	[dreg:$0x3] =	wrdreg s5  }
0xb9: {  	[dreg:$0x4] =	wrdreg $0xC0  }
0xba: {  	_ =	task [dreg:s22], $0x5FFFF  }
0xbb: {  	[dreg:$0x1] =	wrdreg $0xFFFFFFFF  }
0xbc: {  	[dreg:$0x0] =	wrdreg $0x60  }
0xbd: {  	[dreg:$0x2] =	wrdreg s24  }
0xbe: {  	[dreg:$0x3] =	wrdreg $0xA  }
0xbf: {  	_ =	task.clear_ibuf [dreg:s22], $0x4FFFF;
	_ =	strace $0x9000004F  }
0xc0: {  	s29 =	simm.s32 $0xA;
	_ =	strace $0x80000051  }
0xc1: {  	_ =	swait.ge [sflag:s29], $0x1  }
0xc2: {  	[sflag:s29] =	ssyncadd.s32 $0xFFFFFFFF  }
0xc3: {  	_ =	strace $0x90000051  }
0xc4: {  	_ =	sfence  }
0xc5: {  	s30 =	sld [smem:$0x0];
	_ =	sdelay $0x2  }
0xc6: {  	s31 =	sshll.u32 s1, $0xD;
	s1 =	sshrl.u32 s1, $0x2  }
0xc7: {  	s4 =	sand.u32 $0x4000, s31;
	s1 =	sadd.s32 s1, s30  }
0xc8: {  	s0 =	sor.u32 s4, s0;
	s1 =	sshll.u32 s1, $0x11  }
0xc9: {  	s0 =	sor.u32 s1, s0  }
0xca: {  	s0 =	sadd.s32 $0x8F2B, s0  }
0xcb: {  	[sflag:s0] =	ssyncadd.remote.s32 $0x1  }
0xcc: {  	_ =	sfence.sel $0xFFFF  }
0xcd: {  	[dreg:$0x0] =	wrdreg $0xFFFFFFFF;
	(pc) =	sbr.abs _section_cstart, $3  }
0xce: {  	[dreg:$0x1] =	wrdreg $0xFFFFFFFF  }
0xcf: {  	_ =	task.clear_ibuf [dreg:s22], $0x2FFFF;
	_ =	strace $0x9FFFFFFF  }
0xd0: {  	(tm) =	ssettm $0x7FFFFFFF  }
0xd1: {  	_ =	shalt  }
tec
execute0_lowered:
.L_overlay_start_1:
0x0: {  	(tag) =	ssettag $0x1  }
0x1: {  	s0 =	srdreg.scid  }
0x2: {  	s1 =	sshll.u32 s0, $0x4  }
0x3: {  	s0 =	stileid.u32;
	s1 =	sand.u32 $0x10, s1  }
0x4: {  	s1 =	sor.u32 s0, s1  }
0x5: {  	s2 =	smul.u32 $0x7, s1  }
0x6: {  	s3 =	smin.u32 s1, $0x1A  }
0x7: {  	s2 =	sadd.s32 s3, s2  }
0x8: {  	p0 =	slt.u32 s1, $0x1A;
	s1 =	simm.s32 $0xA00;
	s2 =	smul.u32 $0x140, s2  }
0x9: {  	s1 =	simm.s32 @!p0 $0x8C0  }
0xa: {  	s1 =	sadd.s32 s1, s2  }
0xb: {  	s3 =	smin.u32 s1, $0x13880  }
0xc: {  	s7 =	ssub.s32 s3, s2  }
0xd: {  	p0 =	sgt.s32 s7, $0x0  }
0xe: {  	s7 =	simm.s32 @!p0 $0x0  }
0xf: {  	s31 =	smulhi.u32 $0x66666667, s7  }
0x10: {  	s9 =	rddreg [dreg:$0x0];
	s6 =	simm.s32 $0x1;
	s11 =	simm.s32 $0x3  }
0x11: {  	s13 =	simm.s32 $0x0;
	s12 =	simm.s32 $0x0;
	s8 =	sshrl.u32 s31, $0x7  }
0x12: {  	s4 =	sadd.s32 $0x622000, s9;
	s5 =	sadd.s32 $0xF000, s9;
	s10 =	smul.u32 $0x140, s8  }
.Ltmp0:
0x13: {  	s9 =	sadd.s32 $0x75A800, s9;
	s1 =	rddreg [dreg:$0x1];
	(pc) =	sbr.rel .LBB2_1-.Ltmp0, $4  }
0x14: {  	_ =	strace $0x80000050;
	p0 =	sne.s32 s7, s10;
	s10 =	simm.s32 $0x1  }
0x15: {  	[sflag:s6] =	ssyncpa.u1 $0x0;
	s7 =	simm.s32 $0x2;
	s10 =	simm.s32 @!p0 $0x0  }
0x16: {  	[sflag:s7] =	ssyncpa.u1 $0x0;
	p0 =	por $0x0, $0x0;
	s8 =	sadd.s32 s10, s8  }
0x17: {  	vm0 =	vmmov $0xff;
	vm1 =	vcmask $0x3F20;
	[sflag:s11] =	ssyncpa.u1 $0x0;
	s11 =	smov.u32 s2;
	s10 =	sadd.s32 $0x1, s8  }
.LBB2_6:
0x18: {  	[hbm:s17] =	stream.linear.scatter [tilespmem:s14], [sflag:$0x3], $0x400, $0x38;
	[tilespmem:$0x14280] =	vst v63  }
.LBB2_7:
0x19: {  	s13 =	sadd.s32 $0x140, s11  }
0x1a: {  	s15 =	smov.u32 s2;
	p2 =	slt.s32 s13, s3  }
0x1b: {  	s15 =	smov.u32 @p2 s13;
	p2 =	sne.s32 s12, s10  }
.Ltmp1:
0x1c: {  	p1 =	slt.u32 s12, $0x2;
	(pc) =	sbr.rel @!p2 .LBB2_8-.Ltmp1, $4  }
0x1d: {  	s14 =	simm.s32 @!p1 $0x3  }
0x1e: {  	s16 =	sadd.s32 $0x1, s12;
	_ =	swait.ge @!p1 [sflag:s14], $0xA000  }
0x1f: {  	p0 =	por !p0, !p0;
	s13 =	smov.u32 s11;
	[sflag:s14] =	ssyncset.done @!p1 $0x0  }
0x20: {  	s12 =	smov.u32 s16;
	s11 =	smov.u32 s15;
	[sflag:s14] =	ssyncadd.s32 @!p1 $0xFFFF6000  }
.LBB2_1:
0x21: {  	p1 =	sge.u32 s12, s8  }
0x22: {  	s14 =	sxor.u32 @!p1 $0xFFFFFFFF, s12  }
0x23: {  	s14 =	sand.u32 @!p1 $0x1, s14  }
0x24: {  	s14 =	smul.u32 @!p1 $0x500, s14  }
0x25: {  	s31 =	sadd.s32 $0xFFFFFFFF, s12;
	s15 =	sshrl.u32 @!p1 s11, $0x3  }
0x26: {  	s16 =	sand.u32 @!p1 $0x7, s11;
	s15 =	sadd.s32 @!p1 s5, s15;
	s14 =	sshrl.u32 @!p1 s14, $0x2  }
0x27: {  	[tilespmem:s14], [sflag:$0x2] =	stream.linear.gather @!p1 [hbm4b:s15+s16], $0x140, $0x38;
	[tilespmem:$0x14280] =	vst v63  }
0x28: {  	p1 =	sge.u32 s31, s8  }
.Ltmp2:
0x29: {  	_ = 	snop;
	(pc) =	sbr.rel @p1 .LBB2_7-.Ltmp2, $1  }
0x2a: {  	_ =	sdelay $0x3  }
0x2b: {  	s14 =	simm.s32 $0x1  }
0x2c: {  	s14 =	simm.s32 @!p0 $0x0  }
0x2d: {  	s15 =	smul.u32 $0x500, s14  }
0x2e: {  	_ =	swait.ge [sflag:s7], $0x140  }
0x2f: {  	[sflag:s7] =	ssyncset.done $0x0;
	s16 =	sshrl.u32 s15, $0x2  }
0x30: {  	[sflag:s7] =	ssyncadd.s32 $0xFFFFFEC0;
	s15 =	sadd.s32 $0x0, s16  }
0x31: {  	v0 =	vld.msk [tilespmem:s15+$0x0 ss:$0x1], $0xffff;
	_ =	sdelay $0x4  }
0x32: {  	v1 =	vand.u32 $0x3, v0;
	v2 =	vshll.u32 v0, $0x5  }
0x33: {  	vm2 =	veq.s32 v0, $0x80000000;
	v0 =	vmul.u32 $0x271000, v1;
	v1 =	vand.u32 $0x3FFF80, v2  }
0x34: {  	v1 =	vsel vm2, $0xFFFFFF80, v1  }
0x35: {  	v0 =	vsel vm2, $0xFFD8F000, v0;
	v2 =	vand.u32 $0xFFFFFC00, v1  }
0x36: {  	v1 =	vand.u32 $0x380, v1;
	v0 =	vadd.s32 v0, v2  }
0x37: {  	v0 =	vor.u32 v1, v0  }
0x38: {  	v0 =	vshrl.u32 v0, $0x3  }
0x39: {  	s14 =	smul.u32 $0x28000, s14;
	_ =	sdelay $0x1  }
0x3a: {  	s14 =	sshrl.u32 s14, $0x2  }
0x3b: {  	s14 =	sor.u32 $0x280, s14  }
0x3c: {  	[tilespmem:s14], [sflag:$0x1] =	stream.indirect_vreg.gather [hbm:s4], $0x80, v0, vm0, $0x38;
	[tilespmem:$0x14280] =	vst v63  }
0x3d: {  	s17 =	sadd.s32 $0x10, s16;
	s15 =	sadd.s32 $0x400, s14  }
0x3e: {  	[tilespmem:s15], [sflag:$0x1] =	stream.indirect_vreg.gather [hbm:s4], $0x80, v0, vm1, $0x38;
	[tilespmem:$0x14280] =	vst v63  }
0x3f: {  	s18 =	simm.s32 $0x80;
	v0 =	vld.msk [tilespmem:s17+$0x0 ss:$0x1], $0xffff;
	s17 =	smov.u32 s14  }
.LBB2_3:
0x40: {  	p1 =	sne.s32 s18, $0x4C0;
	_ =	sdelay $0x4  }
0x41: {  	v1 =	vand.u32 $0x3, v0;
	v2 =	vshll.u32 v0, $0x5  }
0x42: {  	vm2 =	veq.s32 v0, $0x80000000;
	v0 =	vmul.u32 $0x271000, v1;
	v1 =	vand.u32 $0x3FFF80, v2  }
0x43: {  	v1 =	vsel vm2, $0xFFFFFF80, v1  }
0x44: {  	v0 =	vsel vm2, $0xFFD8F000, v0;
	v2 =	vand.u32 $0xFFFFFC00, v1  }
0x45: {  	v1 =	vand.u32 $0x380, v1;
	v0 =	vadd.s32 v0, v2  }
0x46: {  	v0 =	vor.u32 v1, v0  }
0x47: {  	v0 =	vshrl.u32 v0, $0x3;
	_ =	sdelay $0x3  }
.Ltmp3:
0x48: {  	s19 =	sshra.s32 s18, $0x2;
	s17 =	sadd.s32 $0x800, s17;
	(pc) =	sbr.rel @p1 .LBB2_3-.Ltmp3, $4  }
0x49: {  	[tilespmem:s17], [sflag:$0x1] =	stream.indirect_vreg.gather [hbm:s4], $0x80, v0, vm0, $0x38;
	[tilespmem:$0x14280] =	vst v63  }
0x4a: {  	s19 =	sadd.s32 s19, s16;
	s20 =	sadd.s32 $0x400, s17  }
0x4b: {  	[tilespmem:s20], [sflag:$0x1] =	stream.indirect_vreg.gather [hbm:s4], $0x80, v0, vm1, $0x38;
	[tilespmem:$0x14280] =	vst v63  }
0x4c: {  	s18 =	sadd.s32 $0x40, s18;
	v0 =	vld.msk [tilespmem:s19+$0x0 ss:$0x1], $0xffff  }
0x4d: {  	_ =	sdelay $0x3  }
0x4e: {  	v1 =	vand.u32 $0x3, v0;
	v2 =	vshll.u32 v0, $0x5  }
0x4f: {  	vm2 =	veq.s32 v0, $0x80000000;
	v61 =	vmul.u32 $0x271000, v1;
	v62 =	vand.u32 $0x3FFF80, v2  }
0x50: {  	v1 =	vsel vm2, $0xFFFFFF80, v62  }
0x51: {  	v0 =	vsel vm2, $0xFFD8F000, v61;
	v63 =	vand.u32 $0xFFFFFC00, v1  }
0x52: {  	v1 =	vand.u32 $0x380, v1;
	v0 =	vadd.s32 v0, v63  }
0x53: {  	v0 =	vor.u32 v1, v0  }
0x54: {  	v0 =	vshrl.u32 v0, $0x3;
	_ =	sdelay $0x3  }
0x55: {  	s16 =	sadd.s32 $0x800, s17  }
0x56: {  	[tilespmem:s16], [sflag:$0x1] =	stream.indirect_vreg.gather [hbm:s4], $0x80, v0, vm0, $0x38;
	[tilespmem:$0x14280] =	vst v63  }
0x57: {  	s16 =	sadd.s32 $0x400, s16  }
0x58: {  	[tilespmem:s16], [sflag:$0x1] =	stream.indirect_vreg.gather [hbm:s4], $0x80, v0, vm1, $0x38;
	[tilespmem:$0x14280] =	vst v63  }
0x59: {  	s13 =	sshll.u32 s13, $0x4;
	_ =	swait.ge [sflag:s6], $0xA000  }
0x5a: {  	s13 =	sadd.s32 s13, s9;
	[sflag:s6] =	ssyncset.done $0x0  }
0x5b: {  	s17 =	sadd.s32 $0x0, s13;
	s16 =	simm.s32 $0x80;
	[sflag:s6] =	ssyncadd.s32 $0xFFFF6000  }
.LBB2_5:
0x5c: {  	[hbm:s17] =	stream.linear.scatter [tilespmem:s14], [sflag:$0x3], $0x400, $0x38;
	[tilespmem:$0x14280] =	vst v63  }
0x5d: {  	s17 =	smov.u32 s16;
	s14 =	smov.u32 s15;
	p1 =	sne.s32 s16, $0x1380  }
.Ltmp4:
0x5e: {  	s16 =	sadd.s32 $0x80, s16;
	(pc) =	sbr.rel @p1 .LBB2_5-.Ltmp4, $2  }
0x5f: {  	_ =	sdelay $0x2  }
0x60: {  	s15 =	sadd.s32 $0x400, s15;
	s17 =	sadd.s32 s17, s13  }
.Ltmp5:
0x61: {  	_ = 	snop;
	(pc) =	sbr.rel .LBB2_6-.Ltmp5, $1  }
0x62: {  	_ =	sdelay $0x3  }
.LBB2_8:
0x63: {  	_ =	sfence.sel $0x180000  }
0x64: {  	s2 =	simm.s32 $0x2;
	[bflag:$0x0] =	sbarrier.arrive $0xFFFF  }
0x65: {  	s30 =	simm.s32 $0x3;
	[sflag:s2] =	ssyncpa.u1 $0x1  }
0x66: {  	s31 =	simm.s32 $0x1;
	[sflag:s30] =	ssyncpa.u1 $0x1  }
0x67: {  	[sflag:s31] =	ssyncpa.u1 $0x1  }
0x68: {  	p0 =	sne.s32 s0, $0x0;
	_ =	strace $0x90000050  }
0x69: {  	s0 =	sadd.s32 @!p0 $0x100000, s1;
	[bflag:$0x2] =	sbarrier.arrive $0xFFFF  }
0x6a: {  	[sflag:s0] =	ssyncadd.tile.s32 @!p0 $0x1;
	_ =	shalt  }
.Lfunc_end2:
_tile_overlayer_lowered:
.L_overlay_start_2:
0x6b: {  	(tag) =	ssettag $0x2  }
0x6c: {  	s0 =	rddreg [dreg:$0x0];
	s2 =	stileid.u32  }
0x6d: {  	s1 =	rddreg [dreg:$0x1];
	p0 =	sne.s32 s2, $0x0  }
0x6e: {  	s3 =	rddreg [dreg:$0x2];
	[bflag:$0x3] =	sbarrier.arrive $0xFFFF;
	s2 =	simm.s32 @!p0 $0x1C01  }
0x6f: {  	[timem:s3], [sflag:s2] =	dma.local @!p0 [hbm:s0], s1  }
0x70: {  	s0 =	simm.s32 @!p0 $0x1  }
0x71: {  	_ =	swait.ge @!p0 [sflag:s0], s1  }
0x72: {  	s1 =	ssub.s32 @!p0 $0x0, s1;
	[sflag:s0] =	ssyncset.done @!p0 $0x0  }
0x73: {  	[sflag:s0] =	ssyncadd.s32 @!p0 s1  }
0x74: {  	[bflag:$0x3] =	sbarrier.arrive $0xFFFF  }
0x75: {  	_ =	shalt  }

// kernel: gather_offload_async_start.3
scs
__scs_entry_jumppad:
0x0: {  	(pc) =	sbr.rel $0x88, $3  }
0x1: {  	(tag) =	ssettag $0x0;
	lr =	simm.s32 $0x1  }
0x2: {  	[smem:$0x3F97] =	sst lr;
	_ =	strace $0xD0000000  }
0x3: {  	_ = 	snop  }
0x4: {  	_ = 	snop  }
0x5: {  	_ = 	snop  }
0x6: {  	_ = 	snop  }
0x7: {  	_ = 	snop  }
__scs_overlays_trampoline_lowered:
0x8: {  	[smem:$0x3FA6] =	sst s0  }
0x9: {  	[smem:$0x3FA7] =	sst s1  }
0xa: {  	[smem:$0x3FA8] =	sst s2  }
0xb: {  	[smem:$0x3FA9] =	sst s3  }
0xc: {  	[smem:$0x3FAA] =	sst s4  }
0xd: {  	[smem:$0x3FAB] =	sst s5  }
0xe: {  	[smem:$0x3FAC] =	sst s6  }
0xf: {  	[smem:$0x3FAD] =	sst s7  }
0x10: {  	[smem:$0x3FAE] =	sst s8  }
0x11: {  	[smem:$0x3FAF] =	sst s9;
	s0 =	simm.s32 @!p0 $0x0  }
0x12: {  	s1 =	sld [smem:$0x3F95];
	s0 =	simm.s32 @p0 $0x1  }
0x13: {  	[smem:$0x3FB0] =	sst s0;
	s0 =	simm.s32 @!p1 $0x0  }
0x14: {  	s2 =	sld [smem:$0x3F94];
	s0 =	simm.s32 @p1 $0x1  }
0x15: {  	[smem:$0x3FB1] =	sst s0;
	s0 =	simm.s32 @!p2 $0x0  }
0x16: {  	s3 =	sld [smem:$0x3FDB];
	s0 =	simm.s32 @p2 $0x1  }
0x17: {  	s4 =	simm.s32 $0x1BF5;
	[smem:$0x3FB3] =	sst s0  }
0x18: {  	s0 =	sld [smem:$0x3F96];
	_ =	swait.ge [sflag:s4], $0x0  }
0x19: {  	s7 =	sld [smem:$0x3F97]  }
0x1a: {  	s8 =	sadd.s32 $0xFFFFE003, lr  }
0x1b: {  	s9 =	sadd.s32 $0xFFFFFEF7, lr;
	s5 =	simm.s32 $0xFFFFFFFF;
	p2 =	slt.u32 s8, $0xFFFFF086  }
0x1c: {  	p1 =	slt.u32 s9, $0xF7A;
	s5 =	simm.s32 @!p2 $0x0  }
0x1d: {  	s5 =	simm.s32 @p1 $0x1;
	p0 =	seq.s32 s7, s2  }
0x1e: {  	s7 =	smul.u32 @!p0 $0xF7A, s2;
	p2 =	seq.s32 @!p0 s5, $0x0  }
0x1f: {  	s9 =	smul.u32 $0xF7A, s1;
	s8 =	simm.s32 @!p0 $0x1BF5;
	p2 =	por !p2, p0  }
0x20: {  	[sflag:s8] =	ssyncset.s32 @!p0 $0xFFFFF086;
	s6 =	sadd.s32 @!p0 s3, s7;
	s7 =	simm.s32 @!p0 $0x108  }
0x21: {  	s3 =	sadd.s32 s3, s9;
	s6 =	sadd.s32 @!p0 $0x88, s6;
	s7 =	simm.s32 @p2 $0x1082  }
0x22: {  	[simem:s7], [sflag:s8] =	dma.local @!p0 [hbm:s6], $0xF7A  }
0x23: {  	s9 =	sor.u32 $0xD0000000, s2;
	s6 =	simm.s32 $0x108;
	_ =	swait.ge @!p0 [sflag:s8], $0x0  }
0x24: {  	s3 =	sadd.s32 $0x88, s3;
	s6 =	simm.s32 @!p1 $0x1082;
	[sflag:s4] =	ssyncset.s32 $0xFFFFF086  }
0x25: {  	[simem:s6], [sflag:s4] =	dma.local [hbm:s3], $0xF7A  }
0x26: {  	[smem:$0x3F97] =	sst s1;
	(tag) =	ssettag s2;
	_ =	strace s9  }
0x27: {  	s1 =	sld [smem:$0x3FA7]  }
0x28: {  	s2 =	sld [smem:$0x3FA8]  }
0x29: {  	s4 =	sld [smem:$0x3FAA]  }
0x2a: {  	p0 =	seq.s32 s5, $0x0;
	s5 =	sld [smem:$0x3FAB]  }
0x2b: {  	s6 =	sld [smem:$0x3FAC]  }
0x2c: {  	s7 =	sld [smem:$0x3FAD]  }
0x2d: {  	s3 =	simm.s32 $0x108;
	s8 =	sld [smem:$0x3FAE]  }
0x2e: {  	s3 =	simm.s32 @!p0 $0x1082;
	s9 =	sld [smem:$0x3FAF]  }
0x2f: {  	lr =	sadd.s32 s0, s3;
	s0 =	sld [smem:$0x3FA6]  }
0x30: {  	s3 =	sld [smem:$0x3FA9]  }
0x31: {  	[smem:$0x3FB2] =	sst s10  }
0x32: {  	s10 =	sld [smem:$0x3FB0];
	_ =	sdelay $0x3  }
0x33: {  	p0 =	seq.s32 s10, $0x1;
	s10 =	sld [smem:$0x3FB2];
	_ =	sdelay $0x3  }
0x34: {  	[smem:$0x3FB2] =	sst s10  }
0x35: {  	s10 =	sld [smem:$0x3FB1];
	_ =	sdelay $0x3  }
0x36: {  	p1 =	seq.s32 s10, $0x1;
	s10 =	sld [smem:$0x3FB2];
	_ =	sdelay $0x3  }
0x37: {  	[smem:$0x3FB2] =	sst s10  }
0x38: {  	s10 =	sld [smem:$0x3FB3]  }
0x39: {  	_ = 	snop;
	(pc) =	sbr.ind lr, $3  }
0x3a: {  	_ = 	snop  }
0x3b: {  	_ = 	snop  }
0x3c: {  	p2 =	seq.s32 s10, $0x1;
	s10 =	sld [smem:$0x3FB2]  }
0x3d: {  	_ =	shalt  }
0x3e: {  	_ =	shalt  }
0x3f: {  	_ =	shalt  }
0x40: {  	_ =	shalt  }
0x41: {  	_ =	shalt  }
0x42: {  	_ =	shalt  }
0x43: {  	_ =	shalt  }
0x44: {  	_ =	shalt  }
0x45: {  	_ =	shalt  }
0x46: {  	_ =	shalt  }
0x47: {  	_ =	shalt  }
0x48: {  	_ =	shalt  }
0x49: {  	_ =	shalt  }
0x4a: {  	_ =	shalt  }
0x4b: {  	_ =	shalt  }
0x4c: {  	_ =	shalt  }
0x4d: {  	_ =	shalt  }
0x4e: {  	_ =	shalt  }
0x4f: {  	_ =	shalt  }
0x50: {  	_ =	shalt  }
0x51: {  	_ =	shalt  }
0x52: {  	_ =	shalt  }
0x53: {  	_ =	shalt  }
0x54: {  	_ =	shalt  }
0x55: {  	_ =	shalt  }
0x56: {  	_ =	shalt  }
0x57: {  	_ =	shalt  }
0x58: {  	_ =	shalt  }
0x59: {  	_ =	shalt  }
0x5a: {  	_ =	shalt  }
0x5b: {  	_ =	shalt  }
0x5c: {  	_ =	shalt  }
0x5d: {  	_ =	shalt  }
0x5e: {  	_ =	shalt  }
0x5f: {  	_ =	shalt  }
0x60: {  	_ =	shalt  }
0x61: {  	_ =	shalt  }
0x62: {  	_ =	shalt  }
0x63: {  	_ =	shalt  }
0x64: {  	_ =	shalt  }
0x65: {  	_ =	shalt  }
0x66: {  	_ =	shalt  }
0x67: {  	_ =	shalt  }
0x68: {  	_ =	shalt  }
0x69: {  	_ =	shalt  }
0x6a: {  	_ =	shalt  }
0x6b: {  	_ =	shalt  }
0x6c: {  	_ =	shalt  }
0x6d: {  	_ =	shalt  }
0x6e: {  	_ =	shalt  }
0x6f: {  	_ =	shalt  }
0x70: {  	_ =	shalt  }
0x71: {  	_ =	shalt  }
0x72: {  	_ =	shalt  }
0x73: {  	_ =	shalt  }
0x74: {  	_ =	shalt  }
0x75: {  	_ =	shalt  }
0x76: {  	_ =	shalt  }
0x77: {  	_ =	shalt  }
0x78: {  	_ =	shalt  }
0x79: {  	_ =	shalt  }
0x7a: {  	_ =	shalt  }
0x7b: {  	_ =	shalt  }
0x7c: {  	_ =	shalt  }
0x7d: {  	_ =	shalt  }
0x7e: {  	_ =	shalt  }
0x7f: {  	_ =	shalt  }
0x80: {  	_ =	shalt  }
0x81: {  	_ =	shalt  }
0x82: {  	_ =	shalt  }
0x83: {  	_ =	shalt  }
0x84: {  	_ =	shalt  }
0x85: {  	_ =	shalt  }
0x86: {  	_ =	shalt  }
0x87: {  	_ =	shalt  }
.Lfunc_end0:
.L_simem_size_0:
called_computation.5_lowered:
.L_overlay_start_0:
0x88: {  	s2 =	sld [smem:$0x3FD9]  }
0x89: {  	s3 =	sld [smem:$0x3FFE];
	_ =	sdelay $0x1  }
0x8a: {  	s1 =	srdreg.scid  }
0x8b: {  	s0 =	sand.u32 $0x1, s1  }
0x8c: {  	s15 =	sshll.u32 s0, $0xA;
	s2 =	sadd.s32 s3, s2  }
0x8d: {  	s2 =	sadd.s32 s2, s15  }
0x8e: {  	[smem:$0x3FBE] =	sst s2  }
0x8f: {  	_ = 	snop  }
0x90: {  	s2 =	sld [smem:$0x3FD0];
	_ =	sdelay $0x2  }
0x91: {  	s16 =	simm.s32 $0xC;
	s4 =	simm.s32 $0x10  }
0x92: {  	[smem:s4], [sflag:s16] =	dma.local [hbm:s2], $0x1  }
0x93: {  	_ =	swait.eq [sflag:s16], $0x1  }
0x94: {  	[sflag:s16] =	ssyncset.done $0x0  }
0x95: {  	[sflag:s16] =	ssyncadd.s32 $0xFFFFFFFF  }
0x96: {  	s17 =	sld [smem:$0x10];
	(tm) =	ssettm $0x1  }
0x97: {  	s18 =	sld [smem:$0x3FFB];
	_ =	sdelay $0x3  }
0x98: {  	_ =	strace s18  }
0x99: {  	s2 =	sld [smem:$0x3FFC];
	_ =	sdelay $0x3  }
0x9a: {  	_ =	strace s2  }
0x9b: {  	s2 =	sld [smem:$0x3FFD];
	_ =	sdelay $0x3  }
0x9c: {  	_ =	strace s2  }
0x9d: {  	_ =	strace $0x8FFFFFFF  }
0x9e: {  	s19 =	sld [smem:$0x3FDB];
	_ =	sdelay $0x1  }
0x9f: {  	s20 =	simm.s32 $_scs_section_size  }
0xa0: {  	s5 =	simm.s32 $_size__tile_overlayer_lowered;
	s6 =	simm.s32 $_tile_overlayer_lowered  }
0xa1: {  	s7 =	simm.s32 $0x1BFF;
	s21 =	sshll.u32 s6, $0x1;
	s4 =	sadd.s32 s20, s19  }
0xa2: {  	s22 =	simm.s32 $0x0;
	s5 =	sshll.u32 s5, $0x1;
	s6 =	sadd.s32 s21, s4  }
0xa3: {  	[timem:s22], [sflag:s7] =	dma.local [hbm:s6], s5  }
0xa4: {  	_ =	swait.ge [sflag:s7], s5  }
0xa5: {  	s5 =	ssub.s32 $0x0, s5;
	[sflag:s7] =	ssyncset.done $0x0  }
0xa6: {  	[sflag:s7] =	ssyncadd.s32 s5;
	_ =	sdelay $0x1  }
0xa7: {  	s23 =	simm.s32 $0x1B8B  }
0xa8: {  	_ =	swait.ge [sflag:s23], $0x1  }
0xa9: {  	[sflag:s23] =	ssyncset.done $0x0  }
0xaa: {  	[sflag:s23] =	ssyncadd.s32 $0xFFFFFFFF  }
0xab: {  	s5 =	sld [smem:$0x0]  }
0xac: {  	s6 =	sand.u32 $0xFFFFFFFE, s1  }
0xad: {  	p0 =	sne.s32 s1, s6  }
0xae: {  	s6 =	sshll.u32 @p0 s6, $0xE  }
0xaf: {  	s6 =	sadd.s32 @p0 $0x11B8D, s6;
	s7 =	sshll.u32 @p0 s5, $0x11  }
0xb0: {  	s6 =	sor.u32 @p0 s7, s6  }
0xb1: {  	[sflag:s6] =	ssyncadd.remote.s32 @p0 $0x1;
	_ =	sdelay $0x1  }
0xb2: {  	s6 =	simm.s32 @p0 $0x1B8D  }
0xb3: {  	_ =	swait.eq @p0 [sflag:s6], $0x1  }
0xb4: {  	[sflag:s6] =	ssyncadd.s32 @p0 $0xFFFFFFFF  }
0xb5: {  	s7 =	sshll.u32 @!p0 s1, $0xE  }
0xb6: {  	s7 =	sor.u32 @!p0 $0x4000, s7;
	s6 =	simm.s32 @!p0 $0x1B8D  }
0xb7: {  	s5 =	sshll.u32 @!p0 s5, $0x11;
	s7 =	sadd.s32 @!p0 $0x11B8D, s7;
	_ =	swait.eq @!p0 [sflag:s6], $0x1  }
0xb8: {  	s5 =	sor.u32 @!p0 s5, s7;
	[sflag:s6] =	ssyncadd.s32 @!p0 $0xFFFFFFFF  }
0xb9: {  	s25 =	simm.s32 $0x1B8E;
	s24 =	sld [smem:$0x3FFE];
	[sflag:s5] =	ssyncadd.remote.s32 @!p0 $0x1  }
0xba: {  	s26 =	simm.s32 $execute0_lowered;
	[smem:$0x3FD2] =	sst s25  }
0xbb: {  	s6 =	sshll.u32 s26, $0x1;
	_ =	strace $0x8000005B;
	[dreg:$0x1] =	wrdreg $0xFFFFFFFF  }
0xbc: {  	s28 =	simm.s32 $_size_execute0_lowered;
	s4 =	sadd.s32 s4, s6;
	[dreg:$0x0] =	wrdreg $0x0  }
0xbd: {  	s6 =	sshll.u32 s28, $0x1;
	[dreg:$0x2] =	wrdreg s4  }
0xbe: {  	[dreg:$0x3] =	wrdreg s6  }
0xbf: {  	[dreg:$0x4] =	wrdreg $0xC0  }
0xc0: {  	_ =	task [dreg:s22], $0x5FFFF  }
0xc1: {  	[dreg:$0x1] =	wrdreg $0xFFFFFFFF  }
0xc2: {  	[dreg:$0x0] =	wrdreg $0x60  }
0xc3: {  	[dreg:$0x2] =	wrdreg s24  }
0xc4: {  	[dreg:$0x3] =	wrdreg s17  }
0xc5: {  	[dreg:$0x4] =	wrdreg $0x9  }
0xc6: {  	_ =	task.clear_ibuf [dreg:s22], $0x5FFFF;
	_ =	strace $0x9000005B  }
0xc7: {  	s29 =	simm.s32 $0x9;
	_ =	strace $0x8000005D  }
0xc8: {  	_ =	swait.ge [sflag:s29], $0x1  }
0xc9: {  	[sflag:s29] =	ssyncadd.s32 $0xFFFFFFFF  }
0xca: {  	_ =	strace $0x9000005D  }
0xcb: {  	_ =	sfence  }
0xcc: {  	s30 =	sld [smem:$0x0];
	_ =	sdelay $0x2  }
0xcd: {  	s31 =	sshll.u32 s1, $0xD;
	s1 =	sshrl.u32 s1, $0x2  }
0xce: {  	s4 =	sand.u32 $0x4000, s31;
	s1 =	sadd.s32 s1, s30  }
0xcf: {  	s0 =	sor.u32 s4, s0;
	s1 =	sshll.u32 s1, $0x11  }
0xd0: {  	s0 =	sor.u32 s1, s0  }
0xd1: {  	s0 =	sadd.s32 $0x8F2B, s0  }
0xd2: {  	[sflag:s0] =	ssyncadd.remote.s32 $0x1  }
0xd3: {  	_ =	sfence.sel $0xFFFF  }
0xd4: {  	[dreg:$0x0] =	wrdreg $0xFFFFFFFF;
	(pc) =	sbr.abs _section_cstart, $3  }
0xd5: {  	[dreg:$0x1] =	wrdreg $0xFFFFFFFF  }
0xd6: {  	_ =	task.clear_ibuf [dreg:s22], $0x2FFFF;
	_ =	strace $0x9FFFFFFF  }
0xd7: {  	(tm) =	ssettm $0x7FFFFFFF  }
tec
execute0_lowered:
.L_overlay_start_1:
0x0: {  	(tag) =	ssettag $0x1  }
0x1: {  	s7 =	rddreg [dreg:$0x0]  }
0x2: {  	s2 =	rddreg [dreg:$0x1]  }
0x3: {  	s0 =	rddreg [dreg:$0x2]  }
0x4: {  	s1 =	srdreg.scid;
	_ =	strace $0x8000005C;
	s4 =	simm.s32 $0x1  }
0x5: {  	s9 =	simm.s32 $0x3;
	s12 =	simm.s32 $0x0;
	s5 =	sshll.u32 s1, $0x4  }
.Ltmp0:
0x6: {  	s1 =	stileid.u32;
	s5 =	sand.u32 $0x10, s5;
	(pc) =	sbr.rel .LBB2_1-.Ltmp0, $4  }
0x7: {  	s10 =	simm.s32 $0x0;
	s3 =	sadd.s32 $0x75A800, s7;
	s6 =	sor.u32 s1, s5  }
0x8: {  	[sflag:s4] =	ssyncpa.u1 $0x0;
	s5 =	simm.s32 $0x2;
	s6 =	sshll.u32 s6, $0x7  }
0x9: {  	s7 =	sadd.s32 $0x2800, s7;
	[sflag:s5] =	ssyncpa.u1 $0x0;
	s8 =	sadd.s32 $0x80, s6  }
0xa: {  	vm0 =	vmmov $0xff;
	vm1 =	vcmask $0x3F20;
	[sflag:s9] =	ssyncpa.u1 $0x0;
	s9 =	simm.s32 $0x80;
	s11 =	smov.u32 s6  }
.LBB2_10:
0xb: {  	[hbm:s16] =	stream.linear.scatter [tilespmem:s13], [sflag:$0x3], $0x800, $0x38;
	[tilespmem:$0x10100] =	vst v63  }
.LBB2_11:
0xc: {  	p0 =	seq.s32 s10, $0x2  }
.Ltmp1:
0xd: {  	_ = 	snop;
	(pc) =	sbr.rel @p0 .LBB2_13-.Ltmp1, $1  }
0xe: {  	_ =	sdelay $0x3  }
.LBB2_12:
0xf: {  	s12 =	sadd.s32 $0x80, s11  }
0x10: {  	s13 =	smov.u32 s6;
	p0 =	slt.s32 s12, s8  }
0x11: {  	s13 =	smov.u32 @p0 s12  }
0x12: {  	s10 =	sadd.s32 $0x1, s10;
	s12 =	smov.u32 s11;
	s11 =	smov.u32 s13  }
.LBB2_1:
0x13: {  	p0 =	sne.s32 s10, $0x0  }
.Ltmp2:
0x14: {  	_ = 	snop;
	(pc) =	sbr.rel @!p0 .LBB2_2-.Ltmp2, $1  }
0x15: {  	_ =	sdelay $0x3  }
0x16: {  	s13 =	sand.u32 $0x1, s10  }
0x17: {  	p0 =	seq.s32 s13, $0x0  }
.Ltmp3:
0x18: {  	_ = 	snop;
	(pc) =	sbr.rel @p0 .LBB2_11-.Ltmp3, $1  }
0x19: {  	_ =	sdelay $0x3  }
0x1a: {  	_ =	swait.ge [sflag:s5], $0x80  }
0x1b: {  	[sflag:s5] =	ssyncset.done $0x0  }
0x1c: {  	s13 =	simm.s32 $0x0;
	[sflag:s5] =	ssyncadd.s32 $0xFFFFFF80  }
.LBB2_5:
0x1d: {  	s14 =	sshll.u32 s13, $0x4  }
0x1e: {  	s14 =	sand.u32 $0x3FFFFFF0, s14  }
0x1f: {  	v0 =	vld.msk [tilespmem:s14+$0x80 ss:$0x1], $0xffff;
	_ =	sdelay $0x4  }
0x20: {  	v1 =	vshrl.u32 v0, $0x2  }
0x21: {  	vm2 =	veq.s32 v0, $0x80000000;
	v0 =	vand.u32 $0x3, v0;
	v1 =	vand.u32 $0x7FFF, v1  }
0x22: {  	v0 =	vmul.u32 $0x4E2000, v0;
	v1 =	vsel vm2, $0xFFFFFFFF, v1  }
0x23: {  	v2 =	vshll.u32 v1, $0x8  }
0x24: {  	v0 =	vsel vm2, $0xFFB1E000, v0;
	v1 =	vshll.u32 v1, $0x7;
	v2 =	vand.u32 $0xFFFFF800, v2  }
0x25: {  	s31 =	sshll.u32 s13, $0xC;
	v1 =	vand.u32 $0x380, v1;
	v0 =	vadd.s32 v0, v2  }
0x26: {  	s14 =	sand.u32 $0x3FFFF000, s31;
	v0 =	vor.u32 v1, v0  }
0x27: {  	p0 =	por $0x1, $0x1;
	s15 =	simm.s32 $0x0;
	s14 =	sadd.s32 $0x8100, s14;
	v0 =	vshrl.u32 v0, $0x3  }
.LBB2_6:
0x28: {  	_ =	sdelay $0x1  }
0x29: {  	s15 =	sshra.s32 s15, $0x2;
	p1 =	por p0, p0  }
.Ltmp4:
0x2a: {  	s15 =	sadd.s32 s15, s14;
	(pc) =	sbr.rel @p1 .LBB2_6-.Ltmp4, $4  }
0x2b: {  	[tilespmem:s15], [sflag:$0x1] =	stream.indirect_vreg.gather [hbm:s3], $0x80, v0, vm0, $0x38;
	[tilespmem:$0x10100] =	vst v63  }
0x2c: {  	s15 =	sadd.s32 $0x800, s15  }
0x2d: {  	[tilespmem:s15], [sflag:$0x1] =	stream.indirect_vreg.gather [hbm:s3], $0x80, v0, vm1, $0x38;
	[tilespmem:$0x10100] =	vst v63  }
0x2e: {  	p0 =	por $0x0, $0x0;
	v0 =	vadd.s32 $0x80, v0;
	s15 =	simm.s32 $0x1000  }
0x2f: {  	s13 =	sadd.s32 $0x1, s13  }
0x30: {  	p0 =	sne.s32 s13, $0x8  }
.Ltmp5:
0x31: {  	_ = 	snop;
	(pc) =	sbr.rel @p0 .LBB2_5-.Ltmp5, $1  }
0x32: {  	_ =	sdelay $0x3  }
0x33: {  	s13 =	sshll.u32 s12, $0x5  }
0x34: {  	_ =	swait.ge [sflag:s4], $0x8000;
	s31 =	sshll.u32 s12, $0x4;
	s13 =	sand.u32 $0xFFFFFF00, s13  }
0x35: {  	s14 =	simm.s32 $0x100;
	s12 =	sand.u32 $0x70, s31;
	s13 =	sadd.s32 s13, s2  }
0x36: {  	s15 =	simm.s32 $0x8900;
	[sflag:s4] =	ssyncset.done $0x0;
	s12 =	sadd.s32 s12, s13  }
0x37: {  	[sflag:s4] =	ssyncadd.s32 $0xFFFF8000;
	s13 =	simm.s32 $0x8100;
	s16 =	sadd.s32 $0x0, s12  }
.LBB2_9:
0x38: {  	[hbm:s16] =	stream.linear.scatter [tilespmem:s13], [sflag:$0x3], $0x800, $0x38;
	[tilespmem:$0x10100] =	vst v63  }
0x39: {  	s16 =	smov.u32 s14;
	s13 =	smov.u32 s15;
	p0 =	sne.s32 s14, $0xF00  }
.Ltmp6:
0x3a: {  	s14 =	sadd.s32 $0x100, s14;
	(pc) =	sbr.rel @p0 .LBB2_9-.Ltmp6, $2  }
0x3b: {  	_ =	sdelay $0x2  }
0x3c: {  	s15 =	sadd.s32 $0x800, s15;
	s16 =	sadd.s32 s16, s12  }
.Ltmp7:
0x3d: {  	_ = 	snop;
	(pc) =	sbr.rel .LBB2_10-.Ltmp7, $1  }
0x3e: {  	_ =	sdelay $0x3  }
.LBB2_2:
.Ltmp8:
0x3f: {  	(pc) =	sbr.rel .LBB2_12-.Ltmp8, $4  }
0x40: {  	_ = 	snop  }
0x41: {  	s12 =	sshrl.u32 s11, $0x3  }
0x42: {  	s13 =	sand.u32 $0x7, s11;
	s12 =	sadd.s32 s7, s12  }
0x43: {  	[tilespmem:s9], [sflag:$0x2] =	stream.linear.gather [hbm4b:s12+s13], $0x80, $0x38;
	[tilespmem:$0x10100] =	vst v63  }
.LBB2_13:
0x44: {  	s2 =	simm.s32 $0x3  }
0x45: {  	_ =	swait.ge [sflag:s2], $0x8000  }
0x46: {  	[sflag:s2] =	ssyncset.done $0x0  }
0x47: {  	[sflag:s2] =	ssyncadd.s32 $0xFFFF8000  }
0x48: {  	_ =	sfence.sel $0x180000  }
0x49: {  	s3 =	simm.s32 $0x2;
	[bflag:$0x0] =	sbarrier.arrive $0xFFFF  }
0x4a: {  	[sflag:s3] =	ssyncpa.u1 $0x1  }
0x4b: {  	s31 =	simm.s32 $0x1;
	[sflag:s2] =	ssyncpa.u1 $0x1  }
0x4c: {  	[sflag:s31] =	ssyncpa.u1 $0x1  }
0x4d: {  	p0 =	sne.s32 s1, $0x0;
	_ =	strace $0x9000005C  }
0x4e: {  	s0 =	sadd.s32 @!p0 $0x100000, s0;
	[bflag:$0x2] =	sbarrier.arrive $0xFFFF  }
0x4f: {  	[sflag:s0] =	ssyncadd.tile.s32 @!p0 $0x1;
	_ =	shalt  }
.Lfunc_end2:
_tile_overlayer_lowered:
.L_overlay_start_2:
0x50: {  	(tag) =	ssettag $0x2  }
0x51: {  	s0 =	rddreg [dreg:$0x0];
	s2 =	stileid.u32  }
0x52: {  	s1 =	rddreg [dreg:$0x1];
	p0 =	sne.s32 s2, $0x0  }
0x53: {  	s3 =	rddreg [dreg:$0x2];
	[bflag:$0x3] =	sbarrier.arrive $0xFFFF;
	s2 =	simm.s32 @!p0 $0x1C01  }
0x54: {  	[timem:s3], [sflag:s2] =	dma.local @!p0 [hbm:s0], s1  }
0x55: {  	s0 =	simm.s32 @!p0 $0x1  }
0x56: {  	_ =	swait.ge @!p0 [sflag:s0], s1  }
0x57: {  	s1 =	ssub.s32 @!p0 $0x0, s1;
	[sflag:s0] =	ssyncset.done @!p0 $0x0  }
0x58: {  	[sflag:s0] =	ssyncadd.s32 @!p0 s1  }
0x59: {  	[bflag:$0x3] =	sbarrier.arrive $0xFFFF  }
0x5a: {  	_ =	shalt  }

// kernel: gather_offload_async_start.4
scs
__scs_entry_jumppad:
0x0: {  	(pc) =	sbr.rel $0x88, $3  }
0x1: {  	(tag) =	ssettag $0x0;
	lr =	simm.s32 $0x1  }
0x2: {  	[smem:$0x3F97] =	sst lr;
	_ =	strace $0xD0000000  }
0x3: {  	_ = 	snop  }
0x4: {  	_ = 	snop  }
0x5: {  	_ = 	snop  }
0x6: {  	_ = 	snop  }
0x7: {  	_ = 	snop  }
__scs_overlays_trampoline_lowered:
0x8: {  	[smem:$0x3FA6] =	sst s0  }
0x9: {  	[smem:$0x3FA7] =	sst s1  }
0xa: {  	[smem:$0x3FA8] =	sst s2  }
0xb: {  	[smem:$0x3FA9] =	sst s3  }
0xc: {  	[smem:$0x3FAA] =	sst s4  }
0xd: {  	[smem:$0x3FAB] =	sst s5  }
0xe: {  	[smem:$0x3FAC] =	sst s6  }
0xf: {  	[smem:$0x3FAD] =	sst s7  }
0x10: {  	[smem:$0x3FAE] =	sst s8  }
0x11: {  	[smem:$0x3FAF] =	sst s9;
	s0 =	simm.s32 @!p0 $0x0  }
0x12: {  	s1 =	sld [smem:$0x3F95];
	s0 =	simm.s32 @p0 $0x1  }
0x13: {  	[smem:$0x3FB0] =	sst s0;
	s0 =	simm.s32 @!p1 $0x0  }
0x14: {  	s2 =	sld [smem:$0x3F94];
	s0 =	simm.s32 @p1 $0x1  }
0x15: {  	[smem:$0x3FB1] =	sst s0;
	s0 =	simm.s32 @!p2 $0x0  }
0x16: {  	s3 =	sld [smem:$0x3FDB];
	s0 =	simm.s32 @p2 $0x1  }
0x17: {  	s4 =	simm.s32 $0x1BF5;
	[smem:$0x3FB3] =	sst s0  }
0x18: {  	s0 =	sld [smem:$0x3F96];
	_ =	swait.ge [sflag:s4], $0x0  }
0x19: {  	s7 =	sld [smem:$0x3F97]  }
0x1a: {  	s8 =	sadd.s32 $0xFFFFE003, lr  }
0x1b: {  	s9 =	sadd.s32 $0xFFFFFEF7, lr;
	s5 =	simm.s32 $0xFFFFFFFF;
	p2 =	slt.u32 s8, $0xFFFFF086  }
0x1c: {  	p1 =	slt.u32 s9, $0xF7A;
	s5 =	simm.s32 @!p2 $0x0  }
0x1d: {  	s5 =	simm.s32 @p1 $0x1;
	p0 =	seq.s32 s7, s2  }
0x1e: {  	s7 =	smul.u32 @!p0 $0xF7A, s2;
	p2 =	seq.s32 @!p0 s5, $0x0  }
0x1f: {  	s9 =	smul.u32 $0xF7A, s1;
	s8 =	simm.s32 @!p0 $0x1BF5;
	p2 =	por !p2, p0  }
0x20: {  	[sflag:s8] =	ssyncset.s32 @!p0 $0xFFFFF086;
	s6 =	sadd.s32 @!p0 s3, s7;
	s7 =	simm.s32 @!p0 $0x108  }
0x21: {  	s3 =	sadd.s32 s3, s9;
	s6 =	sadd.s32 @!p0 $0x88, s6;
	s7 =	simm.s32 @p2 $0x1082  }
0x22: {  	[simem:s7], [sflag:s8] =	dma.local @!p0 [hbm:s6], $0xF7A  }
0x23: {  	s9 =	sor.u32 $0xD0000000, s2;
	s6 =	simm.s32 $0x108;
	_ =	swait.ge @!p0 [sflag:s8], $0x0  }
0x24: {  	s3 =	sadd.s32 $0x88, s3;
	s6 =	simm.s32 @!p1 $0x1082;
	[sflag:s4] =	ssyncset.s32 $0xFFFFF086  }
0x25: {  	[simem:s6], [sflag:s4] =	dma.local [hbm:s3], $0xF7A  }
0x26: {  	[smem:$0x3F97] =	sst s1;
	(tag) =	ssettag s2;
	_ =	strace s9  }
0x27: {  	s1 =	sld [smem:$0x3FA7]  }
0x28: {  	s2 =	sld [smem:$0x3FA8]  }
0x29: {  	s4 =	sld [smem:$0x3FAA]  }
0x2a: {  	p0 =	seq.s32 s5, $0x0;
	s5 =	sld [smem:$0x3FAB]  }
0x2b: {  	s6 =	sld [smem:$0x3FAC]  }
0x2c: {  	s7 =	sld [smem:$0x3FAD]  }
0x2d: {  	s3 =	simm.s32 $0x108;
	s8 =	sld [smem:$0x3FAE]  }
0x2e: {  	s3 =	simm.s32 @!p0 $0x1082;
	s9 =	sld [smem:$0x3FAF]  }
0x2f: {  	lr =	sadd.s32 s0, s3;
	s0 =	sld [smem:$0x3FA6]  }
0x30: {  	s3 =	sld [smem:$0x3FA9]  }
0x31: {  	[smem:$0x3FB2] =	sst s10  }
0x32: {  	s10 =	sld [smem:$0x3FB0];
	_ =	sdelay $0x3  }
0x33: {  	p0 =	seq.s32 s10, $0x1;
	s10 =	sld [smem:$0x3FB2];
	_ =	sdelay $0x3  }
0x34: {  	[smem:$0x3FB2] =	sst s10  }
0x35: {  	s10 =	sld [smem:$0x3FB1];
	_ =	sdelay $0x3  }
0x36: {  	p1 =	seq.s32 s10, $0x1;
	s10 =	sld [smem:$0x3FB2];
	_ =	sdelay $0x3  }
0x37: {  	[smem:$0x3FB2] =	sst s10  }
0x38: {  	s10 =	sld [smem:$0x3FB3]  }
0x39: {  	_ = 	snop;
	(pc) =	sbr.ind lr, $3  }
0x3a: {  	_ = 	snop  }
0x3b: {  	_ = 	snop  }
0x3c: {  	p2 =	seq.s32 s10, $0x1;
	s10 =	sld [smem:$0x3FB2]  }
0x3d: {  	_ =	shalt  }
0x3e: {  	_ =	shalt  }
0x3f: {  	_ =	shalt  }
0x40: {  	_ =	shalt  }
0x41: {  	_ =	shalt  }
0x42: {  	_ =	shalt  }
0x43: {  	_ =	shalt  }
0x44: {  	_ =	shalt  }
0x45: {  	_ =	shalt  }
0x46: {  	_ =	shalt  }
0x47: {  	_ =	shalt  }
0x48: {  	_ =	shalt  }
0x49: {  	_ =	shalt  }
0x4a: {  	_ =	shalt  }
0x4b: {  	_ =	shalt  }
0x4c: {  	_ =	shalt  }
0x4d: {  	_ =	shalt  }
0x4e: {  	_ =	shalt  }
0x4f: {  	_ =	shalt  }
0x50: {  	_ =	shalt  }
0x51: {  	_ =	shalt  }
0x52: {  	_ =	shalt  }
0x53: {  	_ =	shalt  }
0x54: {  	_ =	shalt  }
0x55: {  	_ =	shalt  }
0x56: {  	_ =	shalt  }
0x57: {  	_ =	shalt  }
0x58: {  	_ =	shalt  }
0x59: {  	_ =	shalt  }
0x5a: {  	_ =	shalt  }
0x5b: {  	_ =	shalt  }
0x5c: {  	_ =	shalt  }
0x5d: {  	_ =	shalt  }
0x5e: {  	_ =	shalt  }
0x5f: {  	_ =	shalt  }
0x60: {  	_ =	shalt  }
0x61: {  	_ =	shalt  }
0x62: {  	_ =	shalt  }
0x63: {  	_ =	shalt  }
0x64: {  	_ =	shalt  }
0x65: {  	_ =	shalt  }
0x66: {  	_ =	shalt  }
0x67: {  	_ =	shalt  }
0x68: {  	_ =	shalt  }
0x69: {  	_ =	shalt  }
0x6a: {  	_ =	shalt  }
0x6b: {  	_ =	shalt  }
0x6c: {  	_ =	shalt  }
0x6d: {  	_ =	shalt  }
0x6e: {  	_ =	shalt  }
0x6f: {  	_ =	shalt  }
0x70: {  	_ =	shalt  }
0x71: {  	_ =	shalt  }
0x72: {  	_ =	shalt  }
0x73: {  	_ =	shalt  }
0x74: {  	_ =	shalt  }
0x75: {  	_ =	shalt  }
0x76: {  	_ =	shalt  }
0x77: {  	_ =	shalt  }
0x78: {  	_ =	shalt  }
0x79: {  	_ =	shalt  }
0x7a: {  	_ =	shalt  }
0x7b: {  	_ =	shalt  }
0x7c: {  	_ =	shalt  }
0x7d: {  	_ =	shalt  }
0x7e: {  	_ =	shalt  }
0x7f: {  	_ =	shalt  }
0x80: {  	_ =	shalt  }
0x81: {  	_ =	shalt  }
0x82: {  	_ =	shalt  }
0x83: {  	_ =	shalt  }
0x84: {  	_ =	shalt  }
0x85: {  	_ =	shalt  }
0x86: {  	_ =	shalt  }
0x87: {  	_ =	shalt  }
.Lfunc_end0:
.L_simem_size_0:
called_computation.6_lowered:
.L_overlay_start_0:
0x88: {  	s2 =	sld [smem:$0x3FD9]  }
0x89: {  	s3 =	sld [smem:$0x3FFE];
	_ =	sdelay $0x1  }
0x8a: {  	s1 =	srdreg.scid  }
0x8b: {  	s0 =	sand.u32 $0x1, s1  }
0x8c: {  	s17 =	sshll.u32 s0, $0xA;
	s2 =	sadd.s32 s3, s2  }
0x8d: {  	s2 =	sadd.s32 s2, s17  }
0x8e: {  	[smem:$0x3FBE] =	sst s2  }
0x8f: {  	_ = 	snop  }
0x90: {  	(tm) =	ssettm $0x1  }
0x91: {  	s18 =	sld [smem:$0x3FFB];
	_ =	sdelay $0x3  }
0x92: {  	_ =	strace s18  }
0x93: {  	s2 =	sld [smem:$0x3FFC];
	_ =	sdelay $0x3  }
0x94: {  	_ =	strace s2  }
0x95: {  	s2 =	sld [smem:$0x3FFD];
	_ =	sdelay $0x3  }
0x96: {  	_ =	strace s2  }
0x97: {  	_ =	strace $0x8FFFFFFF  }
0x98: {  	s19 =	sld [smem:$0x3FDB];
	_ =	sdelay $0x1  }
0x99: {  	s20 =	simm.s32 $_scs_section_size  }
0x9a: {  	s4 =	simm.s32 $_size__tile_overlayer_lowered;
	s5 =	simm.s32 $_tile_overlayer_lowered  }
0x9b: {  	s6 =	simm.s32 $0x1BFF;
	s21 =	sshll.u32 s5, $0x1;
	s3 =	sadd.s32 s20, s19  }
0x9c: {  	s22 =	simm.s32 $0x0;
	s4 =	sshll.u32 s4, $0x1;
	s5 =	sadd.s32 s21, s3  }
0x9d: {  	[timem:s22], [sflag:s6] =	dma.local [hbm:s5], s4  }
0x9e: {  	_ =	swait.ge [sflag:s6], s4  }
0x9f: {  	s4 =	ssub.s32 $0x0, s4;
	[sflag:s6] =	ssyncset.done $0x0  }
0xa0: {  	[sflag:s6] =	ssyncadd.s32 s4;
	_ =	sdelay $0x1  }
0xa1: {  	s23 =	simm.s32 $0x1B8B  }
0xa2: {  	_ =	swait.ge [sflag:s23], $0x1  }
0xa3: {  	[sflag:s23] =	ssyncset.done $0x0  }
0xa4: {  	[sflag:s23] =	ssyncadd.s32 $0xFFFFFFFF  }
0xa5: {  	s4 =	sld [smem:$0x0]  }
0xa6: {  	s5 =	sand.u32 $0xFFFFFFFE, s1  }
0xa7: {  	p0 =	sne.s32 s1, s5  }
0xa8: {  	s5 =	sshll.u32 @p0 s5, $0xE  }
0xa9: {  	s5 =	sadd.s32 @p0 $0x11B8D, s5;
	s6 =	sshll.u32 @p0 s4, $0x11  }
0xaa: {  	s5 =	sor.u32 @p0 s6, s5  }
0xab: {  	[sflag:s5] =	ssyncadd.remote.s32 @p0 $0x1;
	_ =	sdelay $0x1  }
0xac: {  	s5 =	simm.s32 @p0 $0x1B8D  }
0xad: {  	_ =	swait.eq @p0 [sflag:s5], $0x1  }
0xae: {  	[sflag:s5] =	ssyncadd.s32 @p0 $0xFFFFFFFF  }
0xaf: {  	s6 =	sshll.u32 @!p0 s1, $0xE  }
0xb0: {  	s6 =	sor.u32 @!p0 $0x4000, s6;
	s5 =	simm.s32 @!p0 $0x1B8D  }
0xb1: {  	s4 =	sshll.u32 @!p0 s4, $0x11;
	s6 =	sadd.s32 @!p0 $0x11B8D, s6;
	_ =	swait.eq @!p0 [sflag:s5], $0x1  }
0xb2: {  	s4 =	sor.u32 @!p0 s4, s6;
	[sflag:s5] =	ssyncadd.s32 @!p0 $0xFFFFFFFF  }
0xb3: {  	s25 =	simm.s32 $0x1B8E;
	s24 =	sld [smem:$0x3FFE];
	[sflag:s4] =	ssyncadd.remote.s32 @!p0 $0x1  }
0xb4: {  	s26 =	simm.s32 $execute0_lowered;
	[smem:$0x3FD2] =	sst s25  }
0xb5: {  	s5 =	sshll.u32 s26, $0x1;
	_ =	strace $0x80000058;
	[dreg:$0x1] =	wrdreg $0xFFFFFFFF  }
0xb6: {  	s28 =	simm.s32 $_size_execute0_lowered;
	s3 =	sadd.s32 s3, s5;
	[dreg:$0x0] =	wrdreg $0x0  }
0xb7: {  	s5 =	sshll.u32 s28, $0x1;
	[dreg:$0x2] =	wrdreg s3  }
0xb8: {  	[dreg:$0x3] =	wrdreg s5  }
0xb9: {  	[dreg:$0x4] =	wrdreg $0xC0  }
0xba: {  	_ =	task [dreg:s22], $0x5FFFF  }
0xbb: {  	[dreg:$0x1] =	wrdreg $0xFFFFFFFF  }
0xbc: {  	[dreg:$0x0] =	wrdreg $0x60  }
0xbd: {  	[dreg:$0x2] =	wrdreg s24  }
0xbe: {  	[dreg:$0x3] =	wrdreg $0xA  }
0xbf: {  	_ =	task.clear_ibuf [dreg:s22], $0x4FFFF;
	_ =	strace $0x90000058  }
0xc0: {  	s29 =	simm.s32 $0xA;
	_ =	strace $0x8000005A  }
0xc1: {  	_ =	swait.ge [sflag:s29], $0x1  }
0xc2: {  	[sflag:s29] =	ssyncadd.s32 $0xFFFFFFFF  }
0xc3: {  	_ =	strace $0x9000005A  }
0xc4: {  	_ =	sfence  }
0xc5: {  	s30 =	sld [smem:$0x0];
	_ =	sdelay $0x2  }
0xc6: {  	s31 =	sshll.u32 s1, $0xD;
	s1 =	sshrl.u32 s1, $0x2  }
0xc7: {  	s4 =	sand.u32 $0x4000, s31;
	s1 =	sadd.s32 s1, s30  }
0xc8: {  	s0 =	sor.u32 s4, s0;
	s1 =	sshll.u32 s1, $0x11  }
0xc9: {  	s0 =	sor.u32 s1, s0  }
0xca: {  	s0 =	sadd.s32 $0x8F2B, s0  }
0xcb: {  	[sflag:s0] =	ssyncadd.remote.s32 $0x1  }
0xcc: {  	_ =	sfence.sel $0xFFFF  }
0xcd: {  	[dreg:$0x0] =	wrdreg $0xFFFFFFFF;
	(pc) =	sbr.abs _section_cstart, $3  }
0xce: {  	[dreg:$0x1] =	wrdreg $0xFFFFFFFF  }
0xcf: {  	_ =	task.clear_ibuf [dreg:s22], $0x2FFFF;
	_ =	strace $0x9FFFFFFF  }
0xd0: {  	(tm) =	ssettm $0x7FFFFFFF  }
0xd1: {  	_ =	shalt  }
tec
execute0_lowered:
.L_overlay_start_1:
0x0: {  	(tag) =	ssettag $0x1  }
0x1: {  	s7 =	rddreg [dreg:$0x0]  }
0x2: {  	s0 =	rddreg [dreg:$0x1];
	_ =	strace $0x80000059  }
0x3: {  	s1 =	srdreg.scid;
	s4 =	simm.s32 $0x1;
	s9 =	simm.s32 $0x3  }
0x4: {  	s12 =	simm.s32 $0x0;
	s10 =	simm.s32 $0x0;
	s5 =	sshll.u32 s1, $0x4  }
.Ltmp0:
0x5: {  	s1 =	stileid.u32;
	s5 =	sand.u32 $0x10, s5;
	(pc) =	sbr.rel .LBB2_1-.Ltmp0, $4  }
0x6: {  	s2 =	sadd.s32 $0x622000, s7;
	s3 =	sadd.s32 $0x2800, s7;
	s6 =	sor.u32 s1, s5  }
0x7: {  	[sflag:s4] =	ssyncpa.u1 $0x0;
	s5 =	simm.s32 $0x2;
	s6 =	sshll.u32 s6, $0x7  }
0x8: {  	s7 =	sadd.s32 $0xF000, s7;
	[sflag:s5] =	ssyncpa.u1 $0x0;
	s8 =	sadd.s32 $0x80, s6  }
0x9: {  	vm0 =	vmmov $0xff;
	vm1 =	vcmask $0x3F20;
	[sflag:s9] =	ssyncpa.u1 $0x0;
	s9 =	simm.s32 $0x80;
	s11 =	smov.u32 s6  }
.LBB2_9:
0xa: {  	p0 =	seq.s32 s10, $0x2  }
.Ltmp1:
0xb: {  	_ = 	snop;
	(pc) =	sbr.rel @p0 .LBB2_11-.Ltmp1, $1  }
0xc: {  	_ =	sdelay $0x3  }
.LBB2_10:
0xd: {  	s12 =	sadd.s32 $0x80, s11  }
0xe: {  	s13 =	smov.u32 s6;
	p0 =	slt.s32 s12, s8  }
0xf: {  	s13 =	smov.u32 @p0 s12  }
0x10: {  	s10 =	sadd.s32 $0x1, s10;
	s12 =	smov.u32 s11;
	s11 =	smov.u32 s13  }
.LBB2_1:
0x11: {  	p0 =	sne.s32 s10, $0x0  }
.Ltmp2:
0x12: {  	_ = 	snop;
	(pc) =	sbr.rel @!p0 .LBB2_2-.Ltmp2, $1  }
0x13: {  	_ =	sdelay $0x3  }
0x14: {  	s13 =	sand.u32 $0x1, s10  }
0x15: {  	p0 =	seq.s32 s13, $0x0  }
.Ltmp3:
0x16: {  	_ = 	snop;
	(pc) =	sbr.rel @p0 .LBB2_9-.Ltmp3, $1  }
0x17: {  	_ =	sdelay $0x3  }
0x18: {  	_ =	swait.ge [sflag:s5], $0x80  }
0x19: {  	[sflag:s5] =	ssyncset.done $0x0  }
0x1a: {  	s13 =	simm.s32 $0x0;
	[sflag:s5] =	ssyncadd.s32 $0xFFFFFF80  }
0x1b: {  	v0 =	vld.msk [tilespmem:s13+$0x80 ss:$0x1], $0xffff;
	_ =	sdelay $0x4  }
0x1c: {  	v1 =	vand.u32 $0x3, v0;
	v2 =	vshll.u32 v0, $0x5  }
0x1d: {  	vm2 =	veq.s32 v0, $0x80000000;
	v0 =	vmul.u32 $0x271000, v1;
	v1 =	vand.u32 $0x3FFF80, v2  }
0x1e: {  	v1 =	vsel vm2, $0xFFFFFF80, v1  }
0x1f: {  	v0 =	vsel vm2, $0xFFD8F000, v0;
	v2 =	vand.u32 $0xFFFFFC00, v1  }
0x20: {  	v1 =	vand.u32 $0x380, v1;
	v0 =	vadd.s32 v0, v2  }
0x21: {  	v0 =	vor.u32 v1, v0  }
0x22: {  	v0 =	vshrl.u32 v0, $0x3;
	_ =	sdelay $0x3  }
0x23: {  	s13 =	simm.s32 $0x4100  }
0x24: {  	[tilespmem:s13], [sflag:$0x1] =	stream.indirect_vreg.gather [hbm:s2], $0x80, v0, vm0, $0x38;
	[tilespmem:$0x8100] =	vst v63  }
0x25: {  	s14 =	simm.s32 $0x4500;
	s31 =	simm.s32 $0x10  }
0x26: {  	[tilespmem:s14], [sflag:$0x1] =	stream.indirect_vreg.gather [hbm:s2], $0x80, v0, vm1, $0x38;
	[tilespmem:$0x8100] =	vst v63  }
0x27: {  	s14 =	simm.s32 $0x80;
	v0 =	vld.msk [tilespmem:s31+$0x80 ss:$0x1], $0xffff  }
.LBB2_5:
0x28: {  	p0 =	sne.s32 s14, $0x1C0;
	_ =	sdelay $0x4  }
0x29: {  	v1 =	vand.u32 $0x3, v0;
	v2 =	vshll.u32 v0, $0x5  }
0x2a: {  	vm2 =	veq.s32 v0, $0x80000000;
	v0 =	vmul.u32 $0x271000, v1;
	v1 =	vand.u32 $0x3FFF80, v2  }
0x2b: {  	v1 =	vsel vm2, $0xFFFFFF80, v1  }
0x2c: {  	v0 =	vsel vm2, $0xFFD8F000, v0;
	v2 =	vand.u32 $0xFFFFFC00, v1  }
0x2d: {  	v1 =	vand.u32 $0x380, v1;
	v0 =	vadd.s32 v0, v2  }
0x2e: {  	v0 =	vor.u32 v1, v0  }
0x2f: {  	v0 =	vshrl.u32 v0, $0x3;
	_ =	sdelay $0x3  }
.Ltmp4:
0x30: {  	s13 =	sadd.s32 $0x800, s13;
	(pc) =	sbr.rel @p0 .LBB2_5-.Ltmp4, $4  }
0x31: {  	[tilespmem:s13], [sflag:$0x1] =	stream.indirect_vreg.gather [hbm:s2], $0x80, v0, vm0, $0x38;
	[tilespmem:$0x8100] =	vst v63  }
0x32: {  	s15 =	sshra.s32 s14, $0x2;
	s16 =	sadd.s32 $0x400, s13  }
0x33: {  	[tilespmem:s16], [sflag:$0x1] =	stream.indirect_vreg.gather [hbm:s2], $0x80, v0, vm1, $0x38;
	[tilespmem:$0x8100] =	vst v63  }
0x34: {  	s14 =	sadd.s32 $0x40, s14;
	v0 =	vld.msk [tilespmem:s15+$0x80 ss:$0x1], $0xffff  }
0x35: {  	_ =	sdelay $0x3  }
0x36: {  	v1 =	vand.u32 $0x3, v0;
	v2 =	vshll.u32 v0, $0x5  }
0x37: {  	vm2 =	veq.s32 v0, $0x80000000;
	v61 =	vmul.u32 $0x271000, v1;
	v62 =	vand.u32 $0x3FFF80, v2  }
0x38: {  	v1 =	vsel vm2, $0xFFFFFF80, v62  }
0x39: {  	v0 =	vsel vm2, $0xFFD8F000, v61;
	v63 =	vand.u32 $0xFFFFFC00, v1  }
0x3a: {  	v1 =	vand.u32 $0x380, v1;
	v0 =	vadd.s32 v0, v63  }
0x3b: {  	v0 =	vor.u32 v1, v0  }
0x3c: {  	v0 =	vshrl.u32 v0, $0x3;
	_ =	sdelay $0x3  }
0x3d: {  	s13 =	sadd.s32 $0x800, s13  }
0x3e: {  	[tilespmem:s13], [sflag:$0x1] =	stream.indirect_vreg.gather [hbm:s2], $0x80, v0, vm0, $0x38;
	[tilespmem:$0x8100] =	vst v63  }
0x3f: {  	s13 =	sadd.s32 $0x400, s13  }
0x40: {  	[tilespmem:s13], [sflag:$0x1] =	stream.indirect_vreg.gather [hbm:s2], $0x80, v0, vm1, $0x38;
	[tilespmem:$0x8100] =	vst v63  }
0x41: {  	s12 =	sshll.u32 s12, $0x4;
	s14 =	simm.s32 $0x80;
	_ =	swait.ge [sflag:s4], $0x4000  }
0x42: {  	s15 =	simm.s32 $0x4500;
	s12 =	sadd.s32 s12, s7;
	[sflag:s4] =	ssyncset.done $0x0  }
0x43: {  	s16 =	sadd.s32 $0x0, s12;
	s13 =	simm.s32 $0x4100;
	[sflag:s4] =	ssyncadd.s32 $0xFFFFC000  }
.LBB2_7:
0x44: {  	[hbm:s16] =	stream.linear.scatter [tilespmem:s13], [sflag:$0x3], $0x400, $0x38;
	[tilespmem:$0x8100] =	vst v63  }
0x45: {  	s16 =	smov.u32 s14;
	s13 =	smov.u32 s15;
	p0 =	sne.s32 s14, $0x780  }
.Ltmp5:
0x46: {  	s14 =	sadd.s32 $0x80, s14;
	(pc) =	sbr.rel @p0 .LBB2_7-.Ltmp5, $2  }
0x47: {  	_ =	sdelay $0x2  }
0x48: {  	s15 =	sadd.s32 $0x400, s15;
	s16 =	sadd.s32 s16, s12  }
.Ltmp6:
0x49: {  	(pc) =	sbr.rel .LBB2_9-.Ltmp6, $2  }
0x4a: {  	_ =	sdelay $0x2  }
0x4b: {  	[hbm:s16] =	stream.linear.scatter [tilespmem:s13], [sflag:$0x3], $0x400, $0x38;
	[tilespmem:$0x8100] =	vst v63  }
.LBB2_2:
.Ltmp7:
0x4c: {  	(pc) =	sbr.rel .LBB2_10-.Ltmp7, $4  }
0x4d: {  	_ = 	snop  }
0x4e: {  	s12 =	sshrl.u32 s11, $0x3  }
0x4f: {  	s13 =	sand.u32 $0x7, s11;
	s12 =	sadd.s32 s3, s12  }
0x50: {  	[tilespmem:s9], [sflag:$0x2] =	stream.linear.gather [hbm4b:s12+s13], $0x80, $0x38;
	[tilespmem:$0x8100] =	vst v63  }
.LBB2_11:
0x51: {  	s2 =	simm.s32 $0x3  }
0x52: {  	_ =	swait.ge [sflag:s2], $0x4000  }
0x53: {  	[sflag:s2] =	ssyncset.done $0x0  }
0x54: {  	[sflag:s2] =	ssyncadd.s32 $0xFFFFC000  }
0x55: {  	_ =	sfence.sel $0x180000  }
0x56: {  	s3 =	simm.s32 $0x2;
	[bflag:$0x0] =	sbarrier.arrive $0xFFFF  }
0x57: {  	[sflag:s3] =	ssyncpa.u1 $0x1  }
0x58: {  	s31 =	simm.s32 $0x1;
	[sflag:s2] =	ssyncpa.u1 $0x1  }
0x59: {  	[sflag:s31] =	ssyncpa.u1 $0x1  }
0x5a: {  	p0 =	sne.s32 s1, $0x0;
	_ =	strace $0x90000059  }
0x5b: {  	s0 =	sadd.s32 @!p0 $0x100000, s0;
	[bflag:$0x2] =	sbarrier.arrive $0xFFFF  }
0x5c: {  	[sflag:s0] =	ssyncadd.tile.s32 @!p0 $0x1;
	_ =	shalt  }
.Lfunc_end2:
_tile_overlayer_lowered:
.L_overlay_start_2:
0x5d: {  	(tag) =	ssettag $0x2  }
0x5e: {  	s0 =	rddreg [dreg:$0x0];
	s2 =	stileid.u32  }
0x5f: {  	s1 =	rddreg [dreg:$0x1];
	p0 =	sne.s32 s2, $0x0  }
0x60: {  	s3 =	rddreg [dreg:$0x2];
	[bflag:$0x3] =	sbarrier.arrive $0xFFFF;
	s2 =	simm.s32 @!p0 $0x1C01  }
0x61: {  	[timem:s3], [sflag:s2] =	dma.local @!p0 [hbm:s0], s1  }
0x62: {  	s0 =	simm.s32 @!p0 $0x1  }
0x63: {  	_ =	swait.ge @!p0 [sflag:s0], s1  }
0x64: {  	s1 =	ssub.s32 @!p0 $0x0, s1;
	[sflag:s0] =	ssyncset.done @!p0 $0x0  }
0x65: {  	[sflag:s0] =	ssyncadd.s32 @!p0 s1  }
0x66: {  	[bflag:$0x3] =	sbarrier.arrive $0xFFFF  }
0x67: {  	_ =	shalt  }

// kernel: gather_offload_async_start.5
scs
__scs_entry_jumppad:
0x0: {  	(pc) =	sbr.rel $0x88, $3  }
0x1: {  	(tag) =	ssettag $0x0;
	lr =	simm.s32 $0x1  }
0x2: {  	[smem:$0x3F97] =	sst lr;
	_ =	strace $0xD0000000  }
0x3: {  	_ = 	snop  }
0x4: {  	_ = 	snop  }
0x5: {  	_ = 	snop  }
0x6: {  	_ = 	snop  }
0x7: {  	_ = 	snop  }
__scs_overlays_trampoline_lowered:
0x8: {  	[smem:$0x3FA6] =	sst s0  }
0x9: {  	[smem:$0x3FA7] =	sst s1  }
0xa: {  	[smem:$0x3FA8] =	sst s2  }
0xb: {  	[smem:$0x3FA9] =	sst s3  }
0xc: {  	[smem:$0x3FAA] =	sst s4  }
0xd: {  	[smem:$0x3FAB] =	sst s5  }
0xe: {  	[smem:$0x3FAC] =	sst s6  }
0xf: {  	[smem:$0x3FAD] =	sst s7  }
0x10: {  	[smem:$0x3FAE] =	sst s8  }
0x11: {  	[smem:$0x3FAF] =	sst s9;
	s0 =	simm.s32 @!p0 $0x0  }
0x12: {  	s1 =	sld [smem:$0x3F95];
	s0 =	simm.s32 @p0 $0x1  }
0x13: {  	[smem:$0x3FB0] =	sst s0;
	s0 =	simm.s32 @!p1 $0x0  }
0x14: {  	s2 =	sld [smem:$0x3F94];
	s0 =	simm.s32 @p1 $0x1  }
0x15: {  	[smem:$0x3FB1] =	sst s0;
	s0 =	simm.s32 @!p2 $0x0  }
0x16: {  	s3 =	sld [smem:$0x3FDB];
	s0 =	simm.s32 @p2 $0x1  }
0x17: {  	s4 =	simm.s32 $0x1BF5;
	[smem:$0x3FB3] =	sst s0  }
0x18: {  	s0 =	sld [smem:$0x3F96];
	_ =	swait.ge [sflag:s4], $0x0  }
0x19: {  	s7 =	sld [smem:$0x3F97]  }
0x1a: {  	s8 =	sadd.s32 $0xFFFFE003, lr  }
0x1b: {  	s9 =	sadd.s32 $0xFFFFFEF7, lr;
	s5 =	simm.s32 $0xFFFFFFFF;
	p2 =	slt.u32 s8, $0xFFFFF086  }
0x1c: {  	p1 =	slt.u32 s9, $0xF7A;
	s5 =	simm.s32 @!p2 $0x0  }
0x1d: {  	s5 =	simm.s32 @p1 $0x1;
	p0 =	seq.s32 s7, s2  }
0x1e: {  	s7 =	smul.u32 @!p0 $0xF7A, s2;
	p2 =	seq.s32 @!p0 s5, $0x0  }
0x1f: {  	s9 =	smul.u32 $0xF7A, s1;
	s8 =	simm.s32 @!p0 $0x1BF5;
	p2 =	por !p2, p0  }
0x20: {  	[sflag:s8] =	ssyncset.s32 @!p0 $0xFFFFF086;
	s6 =	sadd.s32 @!p0 s3, s7;
	s7 =	simm.s32 @!p0 $0x108  }
0x21: {  	s3 =	sadd.s32 s3, s9;
	s6 =	sadd.s32 @!p0 $0x88, s6;
	s7 =	simm.s32 @p2 $0x1082  }
0x22: {  	[simem:s7], [sflag:s8] =	dma.local @!p0 [hbm:s6], $0xF7A  }
0x23: {  	s9 =	sor.u32 $0xD0000000, s2;
	s6 =	simm.s32 $0x108;
	_ =	swait.ge @!p0 [sflag:s8], $0x0  }
0x24: {  	s3 =	sadd.s32 $0x88, s3;
	s6 =	simm.s32 @!p1 $0x1082;
	[sflag:s4] =	ssyncset.s32 $0xFFFFF086  }
0x25: {  	[simem:s6], [sflag:s4] =	dma.local [hbm:s3], $0xF7A  }
0x26: {  	[smem:$0x3F97] =	sst s1;
	(tag) =	ssettag s2;
	_ =	strace s9  }
0x27: {  	s1 =	sld [smem:$0x3FA7]  }
0x28: {  	s2 =	sld [smem:$0x3FA8]  }
0x29: {  	s4 =	sld [smem:$0x3FAA]  }
0x2a: {  	p0 =	seq.s32 s5, $0x0;
	s5 =	sld [smem:$0x3FAB]  }
0x2b: {  	s6 =	sld [smem:$0x3FAC]  }
0x2c: {  	s7 =	sld [smem:$0x3FAD]  }
0x2d: {  	s3 =	simm.s32 $0x108;
	s8 =	sld [smem:$0x3FAE]  }
0x2e: {  	s3 =	simm.s32 @!p0 $0x1082;
	s9 =	sld [smem:$0x3FAF]  }
0x2f: {  	lr =	sadd.s32 s0, s3;
	s0 =	sld [smem:$0x3FA6]  }
0x30: {  	s3 =	sld [smem:$0x3FA9]  }
0x31: {  	[smem:$0x3FB2] =	sst s10  }
0x32: {  	s10 =	sld [smem:$0x3FB0];
	_ =	sdelay $0x3  }
0x33: {  	p0 =	seq.s32 s10, $0x1;
	s10 =	sld [smem:$0x3FB2];
	_ =	sdelay $0x3  }
0x34: {  	[smem:$0x3FB2] =	sst s10  }
0x35: {  	s10 =	sld [smem:$0x3FB1];
	_ =	sdelay $0x3  }
0x36: {  	p1 =	seq.s32 s10, $0x1;
	s10 =	sld [smem:$0x3FB2];
	_ =	sdelay $0x3  }
0x37: {  	[smem:$0x3FB2] =	sst s10  }
0x38: {  	s10 =	sld [smem:$0x3FB3]  }
0x39: {  	_ = 	snop;
	(pc) =	sbr.ind lr, $3  }
0x3a: {  	_ = 	snop  }
0x3b: {  	_ = 	snop  }
0x3c: {  	p2 =	seq.s32 s10, $0x1;
	s10 =	sld [smem:$0x3FB2]  }
0x3d: {  	_ =	shalt  }
0x3e: {  	_ =	shalt  }
0x3f: {  	_ =	shalt  }
0x40: {  	_ =	shalt  }
0x41: {  	_ =	shalt  }
0x42: {  	_ =	shalt  }
0x43: {  	_ =	shalt  }
0x44: {  	_ =	shalt  }
0x45: {  	_ =	shalt  }
0x46: {  	_ =	shalt  }
0x47: {  	_ =	shalt  }
0x48: {  	_ =	shalt  }
0x49: {  	_ =	shalt  }
0x4a: {  	_ =	shalt  }
0x4b: {  	_ =	shalt  }
0x4c: {  	_ =	shalt  }
0x4d: {  	_ =	shalt  }
0x4e: {  	_ =	shalt  }
0x4f: {  	_ =	shalt  }
0x50: {  	_ =	shalt  }
0x51: {  	_ =	shalt  }
0x52: {  	_ =	shalt  }
0x53: {  	_ =	shalt  }
0x54: {  	_ =	shalt  }
0x55: {  	_ =	shalt  }
0x56: {  	_ =	shalt  }
0x57: {  	_ =	shalt  }
0x58: {  	_ =	shalt  }
0x59: {  	_ =	shalt  }
0x5a: {  	_ =	shalt  }
0x5b: {  	_ =	shalt  }
0x5c: {  	_ =	shalt  }
0x5d: {  	_ =	shalt  }
0x5e: {  	_ =	shalt  }
0x5f: {  	_ =	shalt  }
0x60: {  	_ =	shalt  }
0x61: {  	_ =	shalt  }
0x62: {  	_ =	shalt  }
0x63: {  	_ =	shalt  }
0x64: {  	_ =	shalt  }
0x65: {  	_ =	shalt  }
0x66: {  	_ =	shalt  }
0x67: {  	_ =	shalt  }
0x68: {  	_ =	shalt  }
0x69: {  	_ =	shalt  }
0x6a: {  	_ =	shalt  }
0x6b: {  	_ =	shalt  }
0x6c: {  	_ =	shalt  }
0x6d: {  	_ =	shalt  }
0x6e: {  	_ =	shalt  }
0x6f: {  	_ =	shalt  }
0x70: {  	_ =	shalt  }
0x71: {  	_ =	shalt  }
0x72: {  	_ =	shalt  }
0x73: {  	_ =	shalt  }
0x74: {  	_ =	shalt  }
0x75: {  	_ =	shalt  }
0x76: {  	_ =	shalt  }
0x77: {  	_ =	shalt  }
0x78: {  	_ =	shalt  }
0x79: {  	_ =	shalt  }
0x7a: {  	_ =	shalt  }
0x7b: {  	_ =	shalt  }
0x7c: {  	_ =	shalt  }
0x7d: {  	_ =	shalt  }
0x7e: {  	_ =	shalt  }
0x7f: {  	_ =	shalt  }
0x80: {  	_ =	shalt  }
0x81: {  	_ =	shalt  }
0x82: {  	_ =	shalt  }
0x83: {  	_ =	shalt  }
0x84: {  	_ =	shalt  }
0x85: {  	_ =	shalt  }
0x86: {  	_ =	shalt  }
0x87: {  	_ =	shalt  }
.Lfunc_end0:
.L_simem_size_0:
called_computation.7_lowered:
.L_overlay_start_0:
0x88: {  	s2 =	sld [smem:$0x3FD9]  }
0x89: {  	s3 =	sld [smem:$0x3FFE];
	_ =	sdelay $0x1  }
0x8a: {  	s1 =	srdreg.scid  }
0x8b: {  	s0 =	sand.u32 $0x1, s1  }
0x8c: {  	s15 =	sshll.u32 s0, $0xA;
	s2 =	sadd.s32 s3, s2  }
0x8d: {  	s2 =	sadd.s32 s2, s15  }
0x8e: {  	[smem:$0x3FBE] =	sst s2  }
0x8f: {  	_ = 	snop  }
0x90: {  	s2 =	sld [smem:$0x3FD0];
	_ =	sdelay $0x2  }
0x91: {  	s16 =	simm.s32 $0xC;
	s4 =	simm.s32 $0x10  }
0x92: {  	[smem:s4], [sflag:s16] =	dma.local [hbm:s2], $0x1  }
0x93: {  	_ =	swait.eq [sflag:s16], $0x1  }
0x94: {  	[sflag:s16] =	ssyncset.done $0x0  }
0x95: {  	[sflag:s16] =	ssyncadd.s32 $0xFFFFFFFF  }
0x96: {  	s17 =	sld [smem:$0x12];
	(tm) =	ssettm $0x1  }
0x97: {  	s18 =	sld [smem:$0x3FFB];
	_ =	sdelay $0x3  }
0x98: {  	_ =	strace s18  }
0x99: {  	s2 =	sld [smem:$0x3FFC];
	_ =	sdelay $0x3  }
0x9a: {  	_ =	strace s2  }
0x9b: {  	s2 =	sld [smem:$0x3FFD];
	_ =	sdelay $0x3  }
0x9c: {  	_ =	strace s2  }
0x9d: {  	_ =	strace $0x8FFFFFFF  }
0x9e: {  	s19 =	sld [smem:$0x3FDB];
	_ =	sdelay $0x1  }
0x9f: {  	s20 =	simm.s32 $_scs_section_size  }
0xa0: {  	s5 =	simm.s32 $_size__tile_overlayer_lowered;
	s6 =	simm.s32 $_tile_overlayer_lowered  }
0xa1: {  	s7 =	simm.s32 $0x1BFF;
	s21 =	sshll.u32 s6, $0x1;
	s4 =	sadd.s32 s20, s19  }
0xa2: {  	s22 =	simm.s32 $0x0;
	s5 =	sshll.u32 s5, $0x1;
	s6 =	sadd.s32 s21, s4  }
0xa3: {  	[timem:s22], [sflag:s7] =	dma.local [hbm:s6], s5  }
0xa4: {  	_ =	swait.ge [sflag:s7], s5  }
0xa5: {  	s5 =	ssub.s32 $0x0, s5;
	[sflag:s7] =	ssyncset.done $0x0  }
0xa6: {  	[sflag:s7] =	ssyncadd.s32 s5;
	_ =	sdelay $0x1  }
0xa7: {  	s23 =	simm.s32 $0x1B8B  }
0xa8: {  	_ =	swait.ge [sflag:s23], $0x1  }
0xa9: {  	[sflag:s23] =	ssyncset.done $0x0  }
0xaa: {  	[sflag:s23] =	ssyncadd.s32 $0xFFFFFFFF  }
0xab: {  	s5 =	sld [smem:$0x0]  }
0xac: {  	s6 =	sand.u32 $0xFFFFFFFE, s1  }
0xad: {  	p0 =	sne.s32 s1, s6  }
0xae: {  	s6 =	sshll.u32 @p0 s6, $0xE  }
0xaf: {  	s6 =	sadd.s32 @p0 $0x11B8D, s6;
	s7 =	sshll.u32 @p0 s5, $0x11  }
0xb0: {  	s6 =	sor.u32 @p0 s7, s6  }
0xb1: {  	[sflag:s6] =	ssyncadd.remote.s32 @p0 $0x1;
	_ =	sdelay $0x1  }
0xb2: {  	s6 =	simm.s32 @p0 $0x1B8D  }
0xb3: {  	_ =	swait.eq @p0 [sflag:s6], $0x1  }
0xb4: {  	[sflag:s6] =	ssyncadd.s32 @p0 $0xFFFFFFFF  }
0xb5: {  	s7 =	sshll.u32 @!p0 s1, $0xE  }
0xb6: {  	s7 =	sor.u32 @!p0 $0x4000, s7;
	s6 =	simm.s32 @!p0 $0x1B8D  }
0xb7: {  	s5 =	sshll.u32 @!p0 s5, $0x11;
	s7 =	sadd.s32 @!p0 $0x11B8D, s7;
	_ =	swait.eq @!p0 [sflag:s6], $0x1  }
0xb8: {  	s5 =	sor.u32 @!p0 s5, s7;
	[sflag:s6] =	ssyncadd.s32 @!p0 $0xFFFFFFFF  }
0xb9: {  	s25 =	simm.s32 $0x1B8E;
	s24 =	sld [smem:$0x3FFE];
	[sflag:s5] =	ssyncadd.remote.s32 @!p0 $0x1  }
0xba: {  	s26 =	simm.s32 $execute0_lowered;
	[smem:$0x3FD2] =	sst s25  }
0xbb: {  	s6 =	sshll.u32 s26, $0x1;
	_ =	strace $0x80000055;
	[dreg:$0x1] =	wrdreg $0xFFFFFFFF  }
0xbc: {  	s28 =	simm.s32 $_size_execute0_lowered;
	s4 =	sadd.s32 s4, s6;
	[dreg:$0x0] =	wrdreg $0x0  }
0xbd: {  	s6 =	sshll.u32 s28, $0x1;
	[dreg:$0x2] =	wrdreg s4  }
0xbe: {  	[dreg:$0x3] =	wrdreg s6  }
0xbf: {  	[dreg:$0x4] =	wrdreg $0xC0  }
0xc0: {  	_ =	task [dreg:s22], $0x5FFFF  }
0xc1: {  	[dreg:$0x1] =	wrdreg $0xFFFFFFFF  }
0xc2: {  	[dreg:$0x0] =	wrdreg $0x60  }
0xc3: {  	[dreg:$0x2] =	wrdreg s24  }
0xc4: {  	[dreg:$0x3] =	wrdreg s17  }
0xc5: {  	[dreg:$0x4] =	wrdreg $0xB  }
0xc6: {  	_ =	task.clear_ibuf [dreg:s22], $0x5FFFF;
	_ =	strace $0x90000055  }
0xc7: {  	s29 =	simm.s32 $0xB;
	_ =	strace $0x80000057  }
0xc8: {  	_ =	swait.ge [sflag:s29], $0x1  }
0xc9: {  	[sflag:s29] =	ssyncadd.s32 $0xFFFFFFFF  }
0xca: {  	_ =	strace $0x90000057  }
0xcb: {  	_ =	sfence  }
0xcc: {  	s30 =	sld [smem:$0x0];
	_ =	sdelay $0x2  }
0xcd: {  	s31 =	sshll.u32 s1, $0xD;
	s1 =	sshrl.u32 s1, $0x2  }
0xce: {  	s4 =	sand.u32 $0x4000, s31;
	s1 =	sadd.s32 s1, s30  }
0xcf: {  	s0 =	sor.u32 s4, s0;
	s1 =	sshll.u32 s1, $0x11  }
0xd0: {  	s0 =	sor.u32 s1, s0  }
0xd1: {  	s0 =	sadd.s32 $0x8F2B, s0  }
0xd2: {  	[sflag:s0] =	ssyncadd.remote.s32 $0x1  }
0xd3: {  	_ =	sfence.sel $0xFFFF  }
0xd4: {  	[dreg:$0x0] =	wrdreg $0xFFFFFFFF;
	(pc) =	sbr.abs _section_cstart, $3  }
0xd5: {  	[dreg:$0x1] =	wrdreg $0xFFFFFFFF  }
0xd6: {  	_ =	task.clear_ibuf [dreg:s22], $0x2FFFF;
	_ =	strace $0x9FFFFFFF  }
0xd7: {  	(tm) =	ssettm $0x7FFFFFFF  }
tec
execute0_lowered:
.L_overlay_start_1:
0x0: {  	(tag) =	ssettag $0x1  }
0x1: {  	s1 =	srdreg.scid;
	s5 =	rddreg [dreg:$0x0]  }
0x2: {  	s0 =	stileid.u32;
	s2 =	rddreg [dreg:$0x1];
	s6 =	simm.s32 $0x1  }
0x3: {  	s9 =	simm.s32 $0x1;
	s10 =	simm.s32 $0x3;
	s1 =	sshll.u32 s1, $0x6  }
0x4: {  	s13 =	simm.s32 $0x0;
	s3 =	sshll.u32 s0, $0x7;
	s4 =	sand.u32 $0x40, s1  }
0x5: {  	s12 =	simm.s32 $0x0;
	s1 =	rddreg [dreg:$0x2];
	s3 =	sor.u32 s3, s4  }
0x6: {  	_ =	strace $0x80000056;
	s4 =	sadd.s32 $0xC800, s5;
	s8 =	ssub.s32 $0x1000, s3  }
.Ltmp0:
0x7: {  	s5 =	sadd.s32 $0x2800, s5;
	s7 =	sand.u32 $0x7C0, s8;
	(pc) =	sbr.rel .LBB2_1-.Ltmp0, $4  }
0x8: {  	[sflag:s6] =	ssyncpa.u1 $0x0;
	s11 =	smov.u32 s3;
	p0 =	sne.s32 s7, $0x0  }
0x9: {  	s8 =	sshrl.u32 s8, $0xB;
	s7 =	simm.s32 $0x2;
	s9 =	simm.s32 @!p0 $0x0  }
0xa: {  	[sflag:s7] =	ssyncpa.u1 $0x0;
	p0 =	por $0x0, $0x0;
	s8 =	sadd.s32 s9, s8  }
0xb: {  	vm0 =	vmmov $0xffff;
	[sflag:s10] =	ssyncpa.u1 $0x0;
	s10 =	simm.s32 $0x0;
	s9 =	sadd.s32 $0x1, s8  }
.LBB2_4:
0xc: {  	v3 =	vand.u32 $0x3, v0;
	v62 =	vshrl.u32 v0, $0x2  }
0xd: {  	v3 =	vsel vm1, $0xFFFFFFFF, v3;
	v0 =	vand.u32 $0x7FFF, v62  }
0xe: {  	v0 =	vsel vm1, $0xFFFFFFFF, v0;
	v4 =	vshrl.u32 v3, $0x2  }
0xf: {  	v4 =	vmul.u32 $0x13A00, v4;
	v5 =	vshll.u32 v0, $0x2  }
0x10: {  	v3 =	vshll.u32 v3, $0x7;
	v5 =	vand.u32 $0xFFFFFE00, v5  }
0x11: {  	v1 =	vor.u32 v1, v2;
	v3 =	vand.u32 $0x180, v3;
	v63 =	vadd.s32 v4, v5  }
0x12: {  	v0 =	vand.u32 $0x7F, v0;
	v2 =	vor.u32 v3, v63  }
0x13: {  	v0 =	vor.u32 v0, v2;
	_ =	sdelay $0x1  }
0x14: {  	(ifvalue) =	ssetifvalue $0x7FFFFFFF;
	s15 =	sadd.s32 $0x10, s15  }
0x15: {  	[tilespmem:s15], [sflag:$0x1] =	stream.indirect_vreg.gather [hbm4b:s4+s10], $0x1, v1, vm0, $0x4038;
	[tilespmem:$0x100] =	vst v63  }
0x16: {  	(ifvalue) =	ssetifvalue $0x7FFFFFFF;
	s15 =	sadd.s32 $0x10, s15  }
0x17: {  	[tilespmem:s15], [sflag:$0x1] =	stream.indirect_vreg.gather [hbm4b:s4+s10], $0x1, v0, vm0, $0x4038;
	[tilespmem:$0x100] =	vst v63  }
0x18: {  	_ =	swait.ge [sflag:s6], $0x40  }
0x19: {  	s30 =	sshrl.u32 s13, $0x3;
	[sflag:s6] =	ssyncset.done $0x0  }
0x1a: {  	s31 =	sand.u32 $0x7, s13;
	s15 =	sadd.s32 s2, s30;
	[sflag:s6] =	ssyncadd.s32 $0xFFFFFFC0  }
0x1b: {  	[hbm4b:s15+s31] =	stream.linear.scatter [tilespmem:s14], [sflag:$0x3], $0x40, $0x38;
	[tilespmem:$0x100] =	vst v63  }
.LBB2_5:
0x1c: {  	s15 =	sadd.s32 $0x800, s11  }
0x1d: {  	p2 =	sgt.s32 s15, $0xFFF  }
0x1e: {  	s15 =	smov.u32 @p2 s3;
	p2 =	sne.s32 s12, s9  }
.Ltmp1:
0x1f: {  	p1 =	slt.u32 s12, $0x2;
	(pc) =	sbr.rel @!p2 .LBB2_6-.Ltmp1, $4  }
0x20: {  	s14 =	simm.s32 @!p1 $0x3  }
0x21: {  	s16 =	sadd.s32 $0x1, s12;
	_ =	swait.ge @!p1 [sflag:s14], $0x40  }
0x22: {  	s13 =	smov.u32 s11;
	p0 =	por !p0, !p0;
	[sflag:s14] =	ssyncset.done @!p1 $0x0  }
0x23: {  	s12 =	smov.u32 s16;
	s11 =	smov.u32 s15;
	[sflag:s14] =	ssyncadd.s32 @!p1 $0xFFFFFFC0  }
.LBB2_1:
0x24: {  	p1 =	sge.u32 s12, s8  }
0x25: {  	s14 =	sxor.u32 @!p1 $0xFFFFFFFF, s12  }
0x26: {  	s31 =	sadd.s32 $0xFFFFFFFF, s12;
	s15 =	sshrl.u32 @!p1 s11, $0x3;
	s14 =	sshll.u32 @!p1 s14, $0x6  }
0x27: {  	s16 =	sand.u32 @!p1 $0x7, s11;
	s15 =	sadd.s32 @!p1 s5, s15;
	s14 =	sand.u32 @!p1 $0x40, s14  }
0x28: {  	[tilespmem:s14], [sflag:$0x2] =	stream.linear.gather @!p1 [hbm4b:s15+s16], $0x40, $0x38;
	[tilespmem:$0x100] =	vst v63  }
0x29: {  	p1 =	sge.u32 s31, s8  }
.Ltmp2:
0x2a: {  	_ = 	snop;
	(pc) =	sbr.rel @p1 .LBB2_5-.Ltmp2, $1  }
0x2b: {  	_ =	sdelay $0x3  }
0x2c: {  	s14 =	simm.s32 $0x1  }
0x2d: {  	_ =	swait.ge [sflag:s7], $0x40;
	s14 =	simm.s32 @!p0 $0x0  }
0x2e: {  	[sflag:s7] =	ssyncset.done $0x0;
	s14 =	sshll.u32 s14, $0x6  }
0x2f: {  	[sflag:s7] =	ssyncadd.s32 $0xFFFFFFC0;
	(ifvalue) =	ssetifvalue $0x7FFFFFFF;
	v0 =	vld.msk [tilespmem:s14+$0x0 ss:$0x1], $0xffff;
	_ =	sdelay $0x2  }
0x30: {  	s15 =	sadd.s32 $0x10, s14  }
0x31: {  	v3 =	vld.msk [tilespmem:s15+$0x0 ss:$0x1], $0xffff  }
0x32: {  	vm1 =	veq.s32 v0, $0x80000000;
	v1 =	vand.u32 $0x3, v0;
	v0 =	vshrl.u32 v0, $0x2  }
0x33: {  	v1 =	vsel vm1, $0xFFFFFFFF, v1;
	v0 =	vand.u32 $0x7FFF, v0  }
0x34: {  	v0 =	vsel vm1, $0xFFFFFFFF, v0;
	v2 =	vshrl.u32 v1, $0x2  }
0x35: {  	v2 =	vmul.u32 $0x13A00, v2;
	v4 =	vshll.u32 v0, $0x2  }
0x36: {  	v1 =	vshll.u32 v1, $0x7;
	vm1 =	veq.s32 v3, $0x80000000;
	v4 =	vand.u32 $0xFFFFFE00, v4  }
0x37: {  	v1 =	vand.u32 $0x180, v1;
	v0 =	vand.u32 $0x7F, v0;
	v2 =	vadd.s32 v2, v4  }
0x38: {  	s17 =	sadd.s32 $0x10, s15;
	v1 =	vor.u32 v1, v2;
	v2 =	vand.u32 $0x3, v3;
	v3 =	vshrl.u32 v3, $0x2  }
0x39: {  	v1 =	vor.u32 v0, v1;
	v0 =	vld.msk [tilespmem:s17+$0x0 ss:$0x1], $0xffff;
	v2 =	vsel vm1, $0xFFFFFFFF, v2;
	v3 =	vand.u32 $0x7FFF, v3  }
0x3a: {  	v3 =	vsel vm1, $0xFFFFFFFF, v3;
	v63 =	vshrl.u32 v2, $0x2  }
0x3b: {  	s31 =	sshll.u32 s12, $0x6;
	v4 =	vmul.u32 $0x13A00, v63;
	v5 =	vshll.u32 v3, $0x2  }
0x3c: {  	s16 =	simm.s32 $0x20;
	s15 =	sor.u32 $0x80, s14;
	s14 =	sand.u32 $0x40, s31;
	v2 =	vshll.u32 v2, $0x7;
	v5 =	vand.u32 $0xFFFFFE00, v5  }
0x3d: {  	s14 =	sor.u32 $0x80, s14;
	(ifvalue) =	ssetifvalue $0x7FFFFFFF;
	s17 =	sadd.s32 $0x10, s17;
	v2 =	vand.u32 $0x180, v2;
	v4 =	vadd.s32 v4, v5  }
0x3e: {  	[tilespmem:s15], [sflag:$0x1] =	stream.indirect_vreg.gather [hbm4b:s4+s10], $0x1, v1, vm0, $0x4038;
	vm1 =	veq.s32 v0, $0x80000000;
	v1 =	vand.u32 $0x7F, v3;
	v2 =	vor.u32 v2, v4;
	[tilespmem:$0x100] =	vst v63  }
.LBB2_3:
0x3f: {  	v3 =	vand.u32 $0x3, v0;
	v4 =	vshrl.u32 v0, $0x2;
	v0 =	vld.msk [tilespmem:s17+$0x0 ss:$0x1], $0xffff;
	v1 =	vor.u32 v1, v2;
	s16 =	sadd.s32 $0x10, s16  }
0x40: {  	v2 =	vsel vm1, $0xFFFFFFFF, v3;
	v3 =	vand.u32 $0x7FFF, v4;
	p1 =	slt.u32 s16, $0x30  }
.Ltmp3:
0x41: {  	v3 =	vsel vm1, $0xFFFFFFFF, v3;
	v4 =	vshrl.u32 v2, $0x2;
	(pc) =	sbr.rel @p1 .LBB2_3-.Ltmp3, $4  }
0x42: {  	v4 =	vmul.u32 $0x13A00, v4;
	v5 =	vshll.u32 v3, $0x2  }
0x43: {  	s15 =	sadd.s32 $0x10, s15;
	v2 =	vshll.u32 v2, $0x7;
	v5 =	vand.u32 $0xFFFFFE00, v5;
	(ifvalue) =	ssetifvalue $0x7FFFFFFF  }
0x44: {  	v2 =	vand.u32 $0x180, v2;
	v4 =	vadd.s32 v4, v5;
	[tilespmem:s15], [sflag:$0x1] =	stream.indirect_vreg.gather [hbm4b:s4+s10], $0x1, v1, vm0, $0x4038;
	[tilespmem:$0x100] =	vst v63  }
0x45: {  	s17 =	sadd.s32 $0x10, s17;
	vm1 =	veq.s32 v0, $0x80000000;
	v1 =	vand.u32 $0x7F, v3;
	v2 =	vor.u32 v2, v4  }
.Ltmp4:
0x46: {  	_ = 	snop;
	(pc) =	sbr.rel .LBB2_4-.Ltmp4, $1  }
0x47: {  	_ =	sdelay $0x3  }
.LBB2_6:
0x48: {  	_ =	sfence.sel $0x180000  }
0x49: {  	s2 =	simm.s32 $0x2;
	[bflag:$0x0] =	sbarrier.arrive $0xFFFF  }
0x4a: {  	s30 =	simm.s32 $0x3;
	[sflag:s2] =	ssyncpa.u1 $0x1  }
0x4b: {  	s31 =	simm.s32 $0x1;
	[sflag:s30] =	ssyncpa.u1 $0x1  }
0x4c: {  	[sflag:s31] =	ssyncpa.u1 $0x1  }
0x4d: {  	p0 =	sne.s32 s0, $0x0;
	_ =	strace $0x90000056  }
0x4e: {  	s0 =	sadd.s32 @!p0 $0x100000, s1;
	[bflag:$0x2] =	sbarrier.arrive $0xFFFF  }
0x4f: {  	[sflag:s0] =	ssyncadd.tile.s32 @!p0 $0x1;
	_ =	shalt  }
.Lfunc_end2:
_tile_overlayer_lowered:
.L_overlay_start_2:
0x50: {  	(tag) =	ssettag $0x2  }
0x51: {  	s0 =	rddreg [dreg:$0x0];
	s2 =	stileid.u32  }
0x52: {  	s1 =	rddreg [dreg:$0x1];
	p0 =	sne.s32 s2, $0x0  }
0x53: {  	s3 =	rddreg [dreg:$0x2];
	[bflag:$0x3] =	sbarrier.arrive $0xFFFF;
	s2 =	simm.s32 @!p0 $0x1C01  }
0x54: {  	[timem:s3], [sflag:s2] =	dma.local @!p0 [hbm:s0], s1  }
0x55: {  	s0 =	simm.s32 @!p0 $0x1  }
0x56: {  	_ =	swait.ge @!p0 [sflag:s0], s1  }
0x57: {  	s1 =	ssub.s32 @!p0 $0x0, s1;
	[sflag:s0] =	ssyncset.done @!p0 $0x0  }
0x58: {  	[sflag:s0] =	ssyncadd.s32 @!p0 s1  }
0x59: {  	[bflag:$0x3] =	sbarrier.arrive $0xFFFF  }
0x5a: {  	_ =	shalt  }

// kernel: gather_offload_async_start
scs
__scs_entry_jumppad:
0x0: {  	(pc) =	sbr.rel $0x88, $3  }
0x1: {  	(tag) =	ssettag $0x0;
	lr =	simm.s32 $0x1  }
0x2: {  	[smem:$0x3F97] =	sst lr;
	_ =	strace $0xD0000000  }
0x3: {  	_ = 	snop  }
0x4: {  	_ = 	snop  }
0x5: {  	_ = 	snop  }
0x6: {  	_ = 	snop  }
0x7: {  	_ = 	snop  }
__scs_overlays_trampoline_lowered:
0x8: {  	[smem:$0x3FA6] =	sst s0  }
0x9: {  	[smem:$0x3FA7] =	sst s1  }
0xa: {  	[smem:$0x3FA8] =	sst s2  }
0xb: {  	[smem:$0x3FA9] =	sst s3  }
0xc: {  	[smem:$0x3FAA] =	sst s4  }
0xd: {  	[smem:$0x3FAB] =	sst s5  }
0xe: {  	[smem:$0x3FAC] =	sst s6  }
0xf: {  	[smem:$0x3FAD] =	sst s7  }
0x10: {  	[smem:$0x3FAE] =	sst s8  }
0x11: {  	[smem:$0x3FAF] =	sst s9;
	s0 =	simm.s32 @!p0 $0x0  }
0x12: {  	s1 =	sld [smem:$0x3F95];
	s0 =	simm.s32 @p0 $0x1  }
0x13: {  	[smem:$0x3FB0] =	sst s0;
	s0 =	simm.s32 @!p1 $0x0  }
0x14: {  	s2 =	sld [smem:$0x3F94];
	s0 =	simm.s32 @p1 $0x1  }
0x15: {  	[smem:$0x3FB1] =	sst s0;
	s0 =	simm.s32 @!p2 $0x0  }
0x16: {  	s3 =	sld [smem:$0x3FDB];
	s0 =	simm.s32 @p2 $0x1  }
0x17: {  	s4 =	simm.s32 $0x1BF5;
	[smem:$0x3FB3] =	sst s0  }
0x18: {  	s0 =	sld [smem:$0x3F96];
	_ =	swait.ge [sflag:s4], $0x0  }
0x19: {  	s7 =	sld [smem:$0x3F97]  }
0x1a: {  	s8 =	sadd.s32 $0xFFFFE003, lr  }
0x1b: {  	s9 =	sadd.s32 $0xFFFFFEF7, lr;
	s5 =	simm.s32 $0xFFFFFFFF;
	p2 =	slt.u32 s8, $0xFFFFF086  }
0x1c: {  	p1 =	slt.u32 s9, $0xF7A;
	s5 =	simm.s32 @!p2 $0x0  }
0x1d: {  	s5 =	simm.s32 @p1 $0x1;
	p0 =	seq.s32 s7, s2  }
0x1e: {  	s7 =	smul.u32 @!p0 $0xF7A, s2;
	p2 =	seq.s32 @!p0 s5, $0x0  }
0x1f: {  	s9 =	smul.u32 $0xF7A, s1;
	s8 =	simm.s32 @!p0 $0x1BF5;
	p2 =	por !p2, p0  }
0x20: {  	[sflag:s8] =	ssyncset.s32 @!p0 $0xFFFFF086;
	s6 =	sadd.s32 @!p0 s3, s7;
	s7 =	simm.s32 @!p0 $0x108  }
0x21: {  	s3 =	sadd.s32 s3, s9;
	s6 =	sadd.s32 @!p0 $0x88, s6;
	s7 =	simm.s32 @p2 $0x1082  }
0x22: {  	[simem:s7], [sflag:s8] =	dma.local @!p0 [hbm:s6], $0xF7A  }
0x23: {  	s9 =	sor.u32 $0xD0000000, s2;
	s6 =	simm.s32 $0x108;
	_ =	swait.ge @!p0 [sflag:s8], $0x0  }
0x24: {  	s3 =	sadd.s32 $0x88, s3;
	s6 =	simm.s32 @!p1 $0x1082;
	[sflag:s4] =	ssyncset.s32 $0xFFFFF086  }
0x25: {  	[simem:s6], [sflag:s4] =	dma.local [hbm:s3], $0xF7A  }
0x26: {  	[smem:$0x3F97] =	sst s1;
	(tag) =	ssettag s2;
	_ =	strace s9  }
0x27: {  	s1 =	sld [smem:$0x3FA7]  }
0x28: {  	s2 =	sld [smem:$0x3FA8]  }
0x29: {  	s4 =	sld [smem:$0x3FAA]  }
0x2a: {  	p0 =	seq.s32 s5, $0x0;
	s5 =	sld [smem:$0x3FAB]  }
0x2b: {  	s6 =	sld [smem:$0x3FAC]  }
0x2c: {  	s7 =	sld [smem:$0x3FAD]  }
0x2d: {  	s3 =	simm.s32 $0x108;
	s8 =	sld [smem:$0x3FAE]  }
0x2e: {  	s3 =	simm.s32 @!p0 $0x1082;
	s9 =	sld [smem:$0x3FAF]  }
0x2f: {  	lr =	sadd.s32 s0, s3;
	s0 =	sld [smem:$0x3FA6]  }
0x30: {  	s3 =	sld [smem:$0x3FA9]  }
0x31: {  	[smem:$0x3FB2] =	sst s10  }
0x32: {  	s10 =	sld [smem:$0x3FB0];
	_ =	sdelay $0x3  }
0x33: {  	p0 =	seq.s32 s10, $0x1;
	s10 =	sld [smem:$0x3FB2];
	_ =	sdelay $0x3  }
0x34: {  	[smem:$0x3FB2] =	sst s10  }
0x35: {  	s10 =	sld [smem:$0x3FB1];
	_ =	sdelay $0x3  }
0x36: {  	p1 =	seq.s32 s10, $0x1;
	s10 =	sld [smem:$0x3FB2];
	_ =	sdelay $0x3  }
0x37: {  	[smem:$0x3FB2] =	sst s10  }
0x38: {  	s10 =	sld [smem:$0x3FB3]  }
0x39: {  	_ = 	snop;
	(pc) =	sbr.ind lr, $3  }
0x3a: {  	_ = 	snop  }
0x3b: {  	_ = 	snop  }
0x3c: {  	p2 =	seq.s32 s10, $0x1;
	s10 =	sld [smem:$0x3FB2]  }
0x3d: {  	_ =	shalt  }
0x3e: {  	_ =	shalt  }
0x3f: {  	_ =	shalt  }
0x40: {  	_ =	shalt  }
0x41: {  	_ =	shalt  }
0x42: {  	_ =	shalt  }
0x43: {  	_ =	shalt  }
0x44: {  	_ =	shalt  }
0x45: {  	_ =	shalt  }
0x46: {  	_ =	shalt  }
0x47: {  	_ =	shalt  }
0x48: {  	_ =	shalt  }
0x49: {  	_ =	shalt  }
0x4a: {  	_ =	shalt  }
0x4b: {  	_ =	shalt  }
0x4c: {  	_ =	shalt  }
0x4d: {  	_ =	shalt  }
0x4e: {  	_ =	shalt  }
0x4f: {  	_ =	shalt  }
0x50: {  	_ =	shalt  }
0x51: {  	_ =	shalt  }
0x52: {  	_ =	shalt  }
0x53: {  	_ =	shalt  }
0x54: {  	_ =	shalt  }
0x55: {  	_ =	shalt  }
0x56: {  	_ =	shalt  }
0x57: {  	_ =	shalt  }
0x58: {  	_ =	shalt  }
0x59: {  	_ =	shalt  }
0x5a: {  	_ =	shalt  }
0x5b: {  	_ =	shalt  }
0x5c: {  	_ =	shalt  }
0x5d: {  	_ =	shalt  }
0x5e: {  	_ =	shalt  }
0x5f: {  	_ =	shalt  }
0x60: {  	_ =	shalt  }
0x61: {  	_ =	shalt  }
0x62: {  	_ =	shalt  }
0x63: {  	_ =	shalt  }
0x64: {  	_ =	shalt  }
0x65: {  	_ =	shalt  }
0x66: {  	_ =	shalt  }
0x67: {  	_ =	shalt  }
0x68: {  	_ =	shalt  }
0x69: {  	_ =	shalt  }
0x6a: {  	_ =	shalt  }
0x6b: {  	_ =	shalt  }
0x6c: {  	_ =	shalt  }
0x6d: {  	_ =	shalt  }
0x6e: {  	_ =	shalt  }
0x6f: {  	_ =	shalt  }
0x70: {  	_ =	shalt  }
0x71: {  	_ =	shalt  }
0x72: {  	_ =	shalt  }
0x73: {  	_ =	shalt  }
0x74: {  	_ =	shalt  }
0x75: {  	_ =	shalt  }
0x76: {  	_ =	shalt  }
0x77: {  	_ =	shalt  }
0x78: {  	_ =	shalt  }
0x79: {  	_ =	shalt  }
0x7a: {  	_ =	shalt  }
0x7b: {  	_ =	shalt  }
0x7c: {  	_ =	shalt  }
0x7d: {  	_ =	shalt  }
0x7e: {  	_ =	shalt  }
0x7f: {  	_ =	shalt  }
0x80: {  	_ =	shalt  }
0x81: {  	_ =	shalt  }
0x82: {  	_ =	shalt  }
0x83: {  	_ =	shalt  }
0x84: {  	_ =	shalt  }
0x85: {  	_ =	shalt  }
0x86: {  	_ =	shalt  }
0x87: {  	_ =	shalt  }
.Lfunc_end0:
.L_simem_size_0:
called_computation.2_lowered:
.L_overlay_start_0:
0x88: {  	s2 =	sld [smem:$0x3FD9]  }
0x89: {  	s3 =	sld [smem:$0x3FFE];
	_ =	sdelay $0x1  }
0x8a: {  	s1 =	srdreg.scid  }
0x8b: {  	s0 =	sand.u32 $0x1, s1  }
0x8c: {  	s17 =	sshll.u32 s0, $0xA;
	s2 =	sadd.s32 s3, s2  }
0x8d: {  	s2 =	sadd.s32 s2, s17  }
0x8e: {  	[smem:$0x3FBE] =	sst s2  }
0x8f: {  	_ = 	snop  }
0x90: {  	(tm) =	ssettm $0x1  }
0x91: {  	s18 =	sld [smem:$0x3FFB];
	_ =	sdelay $0x3  }
0x92: {  	_ =	strace s18  }
0x93: {  	s2 =	sld [smem:$0x3FFC];
	_ =	sdelay $0x3  }
0x94: {  	_ =	strace s2  }
0x95: {  	s2 =	sld [smem:$0x3FFD];
	_ =	sdelay $0x3  }
0x96: {  	_ =	strace s2  }
0x97: {  	_ =	strace $0x8FFFFFFF  }
0x98: {  	s19 =	sld [smem:$0x3FDB];
	_ =	sdelay $0x1  }
0x99: {  	s20 =	simm.s32 $_scs_section_size  }
0x9a: {  	s4 =	simm.s32 $_size__tile_overlayer_lowered;
	s5 =	simm.s32 $_tile_overlayer_lowered  }
0x9b: {  	s6 =	simm.s32 $0x1BFF;
	s21 =	sshll.u32 s5, $0x1;
	s3 =	sadd.s32 s20, s19  }
0x9c: {  	s22 =	simm.s32 $0x0;
	s4 =	sshll.u32 s4, $0x1;
	s5 =	sadd.s32 s21, s3  }
0x9d: {  	[timem:s22], [sflag:s6] =	dma.local [hbm:s5], s4  }
0x9e: {  	_ =	swait.ge [sflag:s6], s4  }
0x9f: {  	s4 =	ssub.s32 $0x0, s4;
	[sflag:s6] =	ssyncset.done $0x0  }
0xa0: {  	[sflag:s6] =	ssyncadd.s32 s4;
	_ =	sdelay $0x1  }
0xa1: {  	s23 =	simm.s32 $0x1B8B  }
0xa2: {  	_ =	swait.ge [sflag:s23], $0x1  }
0xa3: {  	[sflag:s23] =	ssyncset.done $0x0  }
0xa4: {  	[sflag:s23] =	ssyncadd.s32 $0xFFFFFFFF  }
0xa5: {  	s4 =	sld [smem:$0x0]  }
0xa6: {  	s5 =	sand.u32 $0xFFFFFFFE, s1  }
0xa7: {  	p0 =	sne.s32 s1, s5  }
0xa8: {  	s5 =	sshll.u32 @p0 s5, $0xE  }
0xa9: {  	s5 =	sadd.s32 @p0 $0x11B8D, s5;
	s6 =	sshll.u32 @p0 s4, $0x11  }
0xaa: {  	s5 =	sor.u32 @p0 s6, s5  }
0xab: {  	[sflag:s5] =	ssyncadd.remote.s32 @p0 $0x1;
	_ =	sdelay $0x1  }
0xac: {  	s5 =	simm.s32 @p0 $0x1B8D  }
0xad: {  	_ =	swait.eq @p0 [sflag:s5], $0x1  }
0xae: {  	[sflag:s5] =	ssyncadd.s32 @p0 $0xFFFFFFFF  }
0xaf: {  	s6 =	sshll.u32 @!p0 s1, $0xE  }
0xb0: {  	s6 =	sor.u32 @!p0 $0x4000, s6;
	s5 =	simm.s32 @!p0 $0x1B8D  }
0xb1: {  	s4 =	sshll.u32 @!p0 s4, $0x11;
	s6 =	sadd.s32 @!p0 $0x11B8D, s6;
	_ =	swait.eq @!p0 [sflag:s5], $0x1  }
0xb2: {  	s4 =	sor.u32 @!p0 s4, s6;
	[sflag:s5] =	ssyncadd.s32 @!p0 $0xFFFFFFFF  }
0xb3: {  	s25 =	simm.s32 $0x1B8E;
	s24 =	sld [smem:$0x3FFE];
	[sflag:s4] =	ssyncadd.remote.s32 @!p0 $0x1  }
0xb4: {  	s26 =	simm.s32 $execute0_lowered;
	[smem:$0x3FD2] =	sst s25  }
0xb5: {  	s5 =	sshll.u32 s26, $0x1;
	_ =	strace $0x80000052;
	[dreg:$0x1] =	wrdreg $0xFFFFFFFF  }
0xb6: {  	s28 =	simm.s32 $_size_execute0_lowered;
	s3 =	sadd.s32 s3, s5;
	[dreg:$0x0] =	wrdreg $0x0  }
0xb7: {  	s5 =	sshll.u32 s28, $0x1;
	[dreg:$0x2] =	wrdreg s3  }
0xb8: {  	[dreg:$0x3] =	wrdreg s5  }
0xb9: {  	[dreg:$0x4] =	wrdreg $0xC0  }
0xba: {  	_ =	task [dreg:s22], $0x5FFFF  }
0xbb: {  	[dreg:$0x1] =	wrdreg $0xFFFFFFFF  }
0xbc: {  	[dreg:$0x0] =	wrdreg $0x60  }
0xbd: {  	[dreg:$0x2] =	wrdreg s24  }
0xbe: {  	[dreg:$0x3] =	wrdreg $0x9  }
0xbf: {  	_ =	task.clear_ibuf [dreg:s22], $0x4FFFF;
	_ =	strace $0x90000052  }
0xc0: {  	s29 =	simm.s32 $0x9;
	_ =	strace $0x80000054  }
0xc1: {  	_ =	swait.ge [sflag:s29], $0x1  }
0xc2: {  	[sflag:s29] =	ssyncadd.s32 $0xFFFFFFFF  }
0xc3: {  	_ =	strace $0x90000054  }
0xc4: {  	_ =	sfence  }
0xc5: {  	s30 =	sld [smem:$0x0];
	_ =	sdelay $0x2  }
0xc6: {  	s31 =	sshll.u32 s1, $0xD;
	s1 =	sshrl.u32 s1, $0x2  }
0xc7: {  	s4 =	sand.u32 $0x4000, s31;
	s1 =	sadd.s32 s1, s30  }
0xc8: {  	s0 =	sor.u32 s4, s0;
	s1 =	sshll.u32 s1, $0x11  }
0xc9: {  	s0 =	sor.u32 s1, s0  }
0xca: {  	s0 =	sadd.s32 $0x8F2B, s0  }
0xcb: {  	[sflag:s0] =	ssyncadd.remote.s32 $0x1  }
0xcc: {  	_ =	sfence.sel $0xFFFF  }
0xcd: {  	[dreg:$0x0] =	wrdreg $0xFFFFFFFF;
	(pc) =	sbr.abs _section_cstart, $3  }
0xce: {  	[dreg:$0x1] =	wrdreg $0xFFFFFFFF  }
0xcf: {  	_ =	task.clear_ibuf [dreg:s22], $0x2FFFF;
	_ =	strace $0x9FFFFFFF  }
0xd0: {  	(tm) =	ssettm $0x7FFFFFFF  }
0xd1: {  	_ =	shalt  }
tec
execute0_lowered:
.L_overlay_start_1:
0x0: {  	(tag) =	ssettag $0x1  }
0x1: {  	s0 =	srdreg.scid  }
0x2: {  	s1 =	sshll.u32 s0, $0x4  }
0x3: {  	s0 =	stileid.u32;
	s1 =	sand.u32 $0x10, s1  }
0x4: {  	s1 =	sor.u32 s0, s1  }
0x5: {  	s2 =	smul.u32 $0xF, s1  }
0x6: {  	s3 =	smin.u32 s1, $0x14  }
0x7: {  	s2 =	sadd.s32 s3, s2  }
0x8: {  	p0 =	slt.u32 s1, $0x14;
	s1 =	simm.s32 $0xA00;
	s2 =	smul.u32 $0xA0, s2  }
0x9: {  	s1 =	simm.s32 @!p0 $0x960  }
0xa: {  	s1 =	sadd.s32 s1, s2  }
0xb: {  	s3 =	smin.u32 s1, $0x13880  }
0xc: {  	s7 =	ssub.s32 s3, s2  }
0xd: {  	p0 =	sgt.s32 s7, $0x0  }
0xe: {  	s7 =	simm.s32 @!p0 $0x0  }
0xf: {  	s31 =	smulhi.u32 $0x66666667, s7  }
0x10: {  	s4 =	rddreg [dreg:$0x0];
	s6 =	simm.s32 $0x1  }
0x11: {  	s10 =	simm.s32 $0x3;
	s13 =	simm.s32 $0x0;
	s8 =	sshrl.u32 s31, $0x6  }
0x12: {  	s12 =	simm.s32 $0x0;
	s5 =	sadd.s32 $0x893000, s4;
	s9 =	smul.u32 $0xA0, s8  }
.Ltmp0:
0x13: {  	s11 =	smov.u32 s2;
	s1 =	rddreg [dreg:$0x1];
	(pc) =	sbr.rel .LBB2_1-.Ltmp0, $4  }
0x14: {  	_ =	strace $0x80000053;
	p0 =	sne.s32 s7, s9;
	s9 =	simm.s32 $0x1  }
0x15: {  	[sflag:s6] =	ssyncpa.u1 $0x0;
	s7 =	simm.s32 $0x2;
	s9 =	simm.s32 @!p0 $0x0  }
0x16: {  	[sflag:s7] =	ssyncpa.u1 $0x0;
	p0 =	por $0x0, $0x0;
	s8 =	sadd.s32 s9, s8  }
0x17: {  	vm0 =	vmmov $0xff;
	vm1 =	vcmask $0x3F20;
	s9 =	sadd.s32 $0x3B1000, s4;
	[sflag:s10] =	ssyncpa.u1 $0x0;
	s10 =	sadd.s32 $0x1, s8  }
.LBB2_8:
0x18: {  	[hbm:s17] =	stream.linear.scatter [tilespmem:s14], [sflag:$0x3], $0x800, $0x38;
	[tilespmem:$0x14140] =	vst v63  }
.LBB2_9:
0x19: {  	s13 =	sadd.s32 $0xA0, s11  }
0x1a: {  	s15 =	smov.u32 s2;
	p2 =	slt.s32 s13, s3  }
0x1b: {  	s15 =	smov.u32 @p2 s13;
	p2 =	sne.s32 s12, s10  }
.Ltmp1:
0x1c: {  	p1 =	slt.u32 s12, $0x2;
	(pc) =	sbr.rel @!p2 .LBB2_10-.Ltmp1, $4  }
0x1d: {  	s14 =	simm.s32 @!p1 $0x3  }
0x1e: {  	s16 =	sadd.s32 $0x1, s12;
	_ =	swait.ge @!p1 [sflag:s14], $0xA000  }
0x1f: {  	p0 =	por !p0, !p0;
	s13 =	smov.u32 s11;
	[sflag:s14] =	ssyncset.done @!p1 $0x0  }
0x20: {  	s12 =	smov.u32 s16;
	s11 =	smov.u32 s15;
	[sflag:s14] =	ssyncadd.s32 @!p1 $0xFFFF6000  }
.LBB2_1:
0x21: {  	p1 =	sge.u32 s12, s8  }
0x22: {  	s14 =	sxor.u32 @!p1 $0xFFFFFFFF, s12  }
0x23: {  	s14 =	sand.u32 @!p1 $0x1, s14  }
0x24: {  	s14 =	smul.u32 @!p1 $0x280, s14  }
0x25: {  	s31 =	sadd.s32 $0xFFFFFFFF, s12;
	s15 =	sshrl.u32 @!p1 s11, $0x3  }
0x26: {  	s16 =	sand.u32 @!p1 $0x7, s11;
	s15 =	sadd.s32 @!p1 s4, s15;
	s14 =	sshrl.u32 @!p1 s14, $0x2  }
0x27: {  	[tilespmem:s14], [sflag:$0x2] =	stream.linear.gather @!p1 [hbm4b:s15+s16], $0xA0, $0x38;
	[tilespmem:$0x14140] =	vst v63  }
0x28: {  	p1 =	sge.u32 s31, s8  }
.Ltmp2:
0x29: {  	_ = 	snop;
	(pc) =	sbr.rel @p1 .LBB2_9-.Ltmp2, $1  }
0x2a: {  	_ =	sdelay $0x3  }
0x2b: {  	s14 =	simm.s32 $0x1;
	s15 =	sand.u32 $0x1, s12  }
0x2c: {  	s14 =	simm.s32 @!p0 $0x0;
	s16 =	smul.u32 $0x28000, s15  }
0x2d: {  	_ =	swait.ge [sflag:s7], $0xA0;
	s14 =	smul.u32 $0x28000, s14  }
0x2e: {  	s17 =	simm.s32 $0x0;
	[sflag:s7] =	ssyncset.done $0x0;
	s15 =	smul.u32 $0x280, s15  }
0x2f: {  	[sflag:s7] =	ssyncadd.s32 $0xFFFFFF60;
	s16 =	sshrl.u32 s16, $0x2;
	s14 =	sshrl.u32 s14, $0x2  }
0x30: {  	s15 =	sshrl.u32 s15, $0x2;
	s16 =	sor.u32 $0x140, s16;
	s14 =	sor.u32 $0x140, s14  }
.LBB2_3:
0x31: {  	s18 =	sshll.u32 s17, $0x4  }
0x32: {  	s18 =	sand.u32 $0x3FFFFFF0, s18  }
0x33: {  	s18 =	sadd.s32 s18, s15  }
0x34: {  	v0 =	vld.msk [tilespmem:s18+$0x0 ss:$0x1], $0xffff;
	_ =	sdelay $0x4  }
0x35: {  	vm2 =	vgt.s32 v0, $0x0  }
0x36: {  	v0 =	vnsel vm2, $0x0, v0  }
0x37: {  	v0 =	vmin.u32 v0, $0x1387F  }
0x38: {  	s31 =	sshll.u32 s17, $0xC;
	v1 =	vshll.u32 v0, $0x5;
	v0 =	vshll.u32 v0, $0x4  }
0x39: {  	s18 =	sand.u32 $0x3FFFF000, s31;
	v1 =	vand.u32 $0x3FFF00, v1;
	v0 =	vand.u32 $0x70, v0  }
0x3a: {  	p1 =	por $0x1, $0x1;
	s19 =	simm.s32 $0x0;
	s18 =	sadd.s32 s18, s16;
	v0 =	vor.u32 v0, v1  }
.LBB2_4:
0x3b: {  	_ =	sdelay $0x1  }
0x3c: {  	s19 =	sshra.s32 s19, $0x2;
	p2 =	por p1, p1  }
.Ltmp3:
0x3d: {  	s19 =	sadd.s32 s19, s18;
	(pc) =	sbr.rel @p2 .LBB2_4-.Ltmp3, $4  }
0x3e: {  	[tilespmem:s19], [sflag:$0x1] =	stream.indirect_vreg.gather [hbm:s5], $0x80, v0, vm0, $0x38;
	[tilespmem:$0x14140] =	vst v63  }
0x3f: {  	s19 =	sadd.s32 $0x800, s19  }
0x40: {  	[tilespmem:s19], [sflag:$0x1] =	stream.indirect_vreg.gather [hbm:s5], $0x80, v0, vm1, $0x38;
	[tilespmem:$0x14140] =	vst v63  }
0x41: {  	p1 =	por $0x0, $0x0;
	v0 =	vadd.s32 $0x80, v0;
	s19 =	simm.s32 $0x1000  }
0x42: {  	s17 =	sadd.s32 $0x1, s17  }
0x43: {  	p1 =	sne.s32 s17, $0xA  }
.Ltmp4:
0x44: {  	_ = 	snop;
	(pc) =	sbr.rel @p1 .LBB2_3-.Ltmp4, $1  }
0x45: {  	_ =	sdelay $0x3  }
0x46: {  	s15 =	sshll.u32 s13, $0x5  }
0x47: {  	s31 =	sshll.u32 s13, $0x4;
	s15 =	sand.u32 $0xFFFFFF00, s15  }
0x48: {  	_ =	swait.ge [sflag:s6], $0xA000;
	s13 =	sand.u32 $0x70, s31;
	s15 =	sadd.s32 s15, s9  }
0x49: {  	s16 =	sadd.s32 $0x800, s14;
	[sflag:s6] =	ssyncset.done $0x0;
	s13 =	sadd.s32 s13, s15  }
0x4a: {  	[sflag:s6] =	ssyncadd.s32 $0xFFFF6000;
	s15 =	simm.s32 $0x100;
	s17 =	sadd.s32 $0x0, s13  }
.LBB2_7:
0x4b: {  	[hbm:s17] =	stream.linear.scatter [tilespmem:s14], [sflag:$0x3], $0x800, $0x38;
	[tilespmem:$0x14140] =	vst v63  }
0x4c: {  	s17 =	smov.u32 s15;
	s14 =	smov.u32 s16;
	p1 =	sne.s32 s15, $0x1300  }
.Ltmp5:
0x4d: {  	s15 =	sadd.s32 $0x100, s15;
	(pc) =	sbr.rel @p1 .LBB2_7-.Ltmp5, $2  }
0x4e: {  	_ =	sdelay $0x2  }
0x4f: {  	s16 =	sadd.s32 $0x800, s16;
	s17 =	sadd.s32 s17, s13  }
.Ltmp6:
0x50: {  	_ = 	snop;
	(pc) =	sbr.rel .LBB2_8-.Ltmp6, $1  }
0x51: {  	_ =	sdelay $0x3  }
.LBB2_10:
0x52: {  	_ =	sfence.sel $0x180000  }
0x53: {  	s2 =	simm.s32 $0x2;
	[bflag:$0x0] =	sbarrier.arrive $0xFFFF  }
0x54: {  	s30 =	simm.s32 $0x3;
	[sflag:s2] =	ssyncpa.u1 $0x1  }
0x55: {  	s31 =	simm.s32 $0x1;
	[sflag:s30] =	ssyncpa.u1 $0x1  }
0x56: {  	[sflag:s31] =	ssyncpa.u1 $0x1  }
0x57: {  	p0 =	sne.s32 s0, $0x0;
	_ =	strace $0x90000053  }
0x58: {  	s0 =	sadd.s32 @!p0 $0x100000, s1;
	[bflag:$0x2] =	sbarrier.arrive $0xFFFF  }
0x59: {  	[sflag:s0] =	ssyncadd.tile.s32 @!p0 $0x1;
	_ =	shalt  }
.Lfunc_end2:
_tile_overlayer_lowered:
.L_overlay_start_2:
0x5a: {  	(tag) =	ssettag $0x2  }
0x5b: {  	s0 =	rddreg [dreg:$0x0];
	s2 =	stileid.u32  }
0x5c: {  	s1 =	rddreg [dreg:$0x1];
	p0 =	sne.s32 s2, $0x0  }
0x5d: {  	s3 =	rddreg [dreg:$0x2];
	[bflag:$0x3] =	sbarrier.arrive $0xFFFF;
	s2 =	simm.s32 @!p0 $0x1C01  }
0x5e: {  	[timem:s3], [sflag:s2] =	dma.local @!p0 [hbm:s0], s1  }
0x5f: {  	s0 =	simm.s32 @!p0 $0x1  }
0x60: {  	_ =	swait.ge @!p0 [sflag:s0], s1  }
0x61: {  	s1 =	ssub.s32 @!p0 $0x0, s1;
	[sflag:s0] =	ssyncset.done @!p0 $0x0  }
0x62: {  	[sflag:s0] =	ssyncadd.s32 @!p0 s1  }
0x63: {  	[bflag:$0x3] =	sbarrier.arrive $0xFFFF  }
0x64: {  	_ =	shalt  }

// kernel: scatter_offload_async_start.1
scs
__scs_entry_jumppad:
0x0: {  	(pc) =	sbr.rel $0x88, $3  }
0x1: {  	(tag) =	ssettag $0x0;
	lr =	simm.s32 $0x1  }
0x2: {  	[smem:$0x3F97] =	sst lr;
	_ =	strace $0xD0000000  }
0x3: {  	_ = 	snop  }
0x4: {  	_ = 	snop  }
0x5: {  	_ = 	snop  }
0x6: {  	_ = 	snop  }
0x7: {  	_ = 	snop  }
__scs_overlays_trampoline_lowered:
0x8: {  	[smem:$0x3FA6] =	sst s0  }
0x9: {  	[smem:$0x3FA7] =	sst s1  }
0xa: {  	[smem:$0x3FA8] =	sst s2  }
0xb: {  	[smem:$0x3FA9] =	sst s3  }
0xc: {  	[smem:$0x3FAA] =	sst s4  }
0xd: {  	[smem:$0x3FAB] =	sst s5  }
0xe: {  	[smem:$0x3FAC] =	sst s6  }
0xf: {  	[smem:$0x3FAD] =	sst s7  }
0x10: {  	[smem:$0x3FAE] =	sst s8  }
0x11: {  	[smem:$0x3FAF] =	sst s9;
	s0 =	simm.s32 @!p0 $0x0  }
0x12: {  	s1 =	sld [smem:$0x3F95];
	s0 =	simm.s32 @p0 $0x1  }
0x13: {  	[smem:$0x3FB0] =	sst s0;
	s0 =	simm.s32 @!p1 $0x0  }
0x14: {  	s2 =	sld [smem:$0x3F94];
	s0 =	simm.s32 @p1 $0x1  }
0x15: {  	[smem:$0x3FB1] =	sst s0;
	s0 =	simm.s32 @!p2 $0x0  }
0x16: {  	s3 =	sld [smem:$0x3FDB];
	s0 =	simm.s32 @p2 $0x1  }
0x17: {  	s4 =	simm.s32 $0x1BF5;
	[smem:$0x3FB3] =	sst s0  }
0x18: {  	s0 =	sld [smem:$0x3F96];
	_ =	swait.ge [sflag:s4], $0x0  }
0x19: {  	s7 =	sld [smem:$0x3F97]  }
0x1a: {  	s8 =	sadd.s32 $0xFFFFE003, lr  }
0x1b: {  	s9 =	sadd.s32 $0xFFFFFEF7, lr;
	s5 =	simm.s32 $0xFFFFFFFF;
	p2 =	slt.u32 s8, $0xFFFFF086  }
0x1c: {  	p1 =	slt.u32 s9, $0xF7A;
	s5 =	simm.s32 @!p2 $0x0  }
0x1d: {  	s5 =	simm.s32 @p1 $0x1;
	p0 =	seq.s32 s7, s2  }
0x1e: {  	s7 =	smul.u32 @!p0 $0xF7A, s2;
	p2 =	seq.s32 @!p0 s5, $0x0  }
0x1f: {  	s9 =	smul.u32 $0xF7A, s1;
	s8 =	simm.s32 @!p0 $0x1BF5;
	p2 =	por !p2, p0  }
0x20: {  	[sflag:s8] =	ssyncset.s32 @!p0 $0xFFFFF086;
	s6 =	sadd.s32 @!p0 s3, s7;
	s7 =	simm.s32 @!p0 $0x108  }
0x21: {  	s3 =	sadd.s32 s3, s9;
	s6 =	sadd.s32 @!p0 $0x88, s6;
	s7 =	simm.s32 @p2 $0x1082  }
0x22: {  	[simem:s7], [sflag:s8] =	dma.local @!p0 [hbm:s6], $0xF7A  }
0x23: {  	s9 =	sor.u32 $0xD0000000, s2;
	s6 =	simm.s32 $0x108;
	_ =	swait.ge @!p0 [sflag:s8], $0x0  }
0x24: {  	s3 =	sadd.s32 $0x88, s3;
	s6 =	simm.s32 @!p1 $0x1082;
	[sflag:s4] =	ssyncset.s32 $0xFFFFF086  }
0x25: {  	[simem:s6], [sflag:s4] =	dma.local [hbm:s3], $0xF7A  }
0x26: {  	[smem:$0x3F97] =	sst s1;
	(tag) =	ssettag s2;
	_ =	strace s9  }
0x27: {  	s1 =	sld [smem:$0x3FA7]  }
0x28: {  	s2 =	sld [smem:$0x3FA8]  }
0x29: {  	s4 =	sld [smem:$0x3FAA]  }
0x2a: {  	p0 =	seq.s32 s5, $0x0;
	s5 =	sld [smem:$0x3FAB]  }
0x2b: {  	s6 =	sld [smem:$0x3FAC]  }
0x2c: {  	s7 =	sld [smem:$0x3FAD]  }
0x2d: {  	s3 =	simm.s32 $0x108;
	s8 =	sld [smem:$0x3FAE]  }
0x2e: {  	s3 =	simm.s32 @!p0 $0x1082;
	s9 =	sld [smem:$0x3FAF]  }
0x2f: {  	lr =	sadd.s32 s0, s3;
	s0 =	sld [smem:$0x3FA6]  }
0x30: {  	s3 =	sld [smem:$0x3FA9]  }
0x31: {  	[smem:$0x3FB2] =	sst s10  }
0x32: {  	s10 =	sld [smem:$0x3FB0];
	_ =	sdelay $0x3  }
0x33: {  	p0 =	seq.s32 s10, $0x1;
	s10 =	sld [smem:$0x3FB2];
	_ =	sdelay $0x3  }
0x34: {  	[smem:$0x3FB2] =	sst s10  }
0x35: {  	s10 =	sld [smem:$0x3FB1];
	_ =	sdelay $0x3  }
0x36: {  	p1 =	seq.s32 s10, $0x1;
	s10 =	sld [smem:$0x3FB2];
	_ =	sdelay $0x3  }
0x37: {  	[smem:$0x3FB2] =	sst s10  }
0x38: {  	s10 =	sld [smem:$0x3FB3]  }
0x39: {  	_ = 	snop;
	(pc) =	sbr.ind lr, $3  }
0x3a: {  	_ = 	snop  }
0x3b: {  	_ = 	snop  }
0x3c: {  	p2 =	seq.s32 s10, $0x1;
	s10 =	sld [smem:$0x3FB2]  }
0x3d: {  	_ =	shalt  }
0x3e: {  	_ =	shalt  }
0x3f: {  	_ =	shalt  }
0x40: {  	_ =	shalt  }
0x41: {  	_ =	shalt  }
0x42: {  	_ =	shalt  }
0x43: {  	_ =	shalt  }
0x44: {  	_ =	shalt  }
0x45: {  	_ =	shalt  }
0x46: {  	_ =	shalt  }
0x47: {  	_ =	shalt  }
0x48: {  	_ =	shalt  }
0x49: {  	_ =	shalt  }
0x4a: {  	_ =	shalt  }
0x4b: {  	_ =	shalt  }
0x4c: {  	_ =	shalt  }
0x4d: {  	_ =	shalt  }
0x4e: {  	_ =	shalt  }
0x4f: {  	_ =	shalt  }
0x50: {  	_ =	shalt  }
0x51: {  	_ =	shalt  }
0x52: {  	_ =	shalt  }
0x53: {  	_ =	shalt  }
0x54: {  	_ =	shalt  }
0x55: {  	_ =	shalt  }
0x56: {  	_ =	shalt  }
0x57: {  	_ =	shalt  }
0x58: {  	_ =	shalt  }
0x59: {  	_ =	shalt  }
0x5a: {  	_ =	shalt  }
0x5b: {  	_ =	shalt  }
0x5c: {  	_ =	shalt  }
0x5d: {  	_ =	shalt  }
0x5e: {  	_ =	shalt  }
0x5f: {  	_ =	shalt  }
0x60: {  	_ =	shalt  }
0x61: {  	_ =	shalt  }
0x62: {  	_ =	shalt  }
0x63: {  	_ =	shalt  }
0x64: {  	_ =	shalt  }
0x65: {  	_ =	shalt  }
0x66: {  	_ =	shalt  }
0x67: {  	_ =	shalt  }
0x68: {  	_ =	shalt  }
0x69: {  	_ =	shalt  }
0x6a: {  	_ =	shalt  }
0x6b: {  	_ =	shalt  }
0x6c: {  	_ =	shalt  }
0x6d: {  	_ =	shalt  }
0x6e: {  	_ =	shalt  }
0x6f: {  	_ =	shalt  }
0x70: {  	_ =	shalt  }
0x71: {  	_ =	shalt  }
0x72: {  	_ =	shalt  }
0x73: {  	_ =	shalt  }
0x74: {  	_ =	shalt  }
0x75: {  	_ =	shalt  }
0x76: {  	_ =	shalt  }
0x77: {  	_ =	shalt  }
0x78: {  	_ =	shalt  }
0x79: {  	_ =	shalt  }
0x7a: {  	_ =	shalt  }
0x7b: {  	_ =	shalt  }
0x7c: {  	_ =	shalt  }
0x7d: {  	_ =	shalt  }
0x7e: {  	_ =	shalt  }
0x7f: {  	_ =	shalt  }
0x80: {  	_ =	shalt  }
0x81: {  	_ =	shalt  }
0x82: {  	_ =	shalt  }
0x83: {  	_ =	shalt  }
0x84: {  	_ =	shalt  }
0x85: {  	_ =	shalt  }
0x86: {  	_ =	shalt  }
0x87: {  	_ =	shalt  }
.Lfunc_end0:
.L_simem_size_0:
called_computation.1_lowered:
.L_overlay_start_0:
0x88: {  	s0 =	sld [smem:$0x3FD9]  }
0x89: {  	s1 =	sld [smem:$0x3FFE];
	_ =	sdelay $0x3  }
0x8a: {  	s0 =	sadd.s32 s1, s0  }
0x8b: {  	[smem:$0x3FBE] =	sst s0  }
0x8c: {  	_ = 	snop  }
0x8d: {  	(tm) =	ssettm $0x1  }
0x8e: {  	s15 =	sld [smem:$0x3FFB];
	_ =	sdelay $0x3  }
0x8f: {  	_ =	strace s15  }
0x90: {  	s0 =	sld [smem:$0x3FFC];
	_ =	sdelay $0x3  }
0x91: {  	_ =	strace s0  }
0x92: {  	s0 =	sld [smem:$0x3FFD];
	_ =	sdelay $0x3  }
0x93: {  	_ =	strace s0  }
0x94: {  	_ =	strace $0x8FFFFFFF  }
0x95: {  	s16 =	sld [smem:$0x3FDB];
	_ =	sdelay $0x1  }
0x96: {  	s17 =	simm.s32 $_scs_section_size  }
0x97: {  	s2 =	simm.s32 $_size__tile_overlayer_lowered;
	s3 =	simm.s32 $_tile_overlayer_lowered  }
0x98: {  	s20 =	simm.s32 $0x1BFF;
	s19 =	sshll.u32 s3, $0x1;
	s0 =	sadd.s32 s17, s16  }
0x99: {  	s4 =	simm.s32 $0x0;
	s18 =	sshll.u32 s2, $0x1;
	s2 =	sadd.s32 s19, s0  }
0x9a: {  	[timem:s4], [sflag:s20] =	dma.local [hbm:s2], s18  }
0x9b: {  	_ =	swait.ge [sflag:s20], s18  }
0x9c: {  	s1 =	ssub.s32 $0x0, s18;
	[sflag:s20] =	ssyncset.done $0x0  }
0x9d: {  	[sflag:s20] =	ssyncadd.s32 s1;
	_ =	sdelay $0x1  }
0x9e: {  	s21 =	simm.s32 $0x1B8B  }
0x9f: {  	_ =	swait.ge [sflag:s21], $0x1  }
0xa0: {  	[sflag:s21] =	ssyncset.done $0x0  }
0xa1: {  	s23 =	simm.s32 $0x1B8E;
	s22 =	sld [smem:$0x3FFE];
	[sflag:s21] =	ssyncadd.s32 $0xFFFFFFFF  }
0xa2: {  	s24 =	simm.s32 $execute0_lowered;
	[smem:$0x3FD2] =	sst s23  }
0xa3: {  	s2 =	sshll.u32 s24, $0x1;
	_ =	strace $0x80000049;
	[dreg:$0x1] =	wrdreg $0xFFFFFFFF  }
0xa4: {  	s25 =	simm.s32 $_size_execute0_lowered;
	s0 =	sadd.s32 s0, s2;
	[dreg:$0x0] =	wrdreg $0x0  }
0xa5: {  	s2 =	sshll.u32 s25, $0x1;
	[dreg:$0x2] =	wrdreg s0  }
0xa6: {  	[dreg:$0x3] =	wrdreg s2  }
0xa7: {  	[dreg:$0x4] =	wrdreg $0xC0  }
0xa8: {  	_ =	task [dreg:s4], $0x5FFFF  }
0xa9: {  	[dreg:$0x1] =	wrdreg $0xFFFFFFFF  }
0xaa: {  	[dreg:$0x0] =	wrdreg $0x60  }
0xab: {  	[dreg:$0x2] =	wrdreg s22  }
0xac: {  	[dreg:$0x3] =	wrdreg $0xA  }
0xad: {  	_ =	task.clear_ibuf [dreg:s4], $0x4FFFF;
	_ =	strace $0x90000049  }
0xae: {  	s26 =	simm.s32 $0xA;
	_ =	strace $0x8000004B  }
0xaf: {  	_ =	swait.ge [sflag:s26], $0x1  }
0xb0: {  	[sflag:s26] =	ssyncadd.s32 $0xFFFFFFFF  }
0xb1: {  	_ =	strace $0x9000004B  }
0xb2: {  	_ =	sfence  }
0xb3: {  	s28 =	sld [smem:$0x0];
	_ =	sdelay $0x1  }
0xb4: {  	s29 =	srdreg.scid  }
0xb5: {  	s30 =	sshll.u32 s29, $0xD;
	s31 =	sshrl.u32 s29, $0x2  }
0xb6: {  	s1 =	sand.u32 $0x1, s29;
	s2 =	sand.u32 $0x4000, s30;
	s0 =	sadd.s32 s31, s28  }
0xb7: {  	s1 =	sor.u32 s2, s1;
	s0 =	sshll.u32 s0, $0x11  }
0xb8: {  	s0 =	sor.u32 s0, s1  }
0xb9: {  	s0 =	sadd.s32 $0x8F2B, s0  }
0xba: {  	[sflag:s0] =	ssyncadd.remote.s32 $0x1  }
0xbb: {  	_ =	sfence.sel $0xFFFF  }
0xbc: {  	[dreg:$0x0] =	wrdreg $0xFFFFFFFF;
	(pc) =	sbr.abs _section_cstart, $3  }
0xbd: {  	[dreg:$0x1] =	wrdreg $0xFFFFFFFF  }
0xbe: {  	_ =	task.clear_ibuf [dreg:s4], $0x2FFFF;
	_ =	strace $0x9FFFFFFF  }
0xbf: {  	(tm) =	ssettm $0x7FFFFFFF  }
tec
execute0_lowered:
.L_overlay_start_1:
0x0: {  	(tag) =	ssettag $0x1  }
0x1: {  	s0 =	rddreg [dreg:$0x0]  }
0x2: {  	s14 =	stileid.u32;
	_ =	strace $0x8000004A;
	s2 =	simm.s32 $0x1  }
0x3: {  	v1 =	vimm.s32 $0xFFFFFFFF;
	s1 =	smin.u32 s14, $0x4;
	[sflag:s2] =	ssyncpa.u1 $0x0  }
0x4: {  	s1 =	sadd.s32 s14, s1;
	[tilespmem:$0x10] =	vst v1  }
0x5: {  	v0 =	vimm.f32 $0.0e+00;
	p0 =	slt.u32 s14, $0x4;
	[tilespmem:$0x20] =	vst v1;
	s3 =	smul.u32 $0xFA0, s1;
	s1 =	simm.s32 $0x1F40  }
0x6: {  	[tilespmem:$0x30] =	vst v0;
	s1 =	simm.s32 @!p0 $0xFA0  }
0x7: {  	[tilespmem:$0x40] =	vst v0;
	s1 =	sadd.s32 s1, s3  }
0x8: {  	[tilespmem:$0x50] =	vst v0;
	s4 =	smin.u32 s1, $0x13880  }
0x9: {  	[tilespmem:$0x60] =	vst v1;
	s9 =	ssub.s32 s4, s3  }
0xa: {  	s7 =	simm.s32 $0x2;
	s8 =	simm.s32 $0x8;
	[tilespmem:$0x70] =	vst v1;
	p0 =	sgt.s32 s9, $0x0  }
0xb: {  	s31 =	simm.s32 $0x9;
	s16 =	simm.s32 $0x0;
	[tilespmem:$0x80] =	vst v1;
	s9 =	simm.s32 @!p0 $0x0  }
0xc: {  	s17 =	simm.s32 $0xF0;
	s18 =	simm.s32 $0xFFFFFFFF;
	v1 =	vimm.s32 $0x0;
	[tilespmem:$0xB0] =	vst v0;
	s5 =	smulhi.u32 $0x10624DD3, s9  }
0xd: {  	s19 =	simm.s32 $0xFFFFE1C0;
	s20 =	simm.s32 $0xFFFFFFFE;
	s21 =	simm.s32 $0xF;
	[tilespmem:$0x90] =	vst v1  }
0xe: {  	[tilespmem:$0xA0] =	vst v1;
	[sflag:s7] =	ssyncpa.u1 $0x0;
	s7 =	simm.s32 $0x7;
	s10 =	sshrl.u32 s5, $0x8  }
0xf: {  	s25 =	simm.s32 $0x0;
	[sflag:s7] =	ssyncpa.u1 $0x0;
	s11 =	smul.u32 $0xFA0, s10  }
0x10: {  	s24 =	simm.s32 $0x0;
	s6 =	sadd.s32 $0x7800, s0;
	[sflag:s8] =	ssyncpa.u1 $0x0  }
.Ltmp0:
0x11: {  	s23 =	smov.u32 s3;
	p0 =	sne.s32 s9, s11;
	(pc) =	sbr.rel .LBB2_1-.Ltmp0, $4  }
0x12: {  	s1 =	sadd.s32 $0xA000, s0;
	[sflag:s31] =	ssyncpa.u1 $0x0;
	s2 =	simm.s32 @!p0 $0x0  }
0x13: {  	s5 =	sadd.s32 $0x5000, s0;
	p0 =	por $0x0, $0x0;
	s9 =	sadd.s32 s2, s10  }
0x14: {  	vm0 =	vmmov $0xffff;
	v2 =	vlaneseq.u32;
	s10 =	sshll.u32 s14, $0x1;
	s14 =	sshllo.u32 s14, $0x1;
	s11 =	sadd.s32 $0x1, s9  }
0x15: {  	vm1 =	vmxor vm1, vm1;
	vm2 =	vmmov $0x1;
	vm3 =	vcmask $0x3F3C;
	s12 =	sadd.s32 $0x2, s9;
	s13 =	sor.u32 $0x81, s10;
	s15 =	sor.u32 $0x80, s10  }
.LBB2_9:
0x16: {  	p1 =	slt.u32 s24, $0x3  }
0x17: {  	s0 =	simm.s32 @!p1 $0x2  }
0x18: {  	_ =	swait.ge @!p1 [sflag:s0], $0xFA0  }
0x19: {  	[sflag:s0] =	ssyncset.done @!p1 $0x0  }
0x1a: {  	[sflag:s0] =	ssyncadd.s32 @!p1 $0xFFFFF060;
	s0 =	simm.s32 @!p1 $0x9  }
0x1b: {  	_ =	swait.ge @!p1 [sflag:s0], $0x10  }
0x1c: {  	[sflag:s0] =	ssyncset.done @!p1 $0x0  }
0x1d: {  	[sflag:s0] =	ssyncadd.s32 @!p1 $0xFFFFFFF0;
	p1 =	sne.s32 s24, s12  }
.Ltmp1:
0x1e: {  	s2 =	sadd.s32 $0xFA0, s23;
	(pc) =	sbr.rel @!p1 .LBB2_10-.Ltmp1, $4  }
0x1f: {  	s22 =	smov.u32 s3;
	s31 =	sadd.s32 $0x1, s24;
	s17 =	sadd.s32 $0xFA0, s17  }
0x20: {  	s18 =	sadd.s32 $0x1, s18;
	s25 =	smov.u32 s23;
	p2 =	slt.s32 s2, s4  }
0x21: {  	p0 =	por !p0, !p0;
	s19 =	sadd.s32 $0xFA0, s19;
	s22 =	smov.u32 @p2 s2  }
0x22: {  	s20 =	sadd.s32 $0x1, s20;
	s23 =	smov.u32 s22;
	s24 =	smov.u32 s31  }
.LBB2_1:
0x23: {  	p1 =	sge.u32 s24, s9  }
0x24: {  	s0 =	smulhi.u32 @!p1 $0xAAAAAAAB, s24;
	_ =	sdelay $0x1  }
0x25: {  	s0 =	sshrl.u32 @!p1 s0, $0x1  }
0x26: {  	s0 =	smul.u32 @!p1 $0x3, s0;
	_ =	sdelay $0x1  }
0x27: {  	s0 =	ssub.s32 @!p1 s24, s0  }
0x28: {  	s0 =	smul.u32 @!p1 $0x3E80, s0;
	_ =	sdelay $0x1  }
0x29: {  	s2 =	sshrl.u32 @!p1 s23, $0x3;
	s0 =	sshrl.u32 @!p1 s0, $0x2  }
0x2a: {  	s22 =	sand.u32 @!p1 $0x7, s23;
	s2 =	sadd.s32 @!p1 s5, s2;
	s0 =	sadd.s32 @!p1 $0x100, s0  }
0x2b: {  	[tilespmem:s0], [sflag:$0x7] =	stream.linear.gather @!p1 [hbm4b:s2+s22], $0xFA0, $0x38;
	[tilespmem:$0x8DC0] =	vst v63  }
0x2c: {  	s0 =	sadd.s32 $0xFFFFFFFF, s24  }
0x2d: {  	p1 =	sge.u32 s0, s9  }
.Ltmp2:
0x2e: {  	_ = 	snop;
	(pc) =	sbr.rel @p1 .LBB2_5-.Ltmp2, $1  }
0x2f: {  	_ =	sdelay $0x3  }
0x30: {  	s2 =	smulhi.u32 $0xAAAAAAAB, s0;
	_ =	sdelay $0x1  }
0x31: {  	s2 =	sshrl.u32 s2, $0x1  }
0x32: {  	s2 =	smul.u32 $0x3, s2;
	_ =	sdelay $0x1  }
0x33: {  	s2 =	ssub.s32 s0, s2  }
0x34: {  	s2 =	smul.u32 $0x3E80, s2  }
0x35: {  	_ =	swait.ge [sflag:s7], $0xFA0  }
0x36: {  	[sflag:s7] =	ssyncset.done $0x0;
	s2 =	sshrl.u32 s2, $0x2  }
0x37: {  	[sflag:s7] =	ssyncadd.s32 $0xFFFFF060;
	(ifvalue) =	ssetifvalue $0xFFFFFFFF;
	v3 =	vld.msk [tilespmem:s2+$0x100 ss:$0x1], $0xffff;
	_ =	sdelay $0x2  }
0x38: {  	s30 =	smulhi.u32 $0xAAAAAAAB, s18;
	p1 =	sne.s32 s24, $0x1  }
0x39: {  	v4 =	vimm.s32 @!p1 $0x0  }
0x3a: {  	s2 =	sshrl.u32 s30, $0x1;
	v4 =	vperm.xlane @!p1 v3, v4  }
0x3b: {  	s22 =	sshll.u32 s24, $0x4;
	s2 =	smul.u32 $0xFFFF4480, s2;
	vm4 =	vlt.u32 v3, $0x13C00  }
0x3c: {  	s22 =	sand.u32 $0x10, s22;
	v3 =	vnsel vm4, $0xFFFFFFFE, v3;
	vm4 =	vlt.u32 @!p1 v4, $0x13C00  }
0x3d: {  	s2 =	sshra.s32 s2, $0x2;
	[tilespmem:s22+$0x60] =	vst v3;
	v3 =	vnsel @!p1 vm4, $0xFFFFFFFE, v4  }
0x3e: {  	s28 =	sadd.s32 s2, s17;
	[tilespmem:$0x80] =	vst @!p1 v3  }
0x3f: {  	v3 =	vld.msk [tilespmem:s28+$0x0 ss:$0x1], $0xffff;
	_ =	sdelay $0x4  }
0x40: {  	(xrf1) =	vunique.msk.u32 $0xffff, v3;
	_ =	sdelay $0xd  }
0x41: {  	v4 =	vimm.s32 $0xFFFFFFFF;
	v5, _, _ =	vpop (xrf1)  }
0x42: {  	vm5 =	vne.s32 v3, v4;
	vm4 =	veq.s32 v5, v2  }
0x43: {  	vm6 =	vlt.u32 v3, $0x13C00;
	vm4 =	vmand vm5, vm4  }
0x44: {  	vm4 =	vmand vm6, vm4  }
0x45: {  	v4 =	vnsel vm4, $0xFFFFFFFF, v3  }
0x46: {  	s31 =	sand.u32 $0x1, s0  }
0x47: {  	s0 =	simm.s32 $0xFA0;
	p1 =	seq.s32 s31, $0x1  }
0x48: {  	s0 =	simm.s32 @!p1 $0x0  }
0x49: {  	s26 =	sadd.s32 $0x3F70, s0;
	(ifvalue) =	ssetifvalue $0xFFFFFFFF  }
0x4a: {  	v3 =	vperm.xlane v3, v1;
	[tilespmem:s26], [sflag:$0x8] =	stream.indirect_vreg.gather [hbm4b:s1+s16], $0x1, v4, vm0, $0x4038;
	v4 =	vnsel vm6, $0xFFFFFFFE, v4;
	[tilespmem:$0x8DC0] =	vst v63  }
0x4b: {  	s2 =	simm.s32 $0x0;
	s22 =	sadd.s32 $0xFFFFFFF0, s28;
	[tilespmem:s28+$0x0] =	vst v4  }
.LBB2_3:
0x4c: {  	v4 =	vld.msk [tilespmem:s22+$0x0 ss:$0x1], $0xffff;
	s2 =	sadd.s32 $0x10, s2;
	v5 =	vmov v3;
	s28 =	smov.u32 s22  }
0x4d: {  	p1 =	slt.u32 s2, $0xF90;
	_ =	sdelay $0x4  }
0x4e: {  	v3 =	vperm.xlane v4, v1;
	(xrf1) =	vunique.msk.u32 $0xffff, v4;
	_ =	sdelay $0xd  }
0x4f: {  	v6, _, _ =	vpop (xrf1)  }
0x50: {  	vm5 =	vne.s32 v4, v5;
	vm4 =	veq.s32 v6, v2  }
0x51: {  	vm6 =	vlt.u32 v4, $0x13C00;
	vm4 =	vmand vm5, vm4  }
0x52: {  	vm4 =	vmand vm6, vm4  }
0x53: {  	v4 =	vnsel vm4, $0xFFFFFFFF, v4  }
.Ltmp3:
0x54: {  	v5 =	vnsel vm6, $0xFFFFFFFE, v4;
	(pc) =	sbr.rel @p1 .LBB2_3-.Ltmp3, $3  }
0x55: {  	_ =	sdelay $0x1  }
0x56: {  	s22 =	sadd.s32 $0xFFFFFFF0, s22;
	s26 =	sadd.s32 $0xFFFFFFF0, s26;
	(ifvalue) =	ssetifvalue $0xFFFFFFFF  }
0x57: {  	[tilespmem:s26], [sflag:$0x8] =	stream.indirect_vreg.gather [hbm4b:s1+s16], $0x1, v4, vm0, $0x4038;
	[tilespmem:s28+$0x0] =	vst v5  }
0x58: {  	s2 =	sshrl.u32 s25, $0x3  }
0x59: {  	s0 =	sadd.s32 $0x4F20, s0;
	s2 =	sadd.s32 s6, s2  }
0x5a: {  	[tilespmem:s0], [sflag:$0x8] =	stream.linear.gather [hbm:s2], $0xFA0, $0x38;
	[tilespmem:$0x8DC0] =	vst v63  }
.LBB2_5:
0x5b: {  	p1 =	slt.u32 s24, $0x2  }
0x5c: {  	p2 =	sge.u32 @!p1 s24, s12  }
0x5d: {  	p1 =	por p1, p2  }
.Ltmp4:
0x5e: {  	_ = 	snop;
	(pc) =	sbr.rel @p1 .LBB2_9-.Ltmp4, $1  }
0x5f: {  	_ =	sdelay $0x3  }
0x60: {  	s0 =	sadd.s32 $0xFFFFFFFE, s24  }
0x61: {  	s2 =	smulhi.u32 $0xAAAAAAAB, s0;
	_ =	sdelay $0x1  }
0x62: {  	s2 =	sshrl.u32 s2, $0x1  }
0x63: {  	s2 =	smul.u32 $0x3, s2;
	_ =	sdelay $0x1  }
0x64: {  	s0 =	ssub.s32 s0, s2  }
0x65: {  	_ =	swait.ge [sflag:s8], $0x1F40;
	s0 =	smul.u32 $0xFA0, s0  }
0x66: {  	p1 =	sne.s32 s24, s11;
	[sflag:s8] =	ssyncset.done $0x0  }
0x67: {  	[sflag:s8] =	ssyncadd.s32 $0xFFFFE0C0;
	s2 =	sadd.s32 @!p1 $0x109F, s0  }
0x68: {  	[spmem:s13] =	stream.linear.scatter @!p1 [tilespmem:s2], [sflag:$0x1], $0x1, $0x38;
	[tilespmem:$0x8DC0] =	vst v63  }
0x69: {  	s2 =	simm.s32 @!p1 $0x1  }
0x6a: {  	_ =	swait.ge @!p1 [sflag:s2], $0x1  }
0x6b: {  	s22 =	sshll.u32 s24, $0x4;
	[sflag:s2] =	ssyncset.done @!p1 $0x0  }
0x6c: {  	s25 =	sand.u32 $0x10, s22;
	[sflag:s2] =	ssyncadd.s32 @!p1 $0xFFFFFFFF  }
0x6d: {  	s2 =	sxor.u32 $0x10, s25;
	v4 =	vld [tilespmem:s25+$0x10]  }
0x6e: {  	v5 =	vld [tilespmem:s2+$0x60]  }
0x6f: {  	v3 =	vld [tilespmem:$0x80];
	_ =	sdelay $0x2  }
0x70: {  	(v2sf) =	vpush v4, $0x0  }
0x71: {  	(v2sf) =	vpush v5, $0x0  }
0x72: {  	(v2sf) =	vpush v3, $0x0;
	_ =	sdelay $0xc  }
0x73: {  	s22 =	spop (v2sf)  }
0x74: {  	s26 =	spop (v2sf)  }
0x75: {  	s28 =	spop (v2sf)  }
0x76: {  	p2 =	seq.s32 s22, s26;
	p3 =	seq.s32 s28, s22  }
0x77: {  	p3 =	por p2, p3  }
0x78: {  	s26 =	sand.u32 $0x1, s24;
	v4 =	vpsel p3, $0xFFFFFFFF, v4  }
0x79: {  	s29 =	smul.u32 $0xFA0, s26;
	[tilespmem:s25+$0x10] =	vst.msk $0x1, v4  }
0x7a: {  	v4 =	vld [tilespmem:$0x30]  }
0x7b: {  	v5 =	vld [tilespmem:s29+$0x4F20]  }
0x7c: {  	v6 =	vld [tilespmem:s25+$0x40];
	_ =	sdelay $0x3  }
0x7d: {  	vm4 =	vmmov vm1;
	v5 =	vadd.f32 v5, v4  }
0x7e: {  	vm5 =	vmmov vm2;
	vm4 =	vmmov @p2 vm2;
	s22 =	sshll.u32 s26, $0x4;
	v4 =	vadd.f32 v6, v4  }
0x7f: {  	s26 =	sor.u32 $0x8DA0, s22;
	vm5 =	vmmov @p3 vm1;
	[tilespmem:s29+$0x4F20] =	vst.msk vm4, v5  }
0x80: {  	[tilespmem:s26+$0x0] =	vst.msk vm5, v4  }
0x81: {  	v4 =	vld [tilespmem:s29+$0x3F70];
	_ =	sdelay $0x3  }
0x82: {  	v5 =	vimm.f32 $0.0e+00  }
0x83: {  	v4 =	vshift.insert v4, v5, s21  }
0x84: {  	s22 =	sor.u32 $0x40, s2  }
0x85: {  	[tilespmem:s22+$0x0] =	vst.msk $0x1, v4  }
0x86: {  	[tilespmem:s29+$0x3F7F] =	vst.msk $0x1, v5  }
0x87: {  	v4 =	vld [tilespmem:s0+$0x1090];
	_ =	sdelay $0x1  }
0x88: {  	s22 =	smulhi.u32 $0xAAAAAAAB, s20;
	s0 =	simm.s32 $0x1  }
0x89: {  	s0 =	simm.s32 @!p0 $0x0  }
0x8a: {  	s22 =	sshrl.u32 s22, $0x1;
	s0 =	smul.u32 $0x3E80, s0  }
0x8b: {  	s22 =	smul.u32 $0xFFFF4480, s22;
	v4 =	vshift.insert v4, v1, s21  }
0x8c: {  	s0 =	sshrl.u32 s0, $0x2  }
0x8d: {  	s22 =	sshra.s32 s22, $0x2;
	s30 =	sadd.s32 $0x4F20, s0;
	[tilespmem:s2+$0x10] =	vst.msk $0x1, v4  }
0x8e: {  	s22 =	sadd.s32 s22, s19;
	v6 =	vld [tilespmem:s30+$0x0]  }
0x8f: {  	v7 =	vld [tilespmem:s22+$0x0];
	_ =	sdelay $0x3  }
0x90: {  	v5 =	vadd.f32 v6, v5  }
0x91: {  	vm4 =	vne.s32 v7, $0xFFFFFFFF  }
0x92: {  	(xrf2) =	vadd.seg.scan.f32 vm4, v5;
	_ =	sdelay $0x3  }
0x93: {  	s31 =	sadd.s32 $0x2FE0, s0;
	v5 =	vperm.xlane v4, v1  }
0x94: {  	v6 =	vld [tilespmem:s31+$0x0]  }
0x95: {  	vm5 =	veq.s32 v7, v3;
	vm6 =	veq.s32 v7, v5  }
0x96: {  	vm7 =	vgt.u32 v7, $0xFFFFFFFD;
	vm6 =	vmor vm6, vm5  }
0x97: {  	vm6 =	vmor vm6, vm7  }
0x98: {  	v9 =	vld [tilespmem:$0xA0];
	v7 =	vsel vm6, $0xFFFFFFFF, v7  }
0x99: {  	v10 =	vld [tilespmem:$0x90];
	v6 =	vsel vm5, $0x0, v6;
	v8, _, _ =	vpop (xrf2)  }
0x9a: {  	v6 =	vadd.f32 v8, v6  }
0x9b: {  	s0 =	sadd.s32 $0x6E60, s0  }
0x9c: {  	vm4 =	vmand vm4, vm3;
	[tilespmem:s0+$0x0] =	vst v6;
	(ifvalue) =	ssetifvalue $0xFFFFFFFF  }
0x9d: {  	vm6 =	veq.s32 v9, $0x1;
	[hbm4b:s1+s16] =	stream.indirect_vreg.scatter [tilespmem:s0], [sflag:$0x2], $0x1, v7, vm0, $0x4038;
	v7 =	vsel vm4, $0x0, v8;
	[tilespmem:$0x8DC0] =	vst v63  }
0x9e: {  	s2 =	simm.s32 $0x0;
	s22 =	sadd.s32 $0x10, s22;
	vm4 =	vmor vm6, vm5;
	v6 =	vsel vm5, v8, v10;
	v7 =	vshift.insert v7, v0, s21  }
.LBB2_7:
0x9f: {  	v8 =	vld [tilespmem:s22+$0x0];
	s30 =	sadd.s32 $0x10, s30  }
0xa0: {  	s31 =	sadd.s32 $0x10, s31;
	v9 =	vld [tilespmem:s30+$0x0]  }
0xa1: {  	s2 =	sadd.s32 $0x10, s2;
	v10 =	vld [tilespmem:s31+$0x0]  }
0xa2: {  	p2 =	slt.u32 s2, $0xF90;
	_ =	sdelay $0x2  }
0xa3: {  	v7 =	vadd.f32 v9, v7  }
0xa4: {  	vm5 =	vne.s32 v8, $0xFFFFFFFF  }
0xa5: {  	vm6 =	vmand vm5, vm3;
	(xrf2) =	vadd.seg.scan.f32 vm5, v7;
	_ =	sdelay $0x5  }
0xa6: {  	vm7 =	veq.s32 v8, v5;
	vm5 =	veq.s32 v8, v3  }
0xa7: {  	vm8 =	vgt.u32 v8, $0xFFFFFFFD;
	vm4 =	vmor vm4, vm5;
	vm7 =	vmor vm7, vm5  }
0xa8: {  	vm7 =	vmor vm7, vm8  }
0xa9: {  	v8 =	vsel vm7, $0xFFFFFFFF, v8  }
.Ltmp5:
0xaa: {  	v7 =	vsel vm5, $0x0, v10;
	v9, _, _ =	vpop (xrf2);
	(pc) =	sbr.rel @p2 .LBB2_7-.Ltmp5, $4  }
0xab: {  	v6 =	vsel vm5, v9, v6;
	v10 =	vadd.f32 v9, v7;
	v7 =	vsel vm6, $0x0, v9  }
0xac: {  	s0 =	sadd.s32 $0x10, s0;
	v7 =	vshift.insert v7, v0, s21  }
0xad: {  	s22 =	sadd.s32 $0x10, s22;
	[tilespmem:s0+$0x0] =	vst v10;
	(ifvalue) =	ssetifvalue $0xFFFFFFFF  }
0xae: {  	[hbm4b:s1+s16] =	stream.indirect_vreg.scatter [tilespmem:s0], [sflag:$0x2], $0x1, v8, vm0, $0x4038;
	[tilespmem:$0x8DC0] =	vst v63  }
0xaf: {  	v3 =	vld [tilespmem:s29+$0x7DF0];
	_ =	sdelay $0x4  }
0xb0: {  	v3 =	vshift.insert v3, v0, s21  }
0xb1: {  	s0 =	simm.s32 $0x30  }
0xb2: {  	[tilespmem:s0+$0x0] =	vst.msk $0x1, v3  }
0xb3: {  	v3 =	vsel vm4, $0x1, v1;
	[tilespmem:$0x90] =	vst v6  }
0xb4: {  	s0 =	sadd.s32 @!p1 $0x7DFF, s29;
	[tilespmem:$0xA0] =	vst v3  }
0xb5: {  	[spmem:s14] =	stream.linear.scatter @!p1 [tilespmem:s0], [sflag:$0x1], $0x1, $0x38;
	[tilespmem:$0x8DC0] =	vst v63  }
0xb6: {  	s0 =	simm.s32 @!p1 $0x1  }
0xb7: {  	v3 =	vmctz.xlane @!p1 vm4;
	_ =	swait.ge @!p1 [sflag:s0], $0x1  }
0xb8: {  	(v2sf) =	vpush @!p1 v4, $0x0  }
0xb9: {  	(v2sf) =	vpush @!p1 v3, $0x0;
	_ =	sdelay $0xd  }
0xba: {  	s2 =	spop @!p1 (v2sf)  }
0xbb: {  	s22 =	spop @!p1 (v2sf)  }
0xbc: {  	p2 =	sne.s32 @!p1 s28, s2;
	p3 =	slt.s32 @!p1 s22, $0xF  }
0xbd: {  	[sflag:s0] =	ssyncset.done @!p1 $0x0;
	p2 =	por p2, p1;
	p3 =	por !p3, p1  }
0xbe: {  	[sflag:s0] =	ssyncadd.s32 @!p1 $0xFFFFFFFF;
	v3 =	vimm.s32 @!p2 $0xFFFFFFFF;
	s22 =	simm.s32 @p3 $0xF  }
0xbf: {  	[tilespmem:$0x80] =	vst @!p2 v3;
	s2 =	sadd.s32 @!p1 $0x90, s22  }
0xc0: {  	[spmem:s10] =	stream.linear.scatter @!p1 [tilespmem:s2], [sflag:$0x1], $0x1, $0x38;
	[tilespmem:$0x8DC0] =	vst v63  }
0xc1: {  	_ =	swait.ge @!p1 [sflag:s0], $0x1  }
0xc2: {  	[sflag:s0] =	ssyncset.done @!p1 $0x0  }
0xc3: {  	s2 =	simm.s32 @!p1 $0x80;
	[sflag:s0] =	ssyncadd.s32 @!p1 $0xFFFFFFFF  }
0xc4: {  	[spmem:s15] =	stream.linear.scatter @!p1 [tilespmem:s2], [sflag:$0x1], $0x1, $0x38;
	[tilespmem:$0x8DC0] =	vst v63  }
0xc5: {  	_ =	swait.ge @!p1 [sflag:s0], $0x1  }
0xc6: {  	[sflag:s0] =	ssyncset.done @!p1 $0x0  }
0xc7: {  	[sflag:s0] =	ssyncadd.s32 @!p1 $0xFFFFFFFF;
	(ifvalue) =	ssetifvalue $0xFFFFFFFF;
	v3 =	vld [tilespmem:s25+$0x10];
	_ =	sdelay $0x3  }
.Ltmp6:
0xc8: {  	_ = 	snop;
	(pc) =	sbr.rel .LBB2_9-.Ltmp6, $3  }
0xc9: {  	_ =	sdelay $0x1  }
0xca: {  	(ifvalue) =	ssetifvalue $0xFFFFFFFF  }
0xcb: {  	[hbm4b:s1+s16] =	stream.indirect_vreg.scatter [tilespmem:s26], [sflag:$0x9], $0x1, v3, vm0, $0x4038;
	[tilespmem:$0x8DC0] =	vst v63  }
.LBB2_10:
0xcc: {  	_ =	sfence.sel $0x180000  }
0xcd: {  	s0 =	simm.s32 $0x7;
	[bflag:$0x0] =	sbarrier.arrive $0xFFFF  }
0xce: {  	s26 =	simm.s32 $0x8;
	[sflag:s0] =	ssyncpa.u1 $0x1  }
0xcf: {  	s28 =	simm.s32 $0x9;
	[sflag:s26] =	ssyncpa.u1 $0x1  }
0xd0: {  	[sflag:s28] =	ssyncpa.u1 $0x1  }
0xd1: {  	_ =	sfence.stream.spmem  }
0xd2: {  	s29 =	simm.s32 $0x3;
	[bflag:$0x0] =	sbarrier.arrive $0xFFFF  }
0xd3: {  	s30 =	simm.s32 $0x4;
	[sflag:s29] =	ssyncpa.u1 $0x1  }
0xd4: {  	s31 =	simm.s32 $0x3C;
	s2 =	stileid.u32;
	[sflag:s30] =	ssyncpa.u1 $0x1  }
0xd5: {  	p0 =	sne.s32 s2, $0x0;
	[sflag:s31] =	ssyncpa.u1 $0x1  }
0xd6: {  	s0 =	simm.s32 @p0 $0x1;
	_ =	sfence @p0  }
0xd7: {  	[sflag:s0] =	ssyncpa.u1 @p0 $0x1;
	s0 =	simm.s32 @p0 $0x2  }
0xd8: {  	[sflag:s0] =	ssyncpa.u1 @p0 $0x1  }
0xd9: {  	_ =	strace @p0 $0x9000004A  }
0xda: {  	[bflag:$0x2] =	sbarrier.arrive @p0 $0xFFFF  }
0xdb: {  	_ =	shalt @p0  }
.LBB2_11:
0xdc: {  	_ =	sfence.stream.spmem;
	s0 =	simm.s32 $0x5  }
0xdd: {  	s2 =	simm.s32 $0x80;
	s3 =	simm.s32 $0xC0;
	[sflag:s0] =	ssyncpa.u1 $0x0  }
0xde: {  	[tilespmem:s3], [sflag:$0x5] =	stream.linear.gather [spmem:s2], $0x20, $0x38;
	[tilespmem:$0x8DC0] =	vst v63  }
0xdf: {  	s2 =	simm.s32 $0x0;
	s3 =	simm.s32 $0xE0  }
0xe0: {  	[tilespmem:s3], [sflag:$0x5] =	stream.linear.gather [spmem:s2], $0x20, $0x38;
	[tilespmem:$0x8DC0] =	vst v63  }
.Ltmp7:
0xe1: {  	_ = 	snop;
	(pc) =	sbr.rel .LBB2_12-.Ltmp7, $4  }
0xe2: {  	_ =	swait.ge [sflag:s0], $0x40  }
0xe3: {  	[sflag:s0] =	ssyncset.done $0x0  }
0xe4: {  	s31 =	simm.s32 $0x6;
	[sflag:s0] =	ssyncadd.s32 $0xFFFFFFC0  }
0xe5: {  	s4 =	simm.s32 $0x0;
	[sflag:s31] =	ssyncpa.u1 $0x0  }
.LBB2_17:
0xe6: {  	p0 =	sgt.u32 s5, $0x13BFF  }
0xe7: {  	s0 =	sshrl.u32 @!p0 s5, $0x3  }
0xe8: {  	s5 =	sand.u32 @!p0 $0x7, s5;
	s6 =	simm.s32 @!p0 $0xB0;
	s0 =	sadd.s32 @!p0 s1, s0  }
0xe9: {  	[tilespmem:s6], [sflag:$0x6] =	stream.linear.gather @!p0 [hbm4b:s0+s5], $0x1, $0x38;
	[tilespmem:$0x8DC0] =	vst v63  }
0xea: {  	s0 =	simm.s32 @!p0 $0x6  }
0xeb: {  	_ =	swait.ge @!p0 [sflag:s0], $0x1  }
0xec: {  	[sflag:s0] =	ssyncset.done @!p0 $0x0  }
0xed: {  	[sflag:s0] =	ssyncadd.s32 @!p0 $0xFFFFFFFF  }
0xee: {  	v2 =	vmov @!p0 s4;
	v1 =	vld.msk @!p0 [tilespmem:$0xB0], $0x1;
	_ =	sdelay $0x3  }
0xef: {  	s0 =	simm.s32 @!p0 $0xE0  }
0xf0: {  	[tilespmem:v2+s0+$0x0], v1 =	vst.idx.ret.add.f32.msk @!p0 $0x1, v1  }
0xf1: {  	[tilespmem:s2+$0xC0] =	vst.msk $0x1, v0  }
0xf2: {  	v0 =	vld.msk [tilespmem:s4+$0xE0], $0x1;
	_ =	sdelay $0x4  }
0xf3: {  	[tilespmem:s2+$0xE0] =	vst.msk $0x1, v0;
	s2 =	sadd.s32 $0x1, s2  }
.LBB2_19:
0xf4: {  	s4 =	sadd.s32 $0x1, s4  }
0xf5: {  	p0 =	sne.s32 s4, $0x20  }
.Ltmp8:
0xf6: {  	_ = 	snop;
	(pc) =	sbr.rel @!p0 .LBB2_20-.Ltmp8, $1  }
0xf7: {  	_ =	sdelay $0x3  }
.LBB2_12:
0xf8: {  	v0 =	vld.msk [tilespmem:s4+$0xC0], $0x1;
	_ =	sdelay $0x4  }
0xf9: {  	(v2sf) =	vpush v0, $0x0;
	_ =	sdelay $0xe  }
0xfa: {  	s5 =	spop (v2sf)  }
0xfb: {  	p0 =	seq.s32 s5, $0xFFFFFFFF  }
.Ltmp9:
0xfc: {  	_ = 	snop;
	(pc) =	sbr.rel @p0 .LBB2_19-.Ltmp9, $1  }
0xfd: {  	_ =	sdelay $0x3  }
0xfe: {  	p0 =	slt.s32 s2, $0x1  }
.Ltmp10:
0xff: {  	_ = 	snop;
	(pc) =	sbr.rel @p0 .LBB2_17-.Ltmp10, $1  }
0x100: {  	_ =	sdelay $0x3  }
0x101: {  	s0 =	simm.s32 $0xC0;
	p0 =	por $0x0, $0x0  }
0x102: {  	v1 =	vld.msk @!p0 [tilespmem:s0+$0x0], $0x1;
	_ =	sdelay $0x4  }
0x103: {  	(v2sf) =	vpush @!p0 v1, $0x0;
	_ =	sdelay $0xd  }
0x104: {  	p2 =	sne.s32 s2, $0x1  }
.Ltmp11:
0x105: {  	s6 =	spop @!p0 (v2sf);
	(pc) =	sbr.rel @!p2 .LBB2_16-.Ltmp11, $4  }
0x106: {  	p1 =	seq.s32 @!p0 s5, s6  }
0x107: {  	s6 =	simm.s32 $0x0;
	p1 =	por !p1, p0  }
0x108: {  	s8 =	simm.s32 $0xFFFFFFFF;
	s6 =	simm.s32 @p1 $0xFFFFFFFF  }
0x109: {  	s7 =	simm.s32 $0x1;
	s6 =	smov.u32 @p0 s8  }
.LBB2_15:
0x10a: {  	s8 =	smov.u32 s6;
	p0 =	sne.s32 s6, $0xFFFFFFFF  }
0x10b: {  	s0 =	sadd.s32 $0x1, s0;
	s6 =	smov.u32 s7;
	s7 =	sadd.s32 $0x1, s7  }
0x10c: {  	p1 =	sne.s32 s2, s7;
	v1 =	vld.msk @!p0 [tilespmem:s0+$0x0], $0x1;
	_ =	sdelay $0x4  }
0x10d: {  	(v2sf) =	vpush @!p0 v1, $0x0;
	_ =	sdelay $0xe  }
.Ltmp12:
0x10e: {  	s9 =	spop @!p0 (v2sf);
	(pc) =	sbr.rel @p1 .LBB2_15-.Ltmp12, $4  }
0x10f: {  	p2 =	seq.s32 @!p0 s5, s9  }
0x110: {  	p2 =	por !p2, p0  }
0x111: {  	s6 =	simm.s32 @p2 $0xFFFFFFFF  }
0x112: {  	s6 =	smov.u32 @p0 s8  }
.LBB2_16:
0x113: {  	p0 =	sne.s32 s6, $0xFFFFFFFF  }
.Ltmp13:
0x114: {  	_ = 	snop;
	(pc) =	sbr.rel @!p0 .LBB2_17-.Ltmp13, $1  }
0x115: {  	_ =	sdelay $0x3  }
0x116: {  	v0 =	vld.msk [tilespmem:s4+$0xE0], $0x1;
	v1 =	vmov s6  }
.Ltmp14:
0x117: {  	_ = 	snop;
	(pc) =	sbr.rel .LBB2_19-.Ltmp14, $2  }
0x118: {  	_ =	sdelay $0x2  }
0x119: {  	[tilespmem:v1+s3+$0x0], v0 =	vst.idx.ret.add.f32.msk $0x1, v0  }
.LBB2_20:
0x11a: {  	p0 =	slt.s32 s2, $0x1  }
.Ltmp15:
0x11b: {  	_ = 	snop;
	(pc) =	sbr.rel @p0 .LBB2_24-.Ltmp15, $3  }
0x11c: {  	_ =	sdelay $0x1  }
0x11d: {  	s0 =	simm.s32 $0x6  }
0x11e: {  	s3 =	simm.s32 $0x0;
	[sflag:s0] =	ssyncpa.u1 $0x1  }
0x11f: {  	s0 =	simm.s32 $0xC0  }
0x120: {  	v0 =	vld.msk [tilespmem:s0+$0x0], $0x1;
	_ =	sdelay $0x4  }
0x121: {  	(v2sf) =	vpush v0, $0x0;
	_ =	sdelay $0xe  }
0x122: {  	s2 =	sadd.s32 $0xFFFFFFFF, s2;
	s4 =	spop (v2sf)  }
0x123: {  	p1 =	sne.s32 s2, $0x0;
	p0 =	sgt.u32 s4, $0x13BFF  }
.Ltmp16:
0x124: {  	s5 =	sshrl.u32 @!p0 s4, $0x3;
	(pc) =	sbr.rel @!p1 .LBB2_23-.Ltmp16, $4  }
0x125: {  	s0 =	simm.s32 $0xE0;
	s4 =	sand.u32 @!p0 $0x7, s4;
	s5 =	sadd.s32 @!p0 s1, s5  }
0x126: {  	[hbm4b:s5+s4] =	stream.linear.scatter @!p0 [tilespmem:s0], [sflag:$0x5], $0x1, $0x38;
	[tilespmem:$0x8DC0] =	vst v63  }
0x127: {  	s5 =	simm.s32 $0x0  }
0x128: {  	s4 =	simm.s32 $0xC1;
	s5 =	simm.s32 @!p0 $0x4  }
.LBB2_22:
0x129: {  	v0 =	vld.msk [tilespmem:s4+$0x0], $0x1;
	s2 =	sadd.s32 $0xFFFFFFFF, s2;
	s3 =	sadd.s32 s3, s5  }
0x12a: {  	p0 =	sne.s32 s2, $0x0;
	_ =	sdelay $0x3  }
0x12b: {  	(v2sf) =	vpush v0, $0x0;
	_ =	sdelay $0xe  }
.Ltmp17:
0x12c: {  	s6 =	spop (v2sf);
	(pc) =	sbr.rel @p0 .LBB2_22-.Ltmp17, $4  }
0x12d: {  	s5 =	simm.s32 $0x0;
	p1 =	sgt.u32 s6, $0x13BFF  }
0x12e: {  	s0 =	sadd.s32 $0x1, s0;
	s5 =	simm.s32 @!p1 $0x4;
	s7 =	sshrl.u32 @!p1 s6, $0x3  }
0x12f: {  	s4 =	sadd.s32 $0x1, s4;
	s6 =	sand.u32 @!p1 $0x7, s6;
	s7 =	sadd.s32 @!p1 s1, s7  }
0x130: {  	[hbm4b:s7+s6] =	stream.linear.scatter @!p1 [tilespmem:s0], [sflag:$0x5], $0x1, $0x38;
	[tilespmem:$0x8DC0] =	vst v63  }
.LBB2_23:
0x131: {  	s0 =	sadd.s32 s3, s5  }
0x132: {  	s3 =	sshrl.u32 s0, $0x2  }
.LBB2_24:
0x133: {  	s0 =	simm.s32 $0x5  }
0x134: {  	_ =	swait.ge [sflag:s0], s3  }
0x135: {  	s1 =	ssub.s32 $0x0, s3;
	[sflag:s0] =	ssyncset.done $0x0  }
0x136: {  	[sflag:s0] =	ssyncadd.s32 s1  }
0x137: {  	[sflag:s0] =	ssyncpa.u1 $0x1  }
0x138: {  	s29 =	simm.s32 $0x1;
	_ =	sfence  }
0x139: {  	s30 =	simm.s32 $0x2;
	[sflag:s29] =	ssyncpa.u1 $0x1  }
0x13a: {  	[sflag:s30] =	ssyncpa.u1 $0x1  }
0x13b: {  	_ =	strace $0x9000004A  }
0x13c: {  	[bflag:$0x2] =	sbarrier.arrive $0xFFFF  }
0x13d: {  	s31 =	rddreg [dreg:$0x1]  }
0x13e: {  	s0 =	sadd.s32 $0x100000, s31  }
0x13f: {  	[sflag:s0] =	ssyncadd.tile.s32 $0x1;
	_ =	shalt  }
.Lfunc_end2:
_tile_overlayer_lowered:
.L_overlay_start_2:
0x140: {  	(tag) =	ssettag $0x2  }
0x141: {  	s0 =	rddreg [dreg:$0x0];
	s2 =	stileid.u32  }
0x142: {  	s1 =	rddreg [dreg:$0x1];
	p0 =	sne.s32 s2, $0x0  }
0x143: {  	s3 =	rddreg [dreg:$0x2];
	[bflag:$0x3] =	sbarrier.arrive $0xFFFF;
	s2 =	simm.s32 @!p0 $0x1C01  }
0x144: {  	[timem:s3], [sflag:s2] =	dma.local @!p0 [hbm:s0], s1  }
0x145: {  	s0 =	simm.s32 @!p0 $0x1  }
0x146: {  	_ =	swait.ge @!p0 [sflag:s0], s1  }
0x147: {  	s1 =	ssub.s32 @!p0 $0x0, s1;
	[sflag:s0] =	ssyncset.done @!p0 $0x0  }
0x148: {  	[sflag:s0] =	ssyncadd.s32 @!p0 s1  }
0x149: {  	[bflag:$0x3] =	sbarrier.arrive $0xFFFF  }
0x14a: {  	_ =	shalt  }

// kernel: scatter_offload_async_start
scs
__scs_entry_jumppad:
0x0: {  	(pc) =	sbr.rel $0x88, $3  }
0x1: {  	(tag) =	ssettag $0x0;
	lr =	simm.s32 $0x1  }
0x2: {  	[smem:$0x3F97] =	sst lr;
	_ =	strace $0xD0000000  }
0x3: {  	_ = 	snop  }
0x4: {  	_ = 	snop  }
0x5: {  	_ = 	snop  }
0x6: {  	_ = 	snop  }
0x7: {  	_ = 	snop  }
__scs_overlays_trampoline_lowered:
0x8: {  	[smem:$0x3FA6] =	sst s0  }
0x9: {  	[smem:$0x3FA7] =	sst s1  }
0xa: {  	[smem:$0x3FA8] =	sst s2  }
0xb: {  	[smem:$0x3FA9] =	sst s3  }
0xc: {  	[smem:$0x3FAA] =	sst s4  }
0xd: {  	[smem:$0x3FAB] =	sst s5  }
0xe: {  	[smem:$0x3FAC] =	sst s6  }
0xf: {  	[smem:$0x3FAD] =	sst s7  }
0x10: {  	[smem:$0x3FAE] =	sst s8  }
0x11: {  	[smem:$0x3FAF] =	sst s9;
	s0 =	simm.s32 @!p0 $0x0  }
0x12: {  	s1 =	sld [smem:$0x3F95];
	s0 =	simm.s32 @p0 $0x1  }
0x13: {  	[smem:$0x3FB0] =	sst s0;
	s0 =	simm.s32 @!p1 $0x0  }
0x14: {  	s2 =	sld [smem:$0x3F94];
	s0 =	simm.s32 @p1 $0x1  }
0x15: {  	[smem:$0x3FB1] =	sst s0;
	s0 =	simm.s32 @!p2 $0x0  }
0x16: {  	s3 =	sld [smem:$0x3FDB];
	s0 =	simm.s32 @p2 $0x1  }
0x17: {  	s4 =	simm.s32 $0x1BF5;
	[smem:$0x3FB3] =	sst s0  }
0x18: {  	s0 =	sld [smem:$0x3F96];
	_ =	swait.ge [sflag:s4], $0x0  }
0x19: {  	s7 =	sld [smem:$0x3F97]  }
0x1a: {  	s8 =	sadd.s32 $0xFFFFE003, lr  }
0x1b: {  	s9 =	sadd.s32 $0xFFFFFEF7, lr;
	s5 =	simm.s32 $0xFFFFFFFF;
	p2 =	slt.u32 s8, $0xFFFFF086  }
0x1c: {  	p1 =	slt.u32 s9, $0xF7A;
	s5 =	simm.s32 @!p2 $0x0  }
0x1d: {  	s5 =	simm.s32 @p1 $0x1;
	p0 =	seq.s32 s7, s2  }
0x1e: {  	s7 =	smul.u32 @!p0 $0xF7A, s2;
	p2 =	seq.s32 @!p0 s5, $0x0  }
0x1f: {  	s9 =	smul.u32 $0xF7A, s1;
	s8 =	simm.s32 @!p0 $0x1BF5;
	p2 =	por !p2, p0  }
0x20: {  	[sflag:s8] =	ssyncset.s32 @!p0 $0xFFFFF086;
	s6 =	sadd.s32 @!p0 s3, s7;
	s7 =	simm.s32 @!p0 $0x108  }
0x21: {  	s3 =	sadd.s32 s3, s9;
	s6 =	sadd.s32 @!p0 $0x88, s6;
	s7 =	simm.s32 @p2 $0x1082  }
0x22: {  	[simem:s7], [sflag:s8] =	dma.local @!p0 [hbm:s6], $0xF7A  }
0x23: {  	s9 =	sor.u32 $0xD0000000, s2;
	s6 =	simm.s32 $0x108;
	_ =	swait.ge @!p0 [sflag:s8], $0x0  }
0x24: {  	s3 =	sadd.s32 $0x88, s3;
	s6 =	simm.s32 @!p1 $0x1082;
	[sflag:s4] =	ssyncset.s32 $0xFFFFF086  }
0x25: {  	[simem:s6], [sflag:s4] =	dma.local [hbm:s3], $0xF7A  }
0x26: {  	[smem:$0x3F97] =	sst s1;
	(tag) =	ssettag s2;
	_ =	strace s9  }
0x27: {  	s1 =	sld [smem:$0x3FA7]  }
0x28: {  	s2 =	sld [smem:$0x3FA8]  }
0x29: {  	s4 =	sld [smem:$0x3FAA]  }
0x2a: {  	p0 =	seq.s32 s5, $0x0;
	s5 =	sld [smem:$0x3FAB]  }
0x2b: {  	s6 =	sld [smem:$0x3FAC]  }
0x2c: {  	s7 =	sld [smem:$0x3FAD]  }
0x2d: {  	s3 =	simm.s32 $0x108;
	s8 =	sld [smem:$0x3FAE]  }
0x2e: {  	s3 =	simm.s32 @!p0 $0x1082;
	s9 =	sld [smem:$0x3FAF]  }
0x2f: {  	lr =	sadd.s32 s0, s3;
	s0 =	sld [smem:$0x3FA6]  }
0x30: {  	s3 =	sld [smem:$0x3FA9]  }
0x31: {  	[smem:$0x3FB2] =	sst s10  }
0x32: {  	s10 =	sld [smem:$0x3FB0];
	_ =	sdelay $0x3  }
0x33: {  	p0 =	seq.s32 s10, $0x1;
	s10 =	sld [smem:$0x3FB2];
	_ =	sdelay $0x3  }
0x34: {  	[smem:$0x3FB2] =	sst s10  }
0x35: {  	s10 =	sld [smem:$0x3FB1];
	_ =	sdelay $0x3  }
0x36: {  	p1 =	seq.s32 s10, $0x1;
	s10 =	sld [smem:$0x3FB2];
	_ =	sdelay $0x3  }
0x37: {  	[smem:$0x3FB2] =	sst s10  }
0x38: {  	s10 =	sld [smem:$0x3FB3]  }
0x39: {  	_ = 	snop;
	(pc) =	sbr.ind lr, $3  }
0x3a: {  	_ = 	snop  }
0x3b: {  	_ = 	snop  }
0x3c: {  	p2 =	seq.s32 s10, $0x1;
	s10 =	sld [smem:$0x3FB2]  }
0x3d: {  	_ =	shalt  }
0x3e: {  	_ =	shalt  }
0x3f: {  	_ =	shalt  }
0x40: {  	_ =	shalt  }
0x41: {  	_ =	shalt  }
0x42: {  	_ =	shalt  }
0x43: {  	_ =	shalt  }
0x44: {  	_ =	shalt  }
0x45: {  	_ =	shalt  }
0x46: {  	_ =	shalt  }
0x47: {  	_ =	shalt  }
0x48: {  	_ =	shalt  }
0x49: {  	_ =	shalt  }
0x4a: {  	_ =	shalt  }
0x4b: {  	_ =	shalt  }
0x4c: {  	_ =	shalt  }
0x4d: {  	_ =	shalt  }
0x4e: {  	_ =	shalt  }
0x4f: {  	_ =	shalt  }
0x50: {  	_ =	shalt  }
0x51: {  	_ =	shalt  }
0x52: {  	_ =	shalt  }
0x53: {  	_ =	shalt  }
0x54: {  	_ =	shalt  }
0x55: {  	_ =	shalt  }
0x56: {  	_ =	shalt  }
0x57: {  	_ =	shalt  }
0x58: {  	_ =	shalt  }
0x59: {  	_ =	shalt  }
0x5a: {  	_ =	shalt  }
0x5b: {  	_ =	shalt  }
0x5c: {  	_ =	shalt  }
0x5d: {  	_ =	shalt  }
0x5e: {  	_ =	shalt  }
0x5f: {  	_ =	shalt  }
0x60: {  	_ =	shalt  }
0x61: {  	_ =	shalt  }
0x62: {  	_ =	shalt  }
0x63: {  	_ =	shalt  }
0x64: {  	_ =	shalt  }
0x65: {  	_ =	shalt  }
0x66: {  	_ =	shalt  }
0x67: {  	_ =	shalt  }
0x68: {  	_ =	shalt  }
0x69: {  	_ =	shalt  }
0x6a: {  	_ =	shalt  }
0x6b: {  	_ =	shalt  }
0x6c: {  	_ =	shalt  }
0x6d: {  	_ =	shalt  }
0x6e: {  	_ =	shalt  }
0x6f: {  	_ =	shalt  }
0x70: {  	_ =	shalt  }
0x71: {  	_ =	shalt  }
0x72: {  	_ =	shalt  }
0x73: {  	_ =	shalt  }
0x74: {  	_ =	shalt  }
0x75: {  	_ =	shalt  }
0x76: {  	_ =	shalt  }
0x77: {  	_ =	shalt  }
0x78: {  	_ =	shalt  }
0x79: {  	_ =	shalt  }
0x7a: {  	_ =	shalt  }
0x7b: {  	_ =	shalt  }
0x7c: {  	_ =	shalt  }
0x7d: {  	_ =	shalt  }
0x7e: {  	_ =	shalt  }
0x7f: {  	_ =	shalt  }
0x80: {  	_ =	shalt  }
0x81: {  	_ =	shalt  }
0x82: {  	_ =	shalt  }
0x83: {  	_ =	shalt  }
0x84: {  	_ =	shalt  }
0x85: {  	_ =	shalt  }
0x86: {  	_ =	shalt  }
0x87: {  	_ =	shalt  }
.Lfunc_end0:
.L_simem_size_0:
called_computation_lowered:
.L_overlay_start_0:
0x88: {  	s2 =	sld [smem:$0x3FD9]  }
0x89: {  	s3 =	sld [smem:$0x3FFE];
	_ =	sdelay $0x1  }
0x8a: {  	s1 =	srdreg.scid  }
0x8b: {  	s0 =	sand.u32 $0x1, s1  }
0x8c: {  	s15 =	sshll.u32 s0, $0xA;
	s2 =	sadd.s32 s3, s2  }
0x8d: {  	s2 =	sadd.s32 s2, s15  }
0x8e: {  	[smem:$0x3FBE] =	sst s2  }
0x8f: {  	_ = 	snop  }
0x90: {  	s2 =	sld [smem:$0x3FD0];
	_ =	sdelay $0x2  }
0x91: {  	s16 =	simm.s32 $0xC;
	s4 =	simm.s32 $0x10  }
0x92: {  	[smem:s4], [sflag:s16] =	dma.local [hbm:s2], $0x1  }
0x93: {  	_ =	swait.eq [sflag:s16], $0x1  }
0x94: {  	[sflag:s16] =	ssyncset.done $0x0  }
0x95: {  	[sflag:s16] =	ssyncadd.s32 $0xFFFFFFFF  }
0x96: {  	s17 =	sld [smem:$0x10];
	(tm) =	ssettm $0x1  }
0x97: {  	s18 =	sld [smem:$0x3FFB];
	_ =	sdelay $0x3  }
0x98: {  	_ =	strace s18  }
0x99: {  	s2 =	sld [smem:$0x3FFC];
	_ =	sdelay $0x3  }
0x9a: {  	_ =	strace s2  }
0x9b: {  	s2 =	sld [smem:$0x3FFD];
	_ =	sdelay $0x3  }
0x9c: {  	_ =	strace s2  }
0x9d: {  	_ =	strace $0x8FFFFFFF  }
0x9e: {  	s19 =	sld [smem:$0x3FDB];
	_ =	sdelay $0x1  }
0x9f: {  	s20 =	simm.s32 $_scs_section_size  }
0xa0: {  	s5 =	simm.s32 $_size__tile_overlayer_lowered;
	s6 =	simm.s32 $_tile_overlayer_lowered  }
0xa1: {  	s7 =	simm.s32 $0x1BFF;
	s21 =	sshll.u32 s6, $0x1;
	s4 =	sadd.s32 s20, s19  }
0xa2: {  	s22 =	simm.s32 $0x0;
	s5 =	sshll.u32 s5, $0x1;
	s6 =	sadd.s32 s21, s4  }
0xa3: {  	[timem:s22], [sflag:s7] =	dma.local [hbm:s6], s5  }
0xa4: {  	_ =	swait.ge [sflag:s7], s5  }
0xa5: {  	s5 =	ssub.s32 $0x0, s5;
	[sflag:s7] =	ssyncset.done $0x0  }
0xa6: {  	[sflag:s7] =	ssyncadd.s32 s5;
	_ =	sdelay $0x1  }
0xa7: {  	s23 =	simm.s32 $0x1B8B  }
0xa8: {  	_ =	swait.ge [sflag:s23], $0x1  }
0xa9: {  	[sflag:s23] =	ssyncset.done $0x0  }
0xaa: {  	[sflag:s23] =	ssyncadd.s32 $0xFFFFFFFF  }
0xab: {  	s5 =	sld [smem:$0x0]  }
0xac: {  	s6 =	sand.u32 $0xFFFFFFFE, s1  }
0xad: {  	p0 =	sne.s32 s1, s6  }
0xae: {  	s6 =	sshll.u32 @p0 s6, $0xE  }
0xaf: {  	s6 =	sadd.s32 @p0 $0x11B8D, s6;
	s7 =	sshll.u32 @p0 s5, $0x11  }
0xb0: {  	s6 =	sor.u32 @p0 s7, s6  }
0xb1: {  	[sflag:s6] =	ssyncadd.remote.s32 @p0 $0x1;
	_ =	sdelay $0x1  }
0xb2: {  	s6 =	simm.s32 @p0 $0x1B8D  }
0xb3: {  	_ =	swait.eq @p0 [sflag:s6], $0x1  }
0xb4: {  	[sflag:s6] =	ssyncadd.s32 @p0 $0xFFFFFFFF  }
0xb5: {  	s7 =	sshll.u32 @!p0 s1, $0xE  }
0xb6: {  	s7 =	sor.u32 @!p0 $0x4000, s7;
	s6 =	simm.s32 @!p0 $0x1B8D  }
0xb7: {  	s8 =	sshll.u32 @!p0 s5, $0x11;
	s7 =	sadd.s32 @!p0 $0x11B8D, s7;
	_ =	swait.eq @!p0 [sflag:s6], $0x1  }
0xb8: {  	[sflag:s6] =	ssyncadd.s32 @!p0 $0xFFFFFFFF;
	s6 =	sor.u32 @!p0 s8, s7  }
0xb9: {  	s25 =	simm.s32 $0x1B8E;
	s24 =	sld [smem:$0x3FFE];
	[sflag:s6] =	ssyncadd.remote.s32 @!p0 $0x1  }
0xba: {  	s26 =	simm.s32 $execute0_lowered;
	[smem:$0x3FD2] =	sst s25  }
0xbb: {  	s7 =	sshll.u32 s26, $0x1;
	_ =	strace $0x8000004C;
	[dreg:$0x1] =	wrdreg $0xFFFFFFFF  }
0xbc: {  	s28 =	simm.s32 $_size_execute0_lowered;
	s4 =	sadd.s32 s4, s7;
	[dreg:$0x0] =	wrdreg $0x0  }
0xbd: {  	s7 =	sshll.u32 s28, $0x1;
	[dreg:$0x2] =	wrdreg s4  }
0xbe: {  	[dreg:$0x3] =	wrdreg s7  }
0xbf: {  	[dreg:$0x4] =	wrdreg $0xC0  }
0xc0: {  	_ =	task [dreg:s22], $0x5FFFF  }
0xc1: {  	[dreg:$0x1] =	wrdreg $0xFFFFFFFF  }
0xc2: {  	[dreg:$0x0] =	wrdreg $0x60  }
0xc3: {  	[dreg:$0x2] =	wrdreg s24  }
0xc4: {  	[dreg:$0x3] =	wrdreg s17  }
0xc5: {  	[dreg:$0x4] =	wrdreg s1  }
0xc6: {  	[dreg:$0x5] =	wrdreg s5  }
0xc7: {  	[dreg:$0x6] =	wrdreg $0x9  }
0xc8: {  	_ =	task.clear_ibuf [dreg:s22], $0x7FFFF;
	_ =	strace $0x9000004C  }
0xc9: {  	s29 =	simm.s32 $0x9;
	_ =	strace $0x8000004E  }
0xca: {  	_ =	swait.ge [sflag:s29], $0x1  }
0xcb: {  	[sflag:s29] =	ssyncadd.s32 $0xFFFFFFFF  }
0xcc: {  	_ =	strace $0x9000004E  }
0xcd: {  	_ =	sfence  }
0xce: {  	s30 =	sld [smem:$0x0];
	_ =	sdelay $0x2  }
0xcf: {  	s31 =	sshll.u32 s1, $0xD;
	s1 =	sshrl.u32 s1, $0x2  }
0xd0: {  	s4 =	sand.u32 $0x4000, s31;
	s1 =	sadd.s32 s1, s30  }
0xd1: {  	s0 =	sor.u32 s4, s0;
	s1 =	sshll.u32 s1, $0x11  }
0xd2: {  	s0 =	sor.u32 s1, s0  }
0xd3: {  	s0 =	sadd.s32 $0x8F2B, s0  }
0xd4: {  	[sflag:s0] =	ssyncadd.remote.s32 $0x1  }
0xd5: {  	_ =	sfence.sel $0xFFFF  }
0xd6: {  	[dreg:$0x0] =	wrdreg $0xFFFFFFFF;
	(pc) =	sbr.abs _section_cstart, $3  }
0xd7: {  	[dreg:$0x1] =	wrdreg $0xFFFFFFFF  }
0xd8: {  	_ =	task.clear_ibuf [dreg:s22], $0x2FFFF;
	_ =	strace $0x9FFFFFFF  }
0xd9: {  	(tm) =	ssettm $0x7FFFFFFF  }
tec
execute0_lowered:
.L_overlay_start_1:
0x0: {  	(tag) =	ssettag $0x1  }
0x1: {  	s2 =	rddreg [dreg:$0x0]  }
0x2: {  	s0 =	rddreg [dreg:$0x1]  }
0x3: {  	s3 =	rddreg [dreg:$0x2];
	_ =	strace $0x8000004D;
	s1 =	simm.s32 $0x1  }
0x4: {  	s5 =	simm.s32 $0x208;
	v0 =	vimm.s32 $0x0;
	[sflag:s1] =	ssyncpa.u1 $0x0  }
0x5: {  	[tilespmem:s5+$0x70] =	vst v0  }
0x6: {  	[tilespmem:s5+$0x60] =	vst v0  }
0x7: {  	[tilespmem:s5+$0x50] =	vst v0  }
0x8: {  	[tilespmem:s5+$0x40] =	vst v0  }
0x9: {  	[tilespmem:s5+$0x30] =	vst v0  }
0xa: {  	s1 =	sadd.s32 $0x3B1000, s2;
	s6 =	sadd.s32 $0x140000, s2;
	[tilespmem:s5+$0x20] =	vst v0  }
0xb: {  	s4 =	sadd.s32 $0x2800, s2;
	s10 =	sand.u32 $0x1, s3;
	s2 =	simm.s32 $0x40;
	[tilespmem:s5+$0x10] =	vst v0  }
.LBB2_1:
0xc: {  	s2 =	sadd.s32 $0x40, s2;
	[tilespmem:s5+$0x0] =	vst v0;
	s5 =	sadd.s32 $0x80, s5  }
0xd: {  	p0 =	slt.u32 s2, $0x3880;
	[tilespmem:s5+$0x70] =	vst v0  }
0xe: {  	[tilespmem:s5+$0x60] =	vst v0  }
.Ltmp0:
0xf: {  	[tilespmem:s5+$0x50] =	vst v0;
	(pc) =	sbr.rel @p0 .LBB2_1-.Ltmp0, $4  }
0x10: {  	[tilespmem:s5+$0x40] =	vst v0  }
0x11: {  	[tilespmem:s5+$0x30] =	vst v0  }
0x12: {  	[tilespmem:s5+$0x20] =	vst v0  }
0x13: {  	[tilespmem:s5+$0x10] =	vst v0  }
0x14: {  	s11 =	stileid.u32  }
0x15: {  	s2 =	smul.u32 $0x16, s11  }
0x16: {  	s3 =	smin.u32 s11, $0x6  }
0x17: {  	s2 =	sadd.s32 s3, s2  }
0x18: {  	p0 =	slt.u32 s11, $0x6;
	s20 =	smul.u32 $0x70, s2;
	s2 =	simm.s32 $0xA10  }
0x19: {  	s2 =	simm.s32 @!p0 $0x9A0  }
0x1a: {  	s2 =	sadd.s32 s2, s20  }
0x1b: {  	s8 =	smin.u32 s2, $0x9C40  }
0x1c: {  	s2 =	ssub.s32 s8, s20  }
0x1d: {  	p0 =	sgt.s32 s2, $0x0  }
0x1e: {  	s26 =	simm.s32 $0x2;
	s2 =	simm.s32 @!p0 $0x0  }
0x1f: {  	s9 =	simm.s32 $0x9;
	s29 =	simm.s32 $0xA;
	s25 =	sand.u32 $0xFFF0, s2  }
0x20: {  	s30 =	simm.s32 $0xB;
	s31 =	smul.u32 $0x1388, s10;
	s3 =	sshrl.u32 s25, $0x4  }
0x21: {  	[dreg:$0x5] =	wrdreg s10;
	s12 =	simm.s32 $0x1;
	s3 =	smul.u32 $0x2493, s3  }
0x22: {  	s24 =	simm.s32 $0x0;
	p1 =	por $0x0, $0x0;
	s18 =	simm.s32 $0x80  }
0x23: {  	s19 =	simm.s32 $0x400;
	s17 =	simm.s32 $0xC;
	s3 =	sshrl.u32 s3, $0x10  }
0x24: {  	s21 =	simm.s32 $0x0;
	s23 =	simm.s32 $0x0;
	s28 =	smul.u32 $0x70, s3  }
.Ltmp1:
0x25: {  	[tilespmem:s5+$0x0] =	vst v0;
	v0 =	vimm.s32 $0xFFFFFFFF;
	[sflag:s26] =	ssyncpa.u1 $0x0;
	s16 =	sshll.u32 s11, $0x9;
	(pc) =	sbr.rel .LBB2_3-.Ltmp1, $4  }
0x26: {  	[tilespmem:$0xE408] =	vst v0;
	[sflag:s9] =	ssyncpa.u1 $0x0;
	p0 =	sne.s32 s2, s28;
	s2 =	simm.s32 $0x1  }
0x27: {  	s14 =	sadd.s32 s31, s4;
	[sflag:s29] =	ssyncpa.u1 $0x0;
	s2 =	simm.s32 @!p0 $0x0  }
0x28: {  	s15 =	sadd.s32 s31, s0;
	[sflag:s30] =	ssyncpa.u1 $0x0;
	s13 =	sadd.s32 s3, s2  }
0x29: {  	v0 =	vlaneseq.u32;
	s22 =	smov.u32 s20;
	p0 =	por $0x1, $0x1;
	s11 =	sadd.s32 $0x1, s13  }
.LBB2_24:
0x2a: {  	s2 =	sshrl.u32 s4, $0x2  }
.LBB2_26:
0x2b: {  	_ =	swait.ge [sflag:s17], s2  }
0x2c: {  	s31 =	ssub.s32 $0x0, s2;
	v1 =	vmov s26;
	vm0 =	veq.s32 v0, $0x0;
	[sflag:s17] =	ssyncset.done $0x0  }
0x2d: {  	vm15 =	veq.s32 v0, $0x2;
	v1 =	vsel vm0, s0, v1;
	[sflag:s17] =	ssyncadd.s32 s31  }
0x2e: {  	v1 =	vsel vm15, s24, v1;
	[sflag:s17] =	ssyncpa.u1 $0x1  }
0x2f: {  	[tilespmem:$0xE408] =	vst v1  }
.LBB2_27:
0x30: {  	s0 =	sadd.s32 $0x70, s22  }
0x31: {  	s2 =	smov.u32 s20;
	p2 =	slt.s32 s0, s8  }
0x32: {  	s2 =	smov.u32 @p2 s0;
	p2 =	sne.s32 s23, s11  }
.Ltmp2:
0x33: {  	_ = 	snop;
	(pc) =	sbr.rel @!p2 .LBB2_28-.Ltmp2, $4  }
0x34: {  	_ = 	snop  }
0x35: {  	s24 =	smov.u32 s21  }
0x36: {  	s31 =	sadd.s32 $0x1, s23;
	s21 =	smov.u32 s22;
	p0 =	por !p0, !p0  }
0x37: {  	p1 =	por !p1, !p1;
	s23 =	smov.u32 s31;
	s22 =	smov.u32 s2  }
.LBB2_3:
0x38: {  	p2 =	sge.u32 s23, s13  }
0x39: {  	s0 =	smulhi.u32 @!p2 $0xAAAAAAAB, s23  }
0x3a: {  	s2 =	smov.u32 s22;
	p3 =	sgt.s32 @!p2 s22, $0x9BD0  }
0x3b: {  	s3 =	sshra.s32 @!p2 s22, $0x1F;
	p3 =	por !p3, p2;
	s0 =	sshrl.u32 @!p2 s0, $0x1  }
0x3c: {  	s3 =	sand.u32 @!p2 s3, s22;
	s2 =	simm.s32 @p3 $0x9BD0;
	s0 =	smul.u32 @!p2 $0x3, s0  }
0x3d: {  	s2 =	ssub.s32 @!p2 s2, s3  }
0x3e: {  	s2 =	sadd.s32 @!p2 $0xFFFF6430, s2;
	s0 =	ssub.s32 @!p2 s23, s0  }
0x3f: {  	s3 =	sshll.u32 @!p2 s2, $0x2;
	p3 =	sgt.s32 @!p2 s2, $0x6F;
	s0 =	smul.u32 @!p2 $0x1C0, s0  }
0x40: {  	s4 =	sand.u32 @!p2 $0x7, s22;
	s2 =	ssub.s32 @!p2 $0x1C0, s3;
	p3 =	por !p3, p2  }
0x41: {  	s3 =	sshrl.u32 @!p2 s22, $0x3;
	s2 =	sshrl.u32 @!p2 s2, $0x2;
	s0 =	sshrl.u32 @!p2 s0, $0x2  }
0x42: {  	s3 =	sadd.s32 @!p2 s3, s14;
	s2 =	simm.s32 @!p3 $0x0;
	s0 =	sadd.s32 @!p2 $0x10448, s0  }
0x43: {  	[tilespmem:s0], [sflag:$0xA] =	stream.linear.gather @!p2 [hbm4b:s3+s4], s2, $0x38;
	[tilespmem:$0x1E678] =	vst v63  }
0x44: {  	s2 =	sadd.s32 $0xFFFFFFFF, s23  }
0x45: {  	p2 =	sge.u32 s2, s13  }
0x46: {  	p3 =	sgt.s32 @!p2 s21, $0x9BD0  }
0x47: {  	s0 =	smov.u32 s21;
	s3 =	sshra.s32 @!p2 s21, $0x1F;
	p3 =	por !p3, p2  }
0x48: {  	s3 =	sand.u32 @!p2 s3, s21;
	s0 =	simm.s32 @p3 $0x9BD0  }
0x49: {  	s0 =	ssub.s32 @!p2 s0, s3  }
0x4a: {  	s0 =	sadd.s32 @!p2 $0xFFFF6430, s0  }
0x4b: {  	s3 =	sshll.u32 @!p2 s0, $0x2  }
0x4c: {  	p3 =	sgt.s32 @!p2 s0, $0x6F;
	s0 =	ssub.s32 @!p2 $0x1C0, s3  }
0x4d: {  	p3 =	por !p3, p2;
	s0 =	sshrl.u32 @!p2 s0, $0x2  }
0x4e: {  	s4 =	simm.s32 @!p2 $0xA;
	s3 =	sand.u32 @!p2 $0x1, s2;
	s0 =	simm.s32 @!p3 $0x0  }
0x4f: {  	s3 =	smul.u32 @!p2 $0x1C0, s3;
	_ =	swait.ge @!p2 [sflag:s4], s0  }
0x50: {  	s5 =	ssub.s32 @!p2 $0x0, s0;
	[sflag:s4] =	ssyncset.done @!p2 $0x0  }
0x51: {  	s3 =	sshrl.u32 @!p2 s3, $0x2;
	[sflag:s4] =	ssyncadd.s32 @!p2 s5;
	s4 =	sshrl.u32 @!p2 s21, $0x3  }
0x52: {  	s3 =	sadd.s32 @!p2 $0x10598, s3;
	s5 =	sand.u32 @!p2 $0x7, s21;
	s4 =	sadd.s32 @!p2 s4, s15  }
0x53: {  	[tilespmem:s3], [sflag:$0xB] =	stream.linear.gather @!p2 [hbm4b:s4+s5], s0, $0x38;
	[tilespmem:$0x1E678] =	vst v63  }
0x54: {  	s0 =	ssub.s32 @!p2 $0x9C40, s21  }
0x55: {  	p3 =	slt.s32 @!p2 s0, $0x1  }
0x56: {  	p3 =	por p2, p3  }
.Ltmp3:
0x57: {  	_ = 	snop;
	(pc) =	sbr.rel @p3 .LBB2_9-.Ltmp3, $1  }
0x58: {  	_ =	sdelay $0x3  }
0x59: {  	s3 =	smulhi.u32 $0xAAAAAAAB, s2;
	_ =	sdelay $0x1  }
0x5a: {  	s3 =	sshrl.u32 s3, $0x1  }
0x5b: {  	s3 =	smul.u32 $0x3, s3;
	_ =	sdelay $0x1  }
0x5c: {  	s30 =	ssub.s32 s2, s3  }
0x5d: {  	s4 =	simm.s32 $0x1;
	s2 =	smul.u32 $0x1C0, s30  }
.Ltmp4:
0x5e: {  	s4 =	simm.s32 @!p0 $0x0;
	(pc) =	sbr.rel .LBB2_6-.Ltmp4, $4  }
0x5f: {  	s31 =	smul.u32 $0x1C000, s4  }
0x60: {  	p3 =	slt.s32 @!p2 s0, $0x70;
	s2 =	sshrl.u32 s2, $0x2  }
0x61: {  	p2 =	por !p3, p2;
	s3 =	sshrl.u32 s31, $0x2;
	s5 =	sadd.s32 $0x10448, s2  }
0x62: {  	s0 =	simm.s32 @p2 $0x70;
	s4 =	sor.u32 $0x10678, s3;
	s2 =	simm.s32 $0x0;
	v1 =	vmov s5  }
.LBB2_5:
0x63: {  	p2 =	sge.s32 s2, s0  }
.Ltmp5:
0x64: {  	_ = 	snop;
	(pc) =	sbr.rel @p2 .LBB2_9-.Ltmp5, $2  }
0x65: {  	_ =	sdelay $0x2  }
0x66: {  	s4 =	sadd.s32 $0x1000, s4  }
.LBB2_6:
0x67: {  	p2 =	sle.s32 s0, s2  }
.Ltmp6:
0x68: {  	_ = 	snop;
	(pc) =	sbr.rel @p2 .LBB2_5-.Ltmp6, $2  }
0x69: {  	_ =	sdelay $0x2  }
0x6a: {  	s5 =	smov.u32 s2;
	s2 =	sadd.s32 $0x10, s2  }
0x6b: {  	s3 =	ssub.s32 s0, s5  }
0x6c: {  	p2 =	slt.s32 s3, $0x10  }
0x6d: {  	s3 =	simm.s32 @!p2 $0x10  }
0x6e: {  	v2 =	vmov s3  }
0x6f: {  	vm0 =	vgt.s32 v2, v0;
	_ =	sdelay $0x5  }
0x70: {  	v2 =	vld.idx.msk [tilespmem:v1+s5+$0x0 ss:$0x1], vm0;
	_ =	sdelay $0x2  }
0x71: {  	p2 =	slt.s32 s2, s0;
	s3 =	smov.u32 s0  }
0x72: {  	s9 =	smov.u32 s4;
	s25 =	simm.s32 $0x0;
	s3 =	smov.u32 @p2 s2  }
.LBB2_8:
0x73: {  	(v2sf) =	vpush v2, s25;
	_ =	sdelay $0xe  }
0x74: {  	s25 =	sadd.s32 $0x1, s25;
	s10 =	spop (v2sf)  }
0x75: {  	s31 =	sadd.s32 s25, s5;
	s26 =	sshll.u32 s10, $0x8;
	s10 =	sshll.u32 s10, $0x7  }
0x76: {  	p2 =	slt.s32 s31, s3;
	s26 =	sand.u32 $0xFFFFF800, s26;
	s10 =	sand.u32 $0x380, s10  }
.Ltmp7:
0x77: {  	s10 =	sor.u32 s10, s26;
	(pc) =	sbr.rel @p2 .LBB2_8-.Ltmp7, $4  }
0x78: {  	s10 =	sshrl.u32 s10, $0x3  }
0x79: {  	s10 =	sadd.s32 s6, s10  }
0x7a: {  	[tilespmem:s9], [sflag:$0x9] =	stream.strided.gather [hbm4b:s10+s18], $0x100, s19, s18, $0x38;
	[tilespmem:$0x1E678] =	vst v63  }
0x7b: {  	s9 =	sadd.s32 $0x100, s9  }
.Ltmp8:
0x7c: {  	_ = 	snop;
	(pc) =	sbr.rel .LBB2_5-.Ltmp8, $1  }
0x7d: {  	_ =	sdelay $0x3  }
.LBB2_9:
0x7e: {  	p2 =	slt.u32 s23, $0x2  }
.Ltmp9:
0x7f: {  	_ = 	snop;
	(pc) =	sbr.rel @p2 .LBB2_27-.Ltmp9, $1  }
0x80: {  	_ =	sdelay $0x3  }
0x81: {  	p2 =	sgt.s32 s24, $0x9BD0  }
0x82: {  	s0 =	smov.u32 s24;
	s2 =	sshra.s32 s24, $0x1F;
	s3 =	ssub.s32 $0x9C40, s24  }
0x83: {  	s0 =	simm.s32 @!p2 $0x9BD0;
	s2 =	sand.u32 s2, s24;
	p2 =	slt.s32 s3, $0x70  }
0x84: {  	s0 =	ssub.s32 s0, s2;
	s3 =	simm.s32 @!p2 $0x70  }
0x85: {  	s0 =	sadd.s32 $0xFFFF6430, s0;
	s9 =	sshll.u32 s3, $0x8  }
0x86: {  	s26 =	simm.s32 $0x9;
	s10 =	sshll.u32 s0, $0x2;
	s2 =	sand.u32 $0x3FFFFF00, s9  }
0x87: {  	p2 =	sgt.s32 s0, $0x6F;
	s25 =	ssub.s32 $0x1C0, s10;
	_ =	swait.ge [sflag:s26], s2  }
0x88: {  	s2 =	ssub.s32 $0x0, s2;
	[sflag:s26] =	ssyncset.done $0x0;
	s0 =	sshrl.u32 s25, $0x2  }
0x89: {  	s29 =	simm.s32 $0xB;
	[sflag:s26] =	ssyncadd.s32 s2;
	s0 =	simm.s32 @p2 $0x0  }
0x8a: {  	_ =	swait.ge [sflag:s29], s0  }
0x8b: {  	s0 =	ssub.s32 $0x0, s0;
	[sflag:s29] =	ssyncset.done $0x0  }
0x8c: {  	[sflag:s29] =	ssyncadd.s32 s0  }
0x8d: {  	v1 =	vld [tilespmem:$0xE408];
	_ =	sdelay $0x4  }
0x8e: {  	(v2sf) =	vpush v1, $0x0  }
0x8f: {  	(v2sf) =	vpush v1, $0x1  }
0x90: {  	(v2sf) =	vpush v1, $0x2;
	_ =	sdelay $0x3  }
0x91: {  	s0 =	sadd.s32 $0x70, s24  }
0x92: {  	s2 =	ssub.s32 $0x13880, s24;
	p2 =	slt.s32 s8, s0  }
0x93: {  	s0 =	smov.u32 @p2 s8;
	p2 =	sgt.s32 s2, $0x0  }
0x94: {  	s0 =	ssub.s32 s0, s24;
	s2 =	simm.s32 @!p2 $0x0  }
0x95: {  	p2 =	slt.s32 s2, s0  }
0x96: {  	s0 =	smov.u32 @p2 s2  }
0x97: {  	s4 =	simm.s32 $0x1;
	p2 =	slt.s32 s0, $0x1  }
.Ltmp10:
0x98: {  	s4 =	simm.s32 @!p1 $0x0;
	(pc) =	sbr.rel @p2 .LBB2_14-.Ltmp10, $4  }
0x99: {  	s30 =	smul.u32 $0x1C0, s4  }
0x9a: {  	s5 =	spop (v2sf)  }
0x9b: {  	s31 =	sshrl.u32 s30, $0x2;
	s28 =	spop (v2sf)  }
0x9c: {  	s25 =	sadd.s32 $0x10598, s31;
	s24 =	spop (v2sf)  }
0x9d: {  	s2 =	smin.u32 s0, $0x10  }
0x9e: {  	v1 =	vmov s2  }
0x9f: {  	vm1 =	vgt.u32 v1, v0  }
0xa0: {  	p3 =	sgt.s32 s0, $0x10  }
.Ltmp11:
0xa1: {  	_ = 	snop;
	(pc) =	sbr.rel @!p3 .LBB2_13-.Ltmp11, $2  }
0xa2: {  	_ =	sdelay $0x2  }
0xa3: {  	s26 =	simm.s32 $0x10;
	s29 =	sadd.s32 $0xFFFFFFF0, s0;
	s2 =	smov.u32 s25;
	vm0 =	vmmov vm1;
	v1 =	vld.msk [tilespmem:s25+$0x0 ss:$0x1], vm1  }
.LBB2_12:
0xa4: {  	s3 =	smin.u32 s29, $0x10;
	s26 =	sadd.s32 $0x10, s26  }
0xa5: {  	v2 =	vmov s3;
	p3 =	slt.s32 s26, s0  }
0xa6: {  	vm1 =	vgt.u32 v2, v0;
	_ =	sdelay $0x1  }
0xa7: {  	v2 =	vshll.u32 v1, $0x5;
	v1 =	vshll.u32 v1, $0x4  }
.Ltmp12:
0xa8: {  	v2 =	vand.u32 $0xFFFFFF00, v2;
	v1 =	vand.u32 $0x70, v1;
	(pc) =	sbr.rel @p3 .LBB2_12-.Ltmp12, $4  }
0xa9: {  	v1 =	vor.u32 v1, v2  }
0xaa: {  	[tilespmem:s2+$0x0] =	vst.msk vm0, v1;
	s2 =	sadd.s32 $0x10, s2;
	vm0 =	vmmov vm1  }
0xab: {  	v1 =	vld.msk [tilespmem:s2+$0x0 ss:$0x1], vm1  }
0xac: {  	s29 =	sadd.s32 $0xFFFFFFF0, s29  }
.LBB2_13:
0xad: {  	_ =	sdelay $0x3  }
0xae: {  	v2 =	vshll.u32 v1, $0x5;
	v1 =	vshll.u32 v1, $0x4  }
0xaf: {  	v2 =	vand.u32 $0xFFFFFF00, v2;
	v1 =	vand.u32 $0x70, v1  }
0xb0: {  	v1 =	vor.u32 v1, v2  }
0xb1: {  	[tilespmem:s2+$0x0] =	vst.msk vm0, v1  }
.LBB2_14:
0xb2: {  	s2 =	sand.u32 $0x1, s23  }
0xb3: {  	s2 =	smul.u32 $0x70, s2  }
0xb4: {  	p3 =	sne.s32 s28, $0xFFFFFFFF  }
0xb5: {  	v1 =	vld.msk @!p3 [tilespmem:s2+$0x10598], $0x1;
	_ =	sdelay $0x4  }
0xb6: {  	(v2sf) =	vpush @!p3 v1, $0x0;
	_ =	sdelay $0xc  }
.Ltmp13:
0xb7: {  	_ = 	snop;
	(pc) =	sbr.rel @p2 .LBB2_25-.Ltmp13, $4  }
0xb8: {  	_ = 	snop  }
0xb9: {  	s31 =	spop @!p3 (v2sf)  }
0xba: {  	s24 =	simm.s32 @!p3 $0x0;
	s26 =	smov.u32 s31  }
0xbb: {  	[sflag:s17] =	ssyncpa.u1 $0x0;
	s31 =	smov.u32 @p3 s5;
	s26 =	smov.u32 @p3 s28  }
0xbc: {  	v1 =	vld.msk [tilespmem:s25+$0x0], $0x1;
	_ =	sdelay $0x4  }
0xbd: {  	(v2sf) =	vpush v1, $0x0;
	_ =	sdelay $0xe  }
0xbe: {  	s7 =	smov.u32 s11;
	s5 =	spop (v2sf)  }
0xbf: {  	s17 =	smov.u32 s15;
	s2 =	smul.u32 $0x1C000, s4;
	p2 =	seq.s32 s31, s5  }
0xc0: {  	s3 =	smov.u32 s31;
	s29 =	ssub.s32 $0x0, s0;
	p3 =	sgt.s32 @!p2 s31, $0x0  }
0xc1: {  	s30 =	simm.s32 $0x0;
	s2 =	sshrl.u32 s2, $0x2;
	p3 =	por !p3, p2  }
0xc2: {  	s0 =	sadd.s32 $0x1, s29;
	s28 =	sor.u32 $0x106F8, s2;
	s3 =	simm.s32 @p3 $0x0  }
0xc3: {  	s2 =	simm.s32 @!p2 $0x1;
	p3 =	seq.s32 s0, $0x0;
	s3 =	smin.u32 @!p2 s3, $0x270F70  }
.Ltmp14:
0xc4: {  	s4 =	simm.s32 @!p2 $0x7308;
	s9 =	sand.u32 @!p2 $0x3FFFF8, s3;
	(pc) =	sbr.rel @p3 .LBB2_17-.Ltmp14, $4  }
0xc5: {  	s10 =	sadd.s32 @!p2 $0x80, s3;
	s11 =	sadd.s32 @!p2 s1, s9;
	s9 =	sand.u32 @!p2 $0x7, s3  }
0xc6: {  	[tilespmem:s4], [sflag:$0x2] =	stream.linear.gather @!p2 [hbm4b:s11+s9], $0x80, $0x38;
	[tilespmem:$0x1E678] =	vst v63  }
0xc7: {  	s15 =	smov.u32 s14;
	s2 =	smov.u32 @p2 s30;
	s4 =	sand.u32 @!p2 $0x7FFFF8, s10  }
0xc8: {  	s3 =	simm.s32 @!p2 $0x7388;
	s10 =	sadd.s32 @!p2 s1, s4;
	s4 =	sadd.s32 $0x1, s25  }
.LBB2_16:
0xc9: {  	s11 =	smov.u32 s2  }
0xca: {  	[tilespmem:s3], [sflag:$0x2] =	stream.linear.gather @!p2 [hbm4b:s10+s9], $0x80, $0x38;
	[tilespmem:$0x1E678] =	vst v63  }
0xcb: {  	s0 =	sadd.s32 $0x1, s0;
	s9 =	smov.u32 s5;
	v1 =	vld.msk [tilespmem:s4+$0x0], $0x1  }
0xcc: {  	p3 =	seq.s32 s0, $0x0;
	_ =	sdelay $0x3  }
0xcd: {  	(v2sf) =	vpush v1, $0x0;
	_ =	sdelay $0xe  }
0xce: {  	s5 =	spop (v2sf)  }
0xcf: {  	p2 =	seq.s32 s9, s5  }
0xd0: {  	p4 =	sgt.s32 @!p2 s9, $0x0;
	s3 =	sshll.u32 @!p2 s2, $0xA;
	s2 =	sadd.s32 @!p2 $0x1, s2  }
0xd1: {  	p4 =	por !p4, p2;
	s3 =	sshra.s32 @!p2 s3, $0x2;
	s2 =	smov.u32 @p2 s11  }
0xd2: {  	s9 =	simm.s32 @p4 $0x0;
	s10 =	sadd.s32 @!p2 $0x7308, s3;
	s3 =	sadd.s32 @!p2 $0x7388, s3  }
.Ltmp15:
0xd3: {  	s9 =	smin.u32 @!p2 s9, $0x270F70;
	(pc) =	sbr.rel @!p3 .LBB2_16-.Ltmp15, $4  }
0xd4: {  	s11 =	sand.u32 @!p2 $0x3FFFF8, s9;
	s14 =	sadd.s32 @!p2 $0x80, s9  }
0xd5: {  	s9 =	sand.u32 @!p2 $0x7, s9;
	s11 =	sadd.s32 @!p2 s1, s11;
	s14 =	sand.u32 @!p2 $0x7FFFF8, s14  }
0xd6: {  	[tilespmem:s10], [sflag:$0x2] =	stream.linear.gather @!p2 [hbm4b:s11+s9], $0x80, $0x38;
	[tilespmem:$0x1E678] =	vst v63  }
0xd7: {  	s4 =	sadd.s32 $0x1, s4;
	s10 =	sadd.s32 @!p2 s1, s14  }
.LBB2_17:
0xd8: {  	[tilespmem:s3], [sflag:$0x2] =	stream.linear.gather @!p2 [hbm4b:s10+s9], $0x80, $0x38;
	[tilespmem:$0x1E678] =	vst v63  }
0xd9: {  	s0 =	sshll.u32 s2, $0x8  }
.Ltmp16:
0xda: {  	s14 =	simm.s32 $0x2;
	s0 =	sand.u32 $0x3FFFFF00, s0;
	(pc) =	sbr.rel .LBB2_18-.Ltmp16, $4  }
0xdb: {  	_ =	swait.ge [sflag:s14], s0  }
0xdc: {  	s0 =	ssub.s32 $0x0, s0;
	[sflag:s14] =	ssyncset.done $0x0  }
0xdd: {  	s4 =	simm.s32 $0x0;
	s11 =	smov.u32 s7;
	[sflag:s14] =	ssyncadd.s32 s0  }
0xde: {  	s14 =	smov.u32 s15;
	s15 =	smov.u32 s17;
	s17 =	simm.s32 $0xC  }
.LBB2_19:
0xdf: {  	v1 =	vld [tilespmem:s28+$0xFFFFFF80];
	_ =	sdelay $0x4  }
0xe0: {  	[tilespmem:s5+$0x208] =	vst.add.f32.msk $0xffff, v1  }
0xe1: {  	v1 =	vld [tilespmem:s28+$0xFFFFFF90];
	_ =	sdelay $0x4  }
0xe2: {  	[tilespmem:s5+$0x218] =	vst.add.f32.msk $0xffff, v1  }
0xe3: {  	v1 =	vld [tilespmem:s28+$0xFFFFFFA0];
	_ =	sdelay $0x4  }
0xe4: {  	[tilespmem:s5+$0x228] =	vst.add.f32.msk $0xffff, v1  }
0xe5: {  	v1 =	vld [tilespmem:s28+$0xFFFFFFB0];
	_ =	sdelay $0x4  }
0xe6: {  	[tilespmem:s5+$0x238] =	vst.add.f32.msk $0xffff, v1  }
0xe7: {  	v1 =	vld [tilespmem:s28+$0xFFFFFFC0];
	_ =	sdelay $0x4  }
0xe8: {  	[tilespmem:s5+$0x248] =	vst.add.f32.msk $0xffff, v1  }
0xe9: {  	v1 =	vld [tilespmem:s28+$0xFFFFFFD0];
	_ =	sdelay $0x4  }
0xea: {  	[tilespmem:s5+$0x258] =	vst.add.f32.msk $0xffff, v1  }
0xeb: {  	v1 =	vld [tilespmem:s28+$0xFFFFFFE0];
	_ =	sdelay $0x4  }
0xec: {  	[tilespmem:s5+$0x268] =	vst.add.f32.msk $0xffff, v1  }
0xed: {  	v1 =	vld [tilespmem:s28+$0xFFFFFFF0];
	_ =	sdelay $0x4  }
0xee: {  	[tilespmem:s5+$0x278] =	vst.add.f32.msk $0xffff, v1  }
0xef: {  	v1 =	vld [tilespmem:s28+$0x0];
	_ =	sdelay $0x4  }
0xf0: {  	[tilespmem:s5+$0x288] =	vst.add.f32.msk $0xffff, v1  }
0xf1: {  	v1 =	vld [tilespmem:s28+$0x10];
	_ =	sdelay $0x4  }
0xf2: {  	[tilespmem:s5+$0x298] =	vst.add.f32.msk $0xffff, v1  }
0xf3: {  	v1 =	vld [tilespmem:s28+$0x20];
	_ =	sdelay $0x4  }
0xf4: {  	[tilespmem:s5+$0x2A8] =	vst.add.f32.msk $0xffff, v1  }
0xf5: {  	v1 =	vld [tilespmem:s28+$0x30];
	_ =	sdelay $0x4  }
0xf6: {  	[tilespmem:s5+$0x2B8] =	vst.add.f32.msk $0xffff, v1  }
0xf7: {  	v1 =	vld [tilespmem:s28+$0x40];
	_ =	sdelay $0x4  }
0xf8: {  	[tilespmem:s5+$0x2C8] =	vst.add.f32.msk $0xffff, v1  }
0xf9: {  	v1 =	vld [tilespmem:s28+$0x50];
	_ =	sdelay $0x4  }
0xfa: {  	[tilespmem:s5+$0x2D8] =	vst.add.f32.msk $0xffff, v1  }
0xfb: {  	v1 =	vld [tilespmem:s28+$0x60];
	_ =	sdelay $0x4  }
0xfc: {  	[tilespmem:s5+$0x2E8] =	vst.add.f32.msk $0xffff, v1  }
0xfd: {  	v1 =	vld [tilespmem:s28+$0x70];
	_ =	sdelay $0x4  }
0xfe: {  	[tilespmem:s5+$0x2F8] =	vst.add.f32.msk $0xffff, v1  }
.LBB2_23:
0xff: {  	s29 =	sadd.s32 $0x1, s29  }
0x100: {  	p2 =	seq.s32 s29, $0x0  }
.Ltmp17:
0x101: {  	_ = 	snop;
	(pc) =	sbr.rel @p2 .LBB2_24-.Ltmp17, $2  }
0x102: {  	_ =	sdelay $0x2  }
0x103: {  	s25 =	sadd.s32 $0x1, s25;
	s28 =	sadd.s32 $0x100, s28;
	s31 =	smov.u32 s0  }
.LBB2_18:
0x104: {  	v1 =	vld.msk [tilespmem:s25+$0x0], $0x1;
	_ =	sdelay $0x4  }
0x105: {  	(v2sf) =	vpush v1, $0x0;
	_ =	sdelay $0xe  }
0x106: {  	s0 =	spop (v2sf)  }
0x107: {  	p2 =	sne.s32 s31, s0  }
.Ltmp18:
0x108: {  	_ = 	snop;
	(pc) =	sbr.rel @!p2 .LBB2_19-.Ltmp18, $3  }
0x109: {  	_ =	sdelay $0x1  }
0x10a: {  	s2 =	sshll.u32 s24, $0xA  }
0x10b: {  	s5 =	sshra.s32 s2, $0x2  }
0x10c: {  	p2 =	seq.s32 s31, s26  }
.Ltmp19:
0x10d: {  	_ = 	snop;
	(pc) =	sbr.rel @!p2 .LBB2_21-.Ltmp19, $1  }
0x10e: {  	_ =	sdelay $0x3  }
.Ltmp20:
0x10f: {  	s2 =	sadd.s32 $0x208, s5;
	(pc) =	sbr.rel .LBB2_22-.Ltmp20, $4  }
0x110: {  	[spmem:s16] =	stream.linear.scatter [tilespmem:s2], [sflag:$0x1], $0x100, $0x38;
	[tilespmem:$0x1E678] =	vst v63  }
0x111: {  	_ =	swait.ge [sflag:s12], $0x100  }
0x112: {  	[sflag:s12] =	ssyncset.done $0x0  }
0x113: {  	[sflag:s12] =	ssyncadd.s32 $0xFFFFFF00  }
.LBB2_21:
0x114: {  	s2 =	sshll.u32 s30, $0xA  }
0x115: {  	s2 =	sshra.s32 s2, $0x2  }
0x116: {  	v1 =	vld [tilespmem:s2+$0x7308];
	_ =	sdelay $0x4  }
0x117: {  	[tilespmem:s5+$0x208] =	vst.add.f32.msk $0xffff, v1  }
0x118: {  	v1 =	vld [tilespmem:s2+$0x7318];
	_ =	sdelay $0x4  }
0x119: {  	[tilespmem:s5+$0x218] =	vst.add.f32.msk $0xffff, v1  }
0x11a: {  	v1 =	vld [tilespmem:s2+$0x7328];
	_ =	sdelay $0x4  }
0x11b: {  	[tilespmem:s5+$0x228] =	vst.add.f32.msk $0xffff, v1  }
0x11c: {  	v1 =	vld [tilespmem:s2+$0x7338];
	_ =	sdelay $0x4  }
0x11d: {  	[tilespmem:s5+$0x238] =	vst.add.f32.msk $0xffff, v1  }
0x11e: {  	v1 =	vld [tilespmem:s2+$0x7348];
	_ =	sdelay $0x4  }
0x11f: {  	[tilespmem:s5+$0x248] =	vst.add.f32.msk $0xffff, v1  }
0x120: {  	v1 =	vld [tilespmem:s2+$0x7358];
	_ =	sdelay $0x4  }
0x121: {  	[tilespmem:s5+$0x258] =	vst.add.f32.msk $0xffff, v1  }
0x122: {  	v1 =	vld [tilespmem:s2+$0x7368];
	_ =	sdelay $0x4  }
0x123: {  	[tilespmem:s5+$0x268] =	vst.add.f32.msk $0xffff, v1  }
0x124: {  	v1 =	vld [tilespmem:s2+$0x7378];
	_ =	sdelay $0x4  }
0x125: {  	[tilespmem:s5+$0x278] =	vst.add.f32.msk $0xffff, v1  }
0x126: {  	v1 =	vld [tilespmem:s2+$0x7388];
	_ =	sdelay $0x4  }
0x127: {  	[tilespmem:s5+$0x288] =	vst.add.f32.msk $0xffff, v1  }
0x128: {  	v1 =	vld [tilespmem:s2+$0x7398];
	_ =	sdelay $0x4  }
0x129: {  	[tilespmem:s5+$0x298] =	vst.add.f32.msk $0xffff, v1  }
0x12a: {  	v1 =	vld [tilespmem:s2+$0x73A8];
	_ =	sdelay $0x4  }
0x12b: {  	[tilespmem:s5+$0x2A8] =	vst.add.f32.msk $0xffff, v1  }
0x12c: {  	v1 =	vld [tilespmem:s2+$0x73B8];
	_ =	sdelay $0x4  }
0x12d: {  	[tilespmem:s5+$0x2B8] =	vst.add.f32.msk $0xffff, v1  }
0x12e: {  	v1 =	vld [tilespmem:s2+$0x73C8];
	_ =	sdelay $0x4  }
0x12f: {  	[tilespmem:s5+$0x2C8] =	vst.add.f32.msk $0xffff, v1  }
0x130: {  	v1 =	vld [tilespmem:s2+$0x73D8];
	_ =	sdelay $0x4  }
0x131: {  	[tilespmem:s5+$0x2D8] =	vst.add.f32.msk $0xffff, v1  }
0x132: {  	v1 =	vld [tilespmem:s2+$0x73E8];
	_ =	sdelay $0x4  }
0x133: {  	[tilespmem:s5+$0x2E8] =	vst.add.f32.msk $0xffff, v1  }
0x134: {  	v1 =	vld [tilespmem:s2+$0x73F8];
	_ =	sdelay $0x2  }
0x135: {  	p2 =	sgt.u32 s31, $0x270F70  }
0x136: {  	s2 =	sand.u32 @!p2 $0x3FFFF8, s31  }
0x137: {  	s3 =	sadd.s32 $0x208, s5;
	s9 =	sand.u32 @!p2 $0x7, s31;
	s2 =	sadd.s32 @!p2 s1, s2;
	[tilespmem:s5+$0x2F8] =	vst.add.f32.msk $0xffff, v1  }
0x138: {  	[hbm4b:s2+s9] =	stream.linear.scatter @!p2 [tilespmem:s3], [sflag:$0xC], $0x80, $0x38;
	[tilespmem:$0x1E678] =	vst v63  }
0x139: {  	s2 =	sadd.s32 @!p2 $0x80, s31  }
0x13a: {  	s2 =	sand.u32 @!p2 $0x7FFFF8, s2  }
0x13b: {  	s3 =	sadd.s32 $0x288, s5;
	s2 =	sadd.s32 @!p2 s1, s2  }
0x13c: {  	[hbm4b:s2+s9] =	stream.linear.scatter @!p2 [tilespmem:s3], [sflag:$0xC], $0x80, $0x38;
	[tilespmem:$0x1E678] =	vst v63  }
0x13d: {  	s2 =	simm.s32 $0x0  }
0x13e: {  	s2 =	simm.s32 @!p2 $0x400  }
0x13f: {  	s4 =	sadd.s32 s2, s4  }
.LBB2_22:
0x140: {  	s2 =	sadd.s32 $0x1, s24  }
0x141: {  	s3 =	sshrl.u32 s2, $0x4  }
0x142: {  	s3 =	smulhi.u32 $0x24924925, s3  }
0x143: {  	v1 =	vld [tilespmem:s28+$0xFFFFFF80]  }
0x144: {  	s3 =	smul.u32 $0x70, s3;
	_ =	sdelay $0x1  }
0x145: {  	s24 =	ssub.s32 s2, s3  }
0x146: {  	s2 =	sshll.u32 s24, $0x8  }
0x147: {  	[tilespmem:s2+$0x208] =	vst v1  }
0x148: {  	v1 =	vld [tilespmem:s28+$0xFFFFFF90];
	_ =	sdelay $0x4  }
0x149: {  	[tilespmem:s2+$0x218] =	vst v1  }
0x14a: {  	v1 =	vld [tilespmem:s28+$0xFFFFFFA0];
	_ =	sdelay $0x4  }
0x14b: {  	[tilespmem:s2+$0x228] =	vst v1  }
0x14c: {  	v1 =	vld [tilespmem:s28+$0xFFFFFFB0];
	_ =	sdelay $0x4  }
0x14d: {  	[tilespmem:s2+$0x238] =	vst v1  }
0x14e: {  	v1 =	vld [tilespmem:s28+$0xFFFFFFC0];
	_ =	sdelay $0x4  }
0x14f: {  	[tilespmem:s2+$0x248] =	vst v1  }
0x150: {  	v1 =	vld [tilespmem:s28+$0xFFFFFFD0];
	_ =	sdelay $0x4  }
0x151: {  	[tilespmem:s2+$0x258] =	vst v1  }
0x152: {  	v1 =	vld [tilespmem:s28+$0xFFFFFFE0];
	_ =	sdelay $0x4  }
0x153: {  	[tilespmem:s2+$0x268] =	vst v1  }
0x154: {  	v1 =	vld [tilespmem:s28+$0xFFFFFFF0];
	_ =	sdelay $0x4  }
0x155: {  	[tilespmem:s2+$0x278] =	vst v1  }
0x156: {  	v1 =	vld [tilespmem:s28+$0x0];
	_ =	sdelay $0x4  }
0x157: {  	[tilespmem:s2+$0x288] =	vst v1  }
0x158: {  	v1 =	vld [tilespmem:s28+$0x10];
	_ =	sdelay $0x4  }
0x159: {  	[tilespmem:s2+$0x298] =	vst v1  }
0x15a: {  	v1 =	vld [tilespmem:s28+$0x20];
	_ =	sdelay $0x4  }
0x15b: {  	[tilespmem:s2+$0x2A8] =	vst v1  }
0x15c: {  	v1 =	vld [tilespmem:s28+$0x30];
	_ =	sdelay $0x4  }
0x15d: {  	[tilespmem:s2+$0x2B8] =	vst v1  }
0x15e: {  	v1 =	vld [tilespmem:s28+$0x40];
	_ =	sdelay $0x4  }
0x15f: {  	[tilespmem:s2+$0x2C8] =	vst v1  }
0x160: {  	v1 =	vld [tilespmem:s28+$0x50];
	_ =	sdelay $0x4  }
0x161: {  	[tilespmem:s2+$0x2D8] =	vst v1  }
0x162: {  	v1 =	vld [tilespmem:s28+$0x60];
	_ =	sdelay $0x4  }
0x163: {  	[tilespmem:s2+$0x2E8] =	vst v1  }
0x164: {  	v1 =	vld [tilespmem:s28+$0x70]  }
.Ltmp21:
0x165: {  	_ = 	snop;
	(pc) =	sbr.rel .LBB2_23-.Ltmp21, $2  }
0x166: {  	_ =	sdelay $0x2  }
0x167: {  	s30 =	sadd.s32 $0x1, s30;
	[tilespmem:s2+$0x2F8] =	vst v1  }
.LBB2_25:
.Ltmp22:
0x168: {  	(pc) =	sbr.rel .LBB2_26-.Ltmp22, $4  }
0x169: {  	_ = 	snop  }
0x16a: {  	s0 =	simm.s32 $0x2  }
0x16b: {  	_ =	swait.ge [sflag:s0], $0x0  }
0x16c: {  	s2 =	simm.s32 $0x0;
	[sflag:s0] =	ssyncset.done $0x0;
	s0 =	smov.u32 s31  }
.LBB2_28:
0x16d: {  	_ =	sfence.sel $0x180000  }
0x16e: {  	s0 =	simm.s32 $0x9;
	[bflag:$0x0] =	sbarrier.arrive $0xFFFF  }
0x16f: {  	s24 =	simm.s32 $0xA;
	[sflag:s0] =	ssyncpa.u1 $0x1  }
0x170: {  	s25 =	simm.s32 $0xB;
	[sflag:s24] =	ssyncpa.u1 $0x1  }
0x171: {  	s26 =	simm.s32 $0x2;
	[sflag:s25] =	ssyncpa.u1 $0x1  }
0x172: {  	[sflag:s26] =	ssyncpa.u1 $0x1  }
0x173: {  	v0 =	vld [tilespmem:$0xE408];
	_ =	sdelay $0x4  }
0x174: {  	(v2sf) =	vpush v0, $0x0  }
0x175: {  	(v2sf) =	vpush v0, $0x1;
	_ =	sdelay $0x1  }
0x176: {  	(v2sf) =	vpush v0, $0x2;
	_ =	sdelay $0xb  }
0x177: {  	s0 =	spop (v2sf)  }
0x178: {  	s2 =	spop (v2sf)  }
0x179: {  	s3 =	smov.u32 s0;
	p0 =	sne.s32 s0, s2  }
0x17a: {  	s4 =	spop (v2sf);
	s3 =	simm.s32 @!p0 $0xFFFFFFFF  }
0x17b: {  	v2 =	vimm.s32 $0x1;
	v3 =	vlaneseq.u32;
	p0 =	seq.s32 s4, $0xFFFFFFFF;
	v1 =	vmov s3  }
0x17c: {  	s15 =	stileid.u32;
	v0 =	vperm.xlane v0, v2;
	p1 =	sne.s32 @!p0 s0, s2;
	v1 =	vperm.xlane v1, v3  }
0x17d: {  	vm0 =	vcmask $0x3F04;
	s6 =	simm.s32 $0xE408;
	s0 =	simm.s32 @!p0 $0x1;
	p1 =	por !p1, p0  }
0x17e: {  	s3 =	sshll.u32 s15, $0x1;
	s2 =	sshll.u32 @!p0 s4, $0xA;
	s0 =	simm.s32 @p1 $0x0;
	v0 =	vsel vm0, v1, v0  }
0x17f: {  	s5 =	sor.u32 $0x2000, s3;
	s2 =	sshra.s32 @!p0 s2, $0x2;
	s0 =	sor.u32 @!p0 s0, s3;
	[tilespmem:$0xE408] =	vst v0  }
0x180: {  	[spmem:s5] =	stream.linear.scatter [tilespmem:s6], [sflag:$0x1], $0x2, $0x38;
	[tilespmem:$0x1E678] =	vst v63  }
0x181: {  	s2 =	sadd.s32 @!p0 $0x208, s2;
	s0 =	sshll.u32 @!p0 s0, $0x8  }
0x182: {  	[spmem:s0] =	stream.linear.scatter @!p0 [tilespmem:s2], [sflag:$0x1], $0x100, $0x38;
	[tilespmem:$0x1E678] =	vst v63  }
0x183: {  	s0 =	simm.s32 @!p0 $0x102  }
0x184: {  	s28 =	simm.s32 $0x1;
	s0 =	simm.s32 @p0 $0x2  }
0x185: {  	_ =	swait.ge [sflag:s28], s0  }
0x186: {  	s0 =	ssub.s32 $0x0, s0;
	[sflag:s28] =	ssyncset.done $0x0  }
0x187: {  	p0 =	sne.s32 s15, $0x0;
	[sflag:s28] =	ssyncadd.s32 s0  }
.Ltmp23:
0x188: {  	_ =	sfence.stream.spmem;
	(pc) =	sbr.rel @p0 .LBB2_45-.Ltmp23, $4  }
0x189: {  	s29 =	simm.s32 $0x3;
	[bflag:$0x0] =	sbarrier.arrive $0xFFFF  }
0x18a: {  	s30 =	simm.s32 $0x4;
	[sflag:s29] =	ssyncpa.u1 $0x1  }
0x18b: {  	s31 =	simm.s32 $0x3C;
	[sflag:s30] =	ssyncpa.u1 $0x1  }
0x18c: {  	s14 =	rddreg [dreg:$0x5];
	[sflag:s31] =	ssyncpa.u1 $0x1  }
0x18d: {  	_ =	sfence.stream.spmem;
	s0 =	simm.s32 $0x5  }
0x18e: {  	s2 =	simm.s32 $0x2000;
	s3 =	simm.s32 $0xE418;
	[sflag:s0] =	ssyncpa.u1 $0x0  }
0x18f: {  	[tilespmem:s3], [sflag:$0x5] =	stream.linear.gather [spmem:s2], $0x20, $0x38;
	[tilespmem:$0x1E678] =	vst v63  }
0x190: {  	s26 =	simm.s32 $0x0;
	s28 =	simm.s32 $0xE438  }
0x191: {  	[tilespmem:s28], [sflag:$0x5] =	stream.linear.gather [spmem:s26], $0x2000, $0x38;
	[tilespmem:$0x1E678] =	vst v63  }
0x192: {  	_ =	swait.ge [sflag:s0], $0x2020  }
0x193: {  	[sflag:s0] =	ssyncset.done $0x0  }
0x194: {  	s29 =	simm.s32 $0x0;
	[sflag:s0] =	ssyncadd.s32 $0xFFFFDFE0  }
0x195: {  	v0 =	vld.msk [tilespmem:s29+$0xE418], $0x1;
	_ =	sdelay $0x1  }
0x196: {  	s30 =	simm.s32 $0x1  }
0x197: {  	v1 =	vld.msk [tilespmem:s30+$0xE418], $0x1;
	_ =	sdelay $0x1  }
0x198: {  	(v2sf) =	vpush v0, $0x0;
	_ =	sdelay $0x2  }
0x199: {  	(v2sf) =	vpush v1, $0x0;
	_ =	sdelay $0x2  }
0x19a: {  	s31 =	simm.s32 $0x2  }
0x19b: {  	v0 =	vld.msk [tilespmem:s31+$0xE418], $0x1;
	_ =	sdelay $0x2  }
0x19c: {  	s2 =	simm.s32 $0xFFFFFFFF;
	s3 =	simm.s32 $0xFFFFFFFF;
	s0 =	simm.s32 $0xC  }
.LBB2_30:
0x19d: {  	s4 =	smov.u32 s3;
	s5 =	smov.u32 s2  }
0x19e: {  	s2 =	sshra.s32 s0, $0x2;
	p1 =	sne.s32 s0, $0x7C;
	s0 =	sadd.s32 $0x4, s0;
	(v2sf) =	vpush v0, $0x0  }
0x19f: {  	v0 =	vld.msk [tilespmem:s2+$0xE418], $0x1  }
.Ltmp24:
0x1a0: {  	(pc) =	sbr.rel @p1 .LBB2_30-.Ltmp24, $4  }
0x1a1: {  	s3 =	spop (v2sf)  }
0x1a2: {  	p2 =	sne.s32 s5, $0xFFFFFFFF;
	s2 =	smov.u32 s3  }
0x1a3: {  	p3 =	seq.s32 s3, $0xFFFFFFFF;
	s2 =	smov.u32 @p2 s5  }
0x1a4: {  	s3 =	smov.u32 @p3 s4;
	s2 =	smov.u32 @p3 s5  }
0x1a5: {  	(v2sf) =	vpush v0, $0x0;
	_ =	sdelay $0x8  }
0x1a6: {  	s0 =	spop (v2sf)  }
0x1a7: {  	p1 =	sne.s32 s2, $0xFFFFFFFF;
	s9 =	simm.s32 $0x6;
	s4 =	smov.u32 s0  }
0x1a8: {  	s6 =	simm.s32 $0x0;
	p2 =	seq.s32 s0, $0xFFFFFFFF;
	s4 =	smov.u32 @p1 s2  }
0x1a9: {  	s10 =	simm.s32 $0xE308;
	s4 =	smov.u32 @p2 s2;
	s2 =	spop (v2sf)  }
0x1aa: {  	s0 =	smov.u32 @p2 s3;
	p1 =	sne.s32 s4, $0xFFFFFFFF;
	s5 =	smov.u32 s2  }
.Ltmp25:
0x1ab: {  	p2 =	seq.s32 s2, $0xFFFFFFFF;
	s5 =	smov.u32 @p1 s4;
	(pc) =	sbr.rel .LBB2_32-.Ltmp25, $4  }
0x1ac: {  	s11 =	simm.s32 $0xE388;
	s5 =	smov.u32 @p2 s4;
	s7 =	spop (v2sf)  }
0x1ad: {  	s12 =	simm.s32 $0x0;
	p1 =	sne.s32 s5, $0xFFFFFFFF;
	s8 =	smov.u32 s7  }
0x1ae: {  	s2 =	smov.u32 @p2 s0;
	p2 =	seq.s32 s7, $0xFFFFFFFF;
	s8 =	smov.u32 @p1 s5  }
0x1af: {  	[sflag:s9] =	ssyncpa.u1 $0x0;
	s7 =	smov.u32 @p2 s2;
	s8 =	smov.u32 @p2 s5  }
.LBB2_38:
0x1b0: {  	p1 =	sgt.u32 s0, $0x270F70  }
0x1b1: {  	p2 =	seq.s32 @!p1 s0, s8  }
0x1b2: {  	p1 =	por p1, p2  }
0x1b3: {  	p2 =	sne.s32 @!p1 s0, s7  }
0x1b4: {  	p1 =	por p1, !p2  }
0x1b5: {  	s0 =	sshll.u32 @p1 s12, $0xA  }
0x1b6: {  	s2 =	sand.u32 @!p1 $0x3FFFF8, s0;
	s3 =	sand.u32 @!p1 $0x7, s0;
	s0 =	sadd.s32 @!p1 $0x80, s0  }
0x1b7: {  	s2 =	sadd.s32 @!p1 s1, s2;
	s0 =	sand.u32 @!p1 $0x7FFFF8, s0  }
0x1b8: {  	[tilespmem:s10], [sflag:$0x6] =	stream.linear.gather @!p1 [hbm4b:s2+s3], $0x80, $0x38;
	[tilespmem:$0x1E678] =	vst v63  }
0x1b9: {  	s0 =	sadd.s32 @!p1 s1, s0  }
0x1ba: {  	[tilespmem:s11], [sflag:$0x6] =	stream.linear.gather @!p1 [hbm4b:s0+s3], $0x80, $0x38;
	[tilespmem:$0x1E678] =	vst v63  }
0x1bb: {  	_ =	swait.ge @!p1 [sflag:s9], $0x100  }
0x1bc: {  	[sflag:s9] =	ssyncset.done @!p1 $0x0  }
0x1bd: {  	[sflag:s9] =	ssyncadd.s32 @!p1 $0xFFFFFF00  }
0x1be: {  	v1 =	vld @!p1 [tilespmem:$0xE308];
	_ =	sdelay $0x2  }
0x1bf: {  	s0 =	sshll.u32 @!p1 s12, $0xA  }
0x1c0: {  	s2 =	sshrl.u32 @!p1 s0, $0x2  }
0x1c1: {  	[tilespmem:s2+$0xE438] =	vst.add.f32.msk @!p1 $0xffff, v1  }
0x1c2: {  	v1 =	vld @!p1 [tilespmem:$0xE318];
	_ =	sdelay $0x4  }
0x1c3: {  	[tilespmem:s2+$0xE448] =	vst.add.f32.msk @!p1 $0xffff, v1  }
0x1c4: {  	v1 =	vld @!p1 [tilespmem:$0xE328];
	_ =	sdelay $0x4  }
0x1c5: {  	[tilespmem:s2+$0xE458] =	vst.add.f32.msk @!p1 $0xffff, v1  }
0x1c6: {  	v1 =	vld @!p1 [tilespmem:$0xE338];
	_ =	sdelay $0x4  }
0x1c7: {  	[tilespmem:s2+$0xE468] =	vst.add.f32.msk @!p1 $0xffff, v1  }
0x1c8: {  	v1 =	vld @!p1 [tilespmem:$0xE348];
	_ =	sdelay $0x4  }
0x1c9: {  	[tilespmem:s2+$0xE478] =	vst.add.f32.msk @!p1 $0xffff, v1  }
0x1ca: {  	v1 =	vld @!p1 [tilespmem:$0xE358];
	_ =	sdelay $0x4  }
0x1cb: {  	[tilespmem:s2+$0xE488] =	vst.add.f32.msk @!p1 $0xffff, v1  }
0x1cc: {  	v1 =	vld @!p1 [tilespmem:$0xE368];
	_ =	sdelay $0x4  }
0x1cd: {  	[tilespmem:s2+$0xE498] =	vst.add.f32.msk @!p1 $0xffff, v1  }
0x1ce: {  	v1 =	vld @!p1 [tilespmem:$0xE378];
	_ =	sdelay $0x4  }
0x1cf: {  	[tilespmem:s2+$0xE4A8] =	vst.add.f32.msk @!p1 $0xffff, v1  }
0x1d0: {  	v1 =	vld @!p1 [tilespmem:$0xE388];
	_ =	sdelay $0x4  }
0x1d1: {  	[tilespmem:s2+$0xE4B8] =	vst.add.f32.msk @!p1 $0xffff, v1  }
0x1d2: {  	v1 =	vld @!p1 [tilespmem:$0xE398];
	_ =	sdelay $0x4  }
0x1d3: {  	[tilespmem:s2+$0xE4C8] =	vst.add.f32.msk @!p1 $0xffff, v1  }
0x1d4: {  	v1 =	vld @!p1 [tilespmem:$0xE3A8];
	_ =	sdelay $0x4  }
0x1d5: {  	[tilespmem:s2+$0xE4D8] =	vst.add.f32.msk @!p1 $0xffff, v1  }
0x1d6: {  	v1 =	vld @!p1 [tilespmem:$0xE3B8];
	_ =	sdelay $0x4  }
0x1d7: {  	[tilespmem:s2+$0xE4E8] =	vst.add.f32.msk @!p1 $0xffff, v1  }
0x1d8: {  	v1 =	vld @!p1 [tilespmem:$0xE3C8];
	_ =	sdelay $0x4  }
0x1d9: {  	[tilespmem:s2+$0xE4F8] =	vst.add.f32.msk @!p1 $0xffff, v1  }
0x1da: {  	v1 =	vld @!p1 [tilespmem:$0xE3D8];
	_ =	sdelay $0x4  }
0x1db: {  	[tilespmem:s2+$0xE508] =	vst.add.f32.msk @!p1 $0xffff, v1  }
0x1dc: {  	v1 =	vld @!p1 [tilespmem:$0xE3E8];
	_ =	sdelay $0x4  }
0x1dd: {  	[tilespmem:s2+$0xE518] =	vst.add.f32.msk @!p1 $0xffff, v1  }
0x1de: {  	v1 =	vld @!p1 [tilespmem:$0xE3F8];
	_ =	sdelay $0x4  }
0x1df: {  	[tilespmem:s2+$0xE528] =	vst.add.f32.msk @!p1 $0xffff, v1  }
0x1e0: {  	s0 =	sshrl.u32 s0, $0x2;
	[tilespmem:s6+$0xE418] =	vst.msk $0x1, v0  }
0x1e1: {  	v0 =	vld [tilespmem:s0+$0xE438];
	_ =	sdelay $0x2  }
0x1e2: {  	s31 =	sshll.u32 s6, $0xA  }
0x1e3: {  	s2 =	sshra.s32 s31, $0x2  }
0x1e4: {  	[tilespmem:s2+$0xE438] =	vst v0  }
0x1e5: {  	v0 =	vld [tilespmem:s0+$0xE448];
	_ =	sdelay $0x4  }
0x1e6: {  	[tilespmem:s2+$0xE448] =	vst v0  }
0x1e7: {  	v0 =	vld [tilespmem:s0+$0xE458];
	_ =	sdelay $0x4  }
0x1e8: {  	[tilespmem:s2+$0xE458] =	vst v0  }
0x1e9: {  	v0 =	vld [tilespmem:s0+$0xE468];
	_ =	sdelay $0x4  }
0x1ea: {  	[tilespmem:s2+$0xE468] =	vst v0  }
0x1eb: {  	v0 =	vld [tilespmem:s0+$0xE478];
	_ =	sdelay $0x4  }
0x1ec: {  	[tilespmem:s2+$0xE478] =	vst v0  }
0x1ed: {  	v0 =	vld [tilespmem:s0+$0xE488];
	_ =	sdelay $0x4  }
0x1ee: {  	[tilespmem:s2+$0xE488] =	vst v0  }
0x1ef: {  	v0 =	vld [tilespmem:s0+$0xE498];
	_ =	sdelay $0x4  }
0x1f0: {  	[tilespmem:s2+$0xE498] =	vst v0  }
0x1f1: {  	v0 =	vld [tilespmem:s0+$0xE4A8];
	_ =	sdelay $0x4  }
0x1f2: {  	[tilespmem:s2+$0xE4A8] =	vst v0  }
0x1f3: {  	v0 =	vld [tilespmem:s0+$0xE4B8];
	_ =	sdelay $0x4  }
0x1f4: {  	[tilespmem:s2+$0xE4B8] =	vst v0  }
0x1f5: {  	v0 =	vld [tilespmem:s0+$0xE4C8];
	_ =	sdelay $0x4  }
0x1f6: {  	[tilespmem:s2+$0xE4C8] =	vst v0  }
0x1f7: {  	v0 =	vld [tilespmem:s0+$0xE4D8];
	_ =	sdelay $0x4  }
0x1f8: {  	[tilespmem:s2+$0xE4D8] =	vst v0  }
0x1f9: {  	v0 =	vld [tilespmem:s0+$0xE4E8];
	_ =	sdelay $0x4  }
0x1fa: {  	[tilespmem:s2+$0xE4E8] =	vst v0  }
0x1fb: {  	v0 =	vld [tilespmem:s0+$0xE4F8];
	_ =	sdelay $0x4  }
0x1fc: {  	[tilespmem:s2+$0xE4F8] =	vst v0  }
0x1fd: {  	v0 =	vld [tilespmem:s0+$0xE508];
	_ =	sdelay $0x4  }
0x1fe: {  	[tilespmem:s2+$0xE508] =	vst v0  }
0x1ff: {  	v0 =	vld [tilespmem:s0+$0xE518];
	_ =	sdelay $0x4  }
0x200: {  	[tilespmem:s2+$0xE518] =	vst v0  }
0x201: {  	v0 =	vld [tilespmem:s0+$0xE528];
	_ =	sdelay $0x4  }
0x202: {  	s6 =	sadd.s32 $0x1, s6;
	[tilespmem:s2+$0xE528] =	vst v0  }
.LBB2_39:
0x203: {  	s12 =	sadd.s32 $0x1, s12  }
0x204: {  	p1 =	sne.s32 s12, $0x20  }
.Ltmp26:
0x205: {  	_ = 	snop;
	(pc) =	sbr.rel @!p1 .LBB2_40-.Ltmp26, $1  }
0x206: {  	_ =	sdelay $0x3  }
.LBB2_32:
0x207: {  	v0 =	vld.msk [tilespmem:s12+$0xE418], $0x1;
	_ =	sdelay $0x4  }
0x208: {  	(v2sf) =	vpush v0, $0x0;
	_ =	sdelay $0xe  }
0x209: {  	s0 =	spop (v2sf)  }
0x20a: {  	p1 =	seq.s32 s0, $0xFFFFFFFF  }
.Ltmp27:
0x20b: {  	_ = 	snop;
	(pc) =	sbr.rel @p1 .LBB2_39-.Ltmp27, $1  }
0x20c: {  	_ =	sdelay $0x3  }
0x20d: {  	p1 =	slt.s32 s6, $0x1  }
.Ltmp28:
0x20e: {  	_ = 	snop;
	(pc) =	sbr.rel @p1 .LBB2_38-.Ltmp28, $1  }
0x20f: {  	_ =	sdelay $0x3  }
0x210: {  	s4 =	simm.s32 $0xE418;
	p1 =	por $0x0, $0x0  }
0x211: {  	v1 =	vld.msk @!p1 [tilespmem:s4+$0x0], $0x1;
	_ =	sdelay $0x4  }
0x212: {  	(v2sf) =	vpush @!p1 v1, $0x0;
	_ =	sdelay $0xd  }
0x213: {  	p3 =	sne.s32 s6, $0x1  }
.Ltmp29:
0x214: {  	s2 =	spop @!p1 (v2sf);
	(pc) =	sbr.rel @!p3 .LBB2_36-.Ltmp29, $4  }
0x215: {  	p2 =	seq.s32 @!p1 s0, s2  }
0x216: {  	s5 =	simm.s32 $0x0;
	p2 =	por !p2, p1  }
0x217: {  	s2 =	simm.s32 $0xFFFFFFFF;
	s5 =	simm.s32 @p2 $0xFFFFFFFF  }
0x218: {  	s13 =	simm.s32 $0x1;
	s5 =	smov.u32 @p1 s2  }
.LBB2_35:
0x219: {  	s2 =	smov.u32 s5;
	p1 =	sne.s32 s5, $0xFFFFFFFF  }
0x21a: {  	s4 =	sadd.s32 $0x1, s4;
	s5 =	smov.u32 s13;
	s13 =	sadd.s32 $0x1, s13  }
0x21b: {  	p2 =	sne.s32 s6, s13;
	v1 =	vld.msk @!p1 [tilespmem:s4+$0x0], $0x1;
	_ =	sdelay $0x4  }
0x21c: {  	(v2sf) =	vpush @!p1 v1, $0x0;
	_ =	sdelay $0xe  }
.Ltmp30:
0x21d: {  	s3 =	spop @!p1 (v2sf);
	(pc) =	sbr.rel @p2 .LBB2_35-.Ltmp30, $4  }
0x21e: {  	p3 =	seq.s32 @!p1 s0, s3  }
0x21f: {  	p3 =	por !p3, p1  }
0x220: {  	s5 =	simm.s32 @p3 $0xFFFFFFFF  }
0x221: {  	s5 =	smov.u32 @p1 s2  }
.LBB2_36:
0x222: {  	p1 =	seq.s32 s5, $0xFFFFFFFF  }
.Ltmp31:
0x223: {  	_ = 	snop;
	(pc) =	sbr.rel @p1 .LBB2_38-.Ltmp31, $1  }
0x224: {  	_ =	sdelay $0x3  }
0x225: {  	s0 =	sshll.u32 s12, $0x8  }
0x226: {  	s0 =	sand.u32 $0x3FFFFF00, s0  }
0x227: {  	v0 =	vld [tilespmem:s0+$0xE438];
	_ =	sdelay $0x2  }
0x228: {  	s2 =	sshll.u32 s5, $0xA  }
0x229: {  	s2 =	sshra.s32 s2, $0x2  }
0x22a: {  	[tilespmem:s2+$0xE438] =	vst.add.f32.msk $0xffff, v0  }
0x22b: {  	v0 =	vld [tilespmem:s0+$0xE448];
	_ =	sdelay $0x4  }
0x22c: {  	[tilespmem:s2+$0xE448] =	vst.add.f32.msk $0xffff, v0  }
0x22d: {  	v0 =	vld [tilespmem:s0+$0xE458];
	_ =	sdelay $0x4  }
0x22e: {  	[tilespmem:s2+$0xE458] =	vst.add.f32.msk $0xffff, v0  }
0x22f: {  	v0 =	vld [tilespmem:s0+$0xE468];
	_ =	sdelay $0x4  }
0x230: {  	[tilespmem:s2+$0xE468] =	vst.add.f32.msk $0xffff, v0  }
0x231: {  	v0 =	vld [tilespmem:s0+$0xE478];
	_ =	sdelay $0x4  }
0x232: {  	[tilespmem:s2+$0xE478] =	vst.add.f32.msk $0xffff, v0  }
0x233: {  	v0 =	vld [tilespmem:s0+$0xE488];
	_ =	sdelay $0x4  }
0x234: {  	[tilespmem:s2+$0xE488] =	vst.add.f32.msk $0xffff, v0  }
0x235: {  	v0 =	vld [tilespmem:s0+$0xE498];
	_ =	sdelay $0x4  }
0x236: {  	[tilespmem:s2+$0xE498] =	vst.add.f32.msk $0xffff, v0  }
0x237: {  	v0 =	vld [tilespmem:s0+$0xE4A8];
	_ =	sdelay $0x4  }
0x238: {  	[tilespmem:s2+$0xE4A8] =	vst.add.f32.msk $0xffff, v0  }
0x239: {  	v0 =	vld [tilespmem:s0+$0xE4B8];
	_ =	sdelay $0x4  }
0x23a: {  	[tilespmem:s2+$0xE4B8] =	vst.add.f32.msk $0xffff, v0  }
0x23b: {  	v0 =	vld [tilespmem:s0+$0xE4C8];
	_ =	sdelay $0x4  }
0x23c: {  	[tilespmem:s2+$0xE4C8] =	vst.add.f32.msk $0xffff, v0  }
0x23d: {  	v0 =	vld [tilespmem:s0+$0xE4D8];
	_ =	sdelay $0x4  }
0x23e: {  	[tilespmem:s2+$0xE4D8] =	vst.add.f32.msk $0xffff, v0  }
0x23f: {  	v0 =	vld [tilespmem:s0+$0xE4E8];
	_ =	sdelay $0x4  }
0x240: {  	[tilespmem:s2+$0xE4E8] =	vst.add.f32.msk $0xffff, v0  }
0x241: {  	v0 =	vld [tilespmem:s0+$0xE4F8];
	_ =	sdelay $0x4  }
0x242: {  	[tilespmem:s2+$0xE4F8] =	vst.add.f32.msk $0xffff, v0  }
0x243: {  	v0 =	vld [tilespmem:s0+$0xE508];
	_ =	sdelay $0x4  }
0x244: {  	[tilespmem:s2+$0xE508] =	vst.add.f32.msk $0xffff, v0  }
0x245: {  	v0 =	vld [tilespmem:s0+$0xE518];
	_ =	sdelay $0x4  }
0x246: {  	[tilespmem:s2+$0xE518] =	vst.add.f32.msk $0xffff, v0  }
0x247: {  	v0 =	vld [tilespmem:s0+$0xE528]  }
.Ltmp32:
0x248: {  	_ = 	snop;
	(pc) =	sbr.rel .LBB2_39-.Ltmp32, $2  }
0x249: {  	_ =	sdelay $0x2  }
0x24a: {  	[tilespmem:s2+$0xE528] =	vst.add.f32.msk $0xffff, v0  }
.LBB2_40:
0x24b: {  	s0 =	simm.s32 $0x6;
	p1 =	seq.s32 s6, $0x0  }
0x24c: {  	[sflag:s0] =	ssyncpa.u1 $0x1;
	v0 =	vimm.s32 @p1 $0xFFFFFFFF  }
0x24d: {  	s0 =	sadd.s32 $0xFFFFFFFF, s6;
	[tilespmem:$0x10438] =	vst @p1 v0  }
0x24e: {  	v0 =	vld.msk @!p1 [tilespmem:s0+$0xE418], $0x1;
	_ =	sdelay $0x1  }
0x24f: {  	v1 =	vld.msk @!p1 [tilespmem:$0xE418], $0x1;
	_ =	sdelay $0x2  }
0x250: {  	p2 =	seq.s32 @!p1 s0, $0x0;
	v0 =	vbroadcast @!p1 v0, $0x0  }
0x251: {  	vm0 =	vmmov @!p1 $0x1;
	p2 =	por !p2, p1  }
0x252: {  	v1 =	vnsel @!p1 vm0, $0xFFFFFFFF, v1;
	vm0 =	vcmask @!p1 $0x308;
	v0 =	vpsel !p2, $0xFFFFFFFF, v0  }
0x253: {  	p2 =	sne.s32 @!p1 s8, s7;
	v0 =	vsel @!p1 vm0, v1, v0  }
0x254: {  	s2 =	simm.s32 @!p1 $0xE438;
	s3 =	simm.s32 @!p1 $0x0;
	p3 =	por !p2, p1;
	[tilespmem:$0x10438] =	vst @!p1 v0  }
0x255: {  	[spmem:s3] =	stream.linear.scatter @!p1 [tilespmem:s2], [sflag:$0x1], $0x100, $0x38;
	[tilespmem:$0x1E678] =	vst v63  }
0x256: {  	s2 =	sshll.u32 @!p3 s0, $0xA  }
0x257: {  	s2 =	sshra.s32 @!p3 s2, $0x2  }
0x258: {  	s3 =	simm.s32 @!p3 $0x100;
	s2 =	sadd.s32 @!p3 $0xE438, s2  }
0x259: {  	[spmem:s3] =	stream.linear.scatter @!p3 [tilespmem:s2], [sflag:$0x1], $0x100, $0x38;
	[tilespmem:$0x1E678] =	vst v63  }
0x25a: {  	s2 =	simm.s32 @!p3 $0x1  }
0x25b: {  	_ =	swait.ge @!p3 [sflag:s2], $0x200  }
0x25c: {  	p1 =	por p2, p1;
	[sflag:s2] =	ssyncset.done @!p3 $0x0  }
0x25d: {  	[sflag:s2] =	ssyncadd.s32 @!p3 $0xFFFFFE00;
	s2 =	simm.s32 @!p1 $0x1  }
0x25e: {  	_ =	swait.ge @!p1 [sflag:s2], $0x100  }
0x25f: {  	s29 =	simm.s32 $0x10438;
	[sflag:s2] =	ssyncset.done @!p1 $0x0  }
0x260: {  	s30 =	simm.s32 $0x2000;
	s31 =	simm.s32 $0x1;
	[sflag:s2] =	ssyncadd.s32 @!p1 $0xFFFFFF00  }
0x261: {  	[spmem:s30] =	stream.linear.scatter [tilespmem:s29], [sflag:$0x1], $0x10, $0x38;
	[tilespmem:$0x1E678] =	vst v63  }
0x262: {  	_ =	swait.ge [sflag:s31], $0x10  }
0x263: {  	[sflag:s31] =	ssyncset.done $0x0  }
0x264: {  	p1 =	seq.s32 s14, $0x0;
	s9 =	rddreg [dreg:$0x2];
	[sflag:s31] =	ssyncadd.s32 $0xFFFFFFF0  }
0x265: {  	s3 =	sshll.u32 @p1 s9, $0xE;
	s8 =	rddreg [dreg:$0x3]  }
0x266: {  	s2 =	sadd.s32 @p1 $0x15C3C, s3;
	s3 =	sshll.u32 @p1 s8, $0x11  }
0x267: {  	_ =	sfence.stream.spmem;
	s2 =	sor.u32 @p1 s3, s2  }
0x268: {  	[sflag:s2] =	ssyncadd.remote.s32 @p1 $0x1;
	s2 =	simm.s32 @p1 $0x4  }
0x269: {  	s4 =	simm.s32 @!p1 $0x3C;
	s3 =	sand.u32 $0xFFFFFFFE, s9;
	_ =	swait.ge @p1 [sflag:s2], $0x42  }
0x26a: {  	s5 =	simm.s32 @!p1 $0x0;
	s3 =	sadd.s32 @!p1 $0x4, s3;
	[sflag:s2] =	ssyncset.done @p1 $0x0  }
0x26b: {  	s7 =	simm.s32 @!p1 $0x200;
	[sflag:s2] =	ssyncadd.s32 @p1 $0xFFFFFFBE;
	s2 =	sshll.u32 @!p1 s3, $0x1A  }
0x26c: {  	s3 =	sshll.u32 @!p1 s3, $0xD;
	s2 =	sor.u32 @!p1 s2, s8;
	_ =	swait.eq @!p1 [sflag:s4], $0x1  }
0x26d: {  	s3 =	sor.u32 @!p1 $0x1C04, s3;
	s4 =	simm.s32 @!p1 $0x1C03;
	s2 =	sor.u32 @!p1 $0x80004000, s2  }
0x26e: {  	[spmem:s7], [sflag:s3] =	dma.general @!p1 [spmem:s5], [sflag:s4], length:$0x40, [dreg:$0x0], stride_count:$0x0, ici_dest:s2, dma_misc:DstOpCode:WRITE  }
0x26f: {  	p2 =	slt.s32 s0, $0x2;
	s5 =	simm.s32 @!p1 $0x400;
	s7 =	simm.s32 @!p1 $0x402  }
0x270: {  	[spmem:s7], [sflag:s3] =	dma.general @!p1 [spmem:s5], [sflag:s4], length:$0x2, [dreg:$0x0], stride_count:$0x0, ici_dest:s2, dma_misc:DstOpCode:WRITE  }
.Ltmp33:
0x271: {  	s2 =	simm.s32 @!p1 $0x3;
	(pc) =	sbr.rel @p2 .LBB2_44-.Ltmp33, $4  }
0x272: {  	s3 =	sshll.u32 @!p1 s9, $0xE;
	_ =	swait.ge @!p1 [sflag:s2], $0x42  }
0x273: {  	s4 =	sshll.u32 @!p1 s8, $0x11;
	s3 =	sadd.s32 @!p1 $0x11C3C, s3;
	[sflag:s2] =	ssyncset.done @!p1 $0x0  }
0x274: {  	[sflag:s2] =	ssyncadd.s32 @!p1 $0xFFFFFFBE;
	s2 =	sor.u32 @!p1 s4, s3  }
0x275: {  	s0 =	simm.s32 $0x0;
	[sflag:s2] =	ssyncadd.remote.s32 @!p1 $0xFFFFFFFF  }
0x276: {  	s0 =	simm.s32 $0xE419  }
0x277: {  	v0 =	vld.msk [tilespmem:s0+$0x0], $0x1;
	_ =	sdelay $0x4  }
0x278: {  	(v2sf) =	vpush v0, $0x0;
	_ =	sdelay $0xd  }
0x279: {  	s31 =	sadd.s32 $0xFFFFFFFE, s6  }
0x27a: {  	s6 =	simm.s32 $0x0;
	s0 =	sadd.s32 $0xFFFFFFFF, s31;
	s2 =	spop (v2sf)  }
0x27b: {  	s3 =	simm.s32 $0xE538;
	p1 =	sne.s32 s0, $0x0;
	p2 =	sgt.u32 s2, $0x270F70  }
.Ltmp34:
0x27c: {  	s4 =	simm.s32 $0xE638;
	s5 =	sand.u32 @!p2 $0x3FFFF8, s2;
	(pc) =	sbr.rel @!p1 .LBB2_43-.Ltmp34, $4  }
0x27d: {  	s7 =	sadd.s32 @!p2 $0x80, s2;
	s2 =	sand.u32 @!p2 $0x7, s2;
	s6 =	simm.s32 @!p2 $0x400  }
0x27e: {  	s5 =	sadd.s32 @!p2 s1, s5;
	s7 =	sand.u32 @!p2 $0x7FFFF8, s7;
	s6 =	sadd.s32 $0x0, s6  }
0x27f: {  	[hbm4b:s5+s2] =	stream.linear.scatter @!p2 [tilespmem:s3], [sflag:$0x5], $0x80, $0x38;
	[tilespmem:$0x1E678] =	vst v63  }
0x280: {  	s5 =	simm.s32 $0xE41A;
	s3 =	simm.s32 @!p2 $0xE5B8;
	s7 =	sadd.s32 @!p2 s1, s7  }
.LBB2_42:
0x281: {  	[hbm4b:s7+s2] =	stream.linear.scatter @!p2 [tilespmem:s3], [sflag:$0x5], $0x80, $0x38;
	[tilespmem:$0x1E678] =	vst v63  }
0x282: {  	s0 =	sadd.s32 $0xFFFFFFFF, s0;
	s3 =	smov.u32 s4;
	v0 =	vld.msk [tilespmem:s5+$0x0], $0x1  }
0x283: {  	p1 =	sne.s32 s0, $0x0;
	_ =	sdelay $0x3  }
0x284: {  	(v2sf) =	vpush v0, $0x0;
	_ =	sdelay $0xe  }
0x285: {  	s4 =	sadd.s32 $0x100, s4;
	s8 =	simm.s32 $0x0;
	s2 =	spop (v2sf)  }
.Ltmp35:
0x286: {  	s5 =	sadd.s32 $0x1, s5;
	p2 =	sgt.u32 s2, $0x270F70;
	(pc) =	sbr.rel @p1 .LBB2_42-.Ltmp35, $4  }
0x287: {  	s8 =	simm.s32 @!p2 $0x400;
	s7 =	sand.u32 @!p2 $0x3FFFF8, s2;
	s9 =	sadd.s32 @!p2 $0x80, s2  }
0x288: {  	s2 =	sand.u32 @!p2 $0x7, s2;
	s7 =	sadd.s32 @!p2 s1, s7;
	s9 =	sand.u32 @!p2 $0x7FFFF8, s9  }
0x289: {  	[hbm4b:s7+s2] =	stream.linear.scatter @!p2 [tilespmem:s3], [sflag:$0x5], $0x80, $0x38;
	[tilespmem:$0x1E678] =	vst v63  }
0x28a: {  	s6 =	sadd.s32 s6, s8;
	s3 =	sadd.s32 @!p2 $0x80, s3;
	s7 =	sadd.s32 @!p2 s1, s9  }
.LBB2_43:
0x28b: {  	[hbm4b:s7+s2] =	stream.linear.scatter @!p2 [tilespmem:s3], [sflag:$0x5], $0x80, $0x38;
	[tilespmem:$0x1E678] =	vst v63  }
0x28c: {  	s0 =	sshrl.u32 s6, $0x2  }
.LBB2_44:
0x28d: {  	s2 =	simm.s32 $0x5  }
0x28e: {  	_ =	swait.ge [sflag:s2], s0  }
0x28f: {  	s31 =	ssub.s32 $0x0, s0;
	[sflag:s2] =	ssyncset.done $0x0  }
0x290: {  	[sflag:s2] =	ssyncadd.s32 s31  }
0x291: {  	[sflag:s2] =	ssyncpa.u1 $0x1  }
.LBB2_45:
0x292: {  	s0 =	sor.u32 s14, s15  }
0x293: {  	p1 =	sne.s32 s0, $0x0  }
.Ltmp36:
0x294: {  	_ = 	snop;
	(pc) =	sbr.rel @p1 .LBB2_60-.Ltmp36, $3  }
0x295: {  	_ =	sdelay $0x1  }
0x296: {  	[bflag:$0x0] =	sbarrier.arrive $0xFFFF  }
0x297: {  	_ =	sfence  }
0x298: {  	s0 =	simm.s32 $0x7  }
0x299: {  	s2 =	simm.s32 $0x2000;
	s3 =	simm.s32 $0xE418;
	[sflag:s0] =	ssyncpa.u1 $0x0  }
0x29a: {  	[tilespmem:s3], [sflag:$0x7] =	stream.linear.gather [spmem:s2], $0x20, $0x38;
	[tilespmem:$0x1E678] =	vst v63  }
0x29b: {  	s30 =	simm.s32 $0xE438;
	s2 =	simm.s32 $0x0  }
0x29c: {  	[tilespmem:s30], [sflag:$0x7] =	stream.linear.gather [spmem:s2], $0x2000, $0x38;
	[tilespmem:$0x1E678] =	vst v63  }
.Ltmp37:
0x29d: {  	_ = 	snop;
	(pc) =	sbr.rel .LBB2_47-.Ltmp37, $4  }
0x29e: {  	_ =	swait.ge [sflag:s0], $0x2020  }
0x29f: {  	[sflag:s0] =	ssyncset.done $0x0  }
0x2a0: {  	s31 =	simm.s32 $0x8;
	[sflag:s0] =	ssyncadd.s32 $0xFFFFDFE0  }
0x2a1: {  	s3 =	simm.s32 $0x0;
	[sflag:s31] =	ssyncpa.u1 $0x0  }
.LBB2_53:
0x2a2: {  	p1 =	slt.u32 s0, $0x270F71  }
0x2a3: {  	s4 =	sand.u32 @p1 $0x3FFFF8, s0;
	s5 =	sand.u32 @p1 $0x7, s0;
	s0 =	sadd.s32 @p1 $0x80, s0  }
0x2a4: {  	s6 =	simm.s32 @p1 $0xE308;
	s4 =	sadd.s32 @p1 s1, s4;
	s0 =	sand.u32 @p1 $0x7FFFF8, s0  }
0x2a5: {  	[tilespmem:s6], [sflag:$0x8] =	stream.linear.gather @p1 [hbm4b:s4+s5], $0x80, $0x38;
	[tilespmem:$0x1E678] =	vst v63  }
0x2a6: {  	s0 =	sadd.s32 @p1 s1, s0;
	s4 =	simm.s32 @p1 $0xE388  }
0x2a7: {  	[tilespmem:s4], [sflag:$0x8] =	stream.linear.gather @p1 [hbm4b:s0+s5], $0x80, $0x38;
	[tilespmem:$0x1E678] =	vst v63  }
0x2a8: {  	s0 =	simm.s32 @p1 $0x8  }
0x2a9: {  	_ =	swait.ge @p1 [sflag:s0], $0x100  }
0x2aa: {  	[sflag:s0] =	ssyncset.done @p1 $0x0  }
0x2ab: {  	[sflag:s0] =	ssyncadd.s32 @p1 $0xFFFFFF00  }
0x2ac: {  	v1 =	vld @p1 [tilespmem:$0xE308];
	_ =	sdelay $0x2  }
0x2ad: {  	s0 =	sshll.u32 @p1 s3, $0xA  }
0x2ae: {  	s4 =	sshrl.u32 @p1 s0, $0x2  }
0x2af: {  	[tilespmem:s4+$0xE438] =	vst.add.f32.msk @p1 $0xffff, v1  }
0x2b0: {  	v1 =	vld @p1 [tilespmem:$0xE318];
	_ =	sdelay $0x4  }
0x2b1: {  	[tilespmem:s4+$0xE448] =	vst.add.f32.msk @p1 $0xffff, v1  }
0x2b2: {  	v1 =	vld @p1 [tilespmem:$0xE328];
	_ =	sdelay $0x4  }
0x2b3: {  	[tilespmem:s4+$0xE458] =	vst.add.f32.msk @p1 $0xffff, v1  }
0x2b4: {  	v1 =	vld @p1 [tilespmem:$0xE338];
	_ =	sdelay $0x4  }
0x2b5: {  	[tilespmem:s4+$0xE468] =	vst.add.f32.msk @p1 $0xffff, v1  }
0x2b6: {  	v1 =	vld @p1 [tilespmem:$0xE348];
	_ =	sdelay $0x4  }
0x2b7: {  	[tilespmem:s4+$0xE478] =	vst.add.f32.msk @p1 $0xffff, v1  }
0x2b8: {  	v1 =	vld @p1 [tilespmem:$0xE358];
	_ =	sdelay $0x4  }
0x2b9: {  	[tilespmem:s4+$0xE488] =	vst.add.f32.msk @p1 $0xffff, v1  }
0x2ba: {  	v1 =	vld @p1 [tilespmem:$0xE368];
	_ =	sdelay $0x4  }
0x2bb: {  	[tilespmem:s4+$0xE498] =	vst.add.f32.msk @p1 $0xffff, v1  }
0x2bc: {  	v1 =	vld @p1 [tilespmem:$0xE378];
	_ =	sdelay $0x4  }
0x2bd: {  	[tilespmem:s4+$0xE4A8] =	vst.add.f32.msk @p1 $0xffff, v1  }
0x2be: {  	v1 =	vld @p1 [tilespmem:$0xE388];
	_ =	sdelay $0x4  }
0x2bf: {  	[tilespmem:s4+$0xE4B8] =	vst.add.f32.msk @p1 $0xffff, v1  }
0x2c0: {  	v1 =	vld @p1 [tilespmem:$0xE398];
	_ =	sdelay $0x4  }
0x2c1: {  	[tilespmem:s4+$0xE4C8] =	vst.add.f32.msk @p1 $0xffff, v1  }
0x2c2: {  	v1 =	vld @p1 [tilespmem:$0xE3A8];
	_ =	sdelay $0x4  }
0x2c3: {  	[tilespmem:s4+$0xE4D8] =	vst.add.f32.msk @p1 $0xffff, v1  }
0x2c4: {  	v1 =	vld @p1 [tilespmem:$0xE3B8];
	_ =	sdelay $0x4  }
0x2c5: {  	[tilespmem:s4+$0xE4E8] =	vst.add.f32.msk @p1 $0xffff, v1  }
0x2c6: {  	v1 =	vld @p1 [tilespmem:$0xE3C8];
	_ =	sdelay $0x4  }
0x2c7: {  	[tilespmem:s4+$0xE4F8] =	vst.add.f32.msk @p1 $0xffff, v1  }
0x2c8: {  	v1 =	vld @p1 [tilespmem:$0xE3D8];
	_ =	sdelay $0x4  }
0x2c9: {  	[tilespmem:s4+$0xE508] =	vst.add.f32.msk @p1 $0xffff, v1  }
0x2ca: {  	v1 =	vld @p1 [tilespmem:$0xE3E8];
	_ =	sdelay $0x4  }
0x2cb: {  	[tilespmem:s4+$0xE518] =	vst.add.f32.msk @p1 $0xffff, v1  }
0x2cc: {  	v1 =	vld @p1 [tilespmem:$0xE3F8];
	_ =	sdelay $0x3  }
0x2cd: {  	s5 =	sshll.u32 @!p1 s3, $0xA  }
0x2ce: {  	s5 =	smov.u32 @p1 s0;
	[tilespmem:s4+$0xE528] =	vst.add.f32.msk @p1 $0xffff, v1  }
0x2cf: {  	s0 =	sshrl.u32 s5, $0x2;
	[tilespmem:s2+$0xE418] =	vst.msk $0x1, v0  }
0x2d0: {  	v0 =	vld [tilespmem:s0+$0xE438];
	_ =	sdelay $0x2  }
0x2d1: {  	s31 =	sshll.u32 s2, $0xA  }
0x2d2: {  	s4 =	sshra.s32 s31, $0x2  }
0x2d3: {  	[tilespmem:s4+$0xE438] =	vst v0  }
0x2d4: {  	v0 =	vld [tilespmem:s0+$0xE448];
	_ =	sdelay $0x4  }
0x2d5: {  	[tilespmem:s4+$0xE448] =	vst v0  }
0x2d6: {  	v0 =	vld [tilespmem:s0+$0xE458];
	_ =	sdelay $0x4  }
0x2d7: {  	[tilespmem:s4+$0xE458] =	vst v0  }
0x2d8: {  	v0 =	vld [tilespmem:s0+$0xE468];
	_ =	sdelay $0x4  }
0x2d9: {  	[tilespmem:s4+$0xE468] =	vst v0  }
0x2da: {  	v0 =	vld [tilespmem:s0+$0xE478];
	_ =	sdelay $0x4  }
0x2db: {  	[tilespmem:s4+$0xE478] =	vst v0  }
0x2dc: {  	v0 =	vld [tilespmem:s0+$0xE488];
	_ =	sdelay $0x4  }
0x2dd: {  	[tilespmem:s4+$0xE488] =	vst v0  }
0x2de: {  	v0 =	vld [tilespmem:s0+$0xE498];
	_ =	sdelay $0x4  }
0x2df: {  	[tilespmem:s4+$0xE498] =	vst v0  }
0x2e0: {  	v0 =	vld [tilespmem:s0+$0xE4A8];
	_ =	sdelay $0x4  }
0x2e1: {  	[tilespmem:s4+$0xE4A8] =	vst v0  }
0x2e2: {  	v0 =	vld [tilespmem:s0+$0xE4B8];
	_ =	sdelay $0x4  }
0x2e3: {  	[tilespmem:s4+$0xE4B8] =	vst v0  }
0x2e4: {  	v0 =	vld [tilespmem:s0+$0xE4C8];
	_ =	sdelay $0x4  }
0x2e5: {  	[tilespmem:s4+$0xE4C8] =	vst v0  }
0x2e6: {  	v0 =	vld [tilespmem:s0+$0xE4D8];
	_ =	sdelay $0x4  }
0x2e7: {  	[tilespmem:s4+$0xE4D8] =	vst v0  }
0x2e8: {  	v0 =	vld [tilespmem:s0+$0xE4E8];
	_ =	sdelay $0x4  }
0x2e9: {  	[tilespmem:s4+$0xE4E8] =	vst v0  }
0x2ea: {  	v0 =	vld [tilespmem:s0+$0xE4F8];
	_ =	sdelay $0x4  }
0x2eb: {  	[tilespmem:s4+$0xE4F8] =	vst v0  }
0x2ec: {  	v0 =	vld [tilespmem:s0+$0xE508];
	_ =	sdelay $0x4  }
0x2ed: {  	[tilespmem:s4+$0xE508] =	vst v0  }
0x2ee: {  	v0 =	vld [tilespmem:s0+$0xE518];
	_ =	sdelay $0x4  }
0x2ef: {  	[tilespmem:s4+$0xE518] =	vst v0  }
0x2f0: {  	v0 =	vld [tilespmem:s0+$0xE528];
	_ =	sdelay $0x4  }
0x2f1: {  	s2 =	sadd.s32 $0x1, s2;
	[tilespmem:s4+$0xE528] =	vst v0  }
.LBB2_54:
0x2f2: {  	s3 =	sadd.s32 $0x1, s3  }
0x2f3: {  	p1 =	sne.s32 s3, $0x20  }
.Ltmp38:
0x2f4: {  	_ = 	snop;
	(pc) =	sbr.rel @!p1 .LBB2_55-.Ltmp38, $1  }
0x2f5: {  	_ =	sdelay $0x3  }
.LBB2_47:
0x2f6: {  	v0 =	vld.msk [tilespmem:s3+$0xE418], $0x1;
	_ =	sdelay $0x4  }
0x2f7: {  	(v2sf) =	vpush v0, $0x0;
	_ =	sdelay $0xe  }
0x2f8: {  	s0 =	spop (v2sf)  }
0x2f9: {  	p1 =	seq.s32 s0, $0xFFFFFFFF  }
.Ltmp39:
0x2fa: {  	_ = 	snop;
	(pc) =	sbr.rel @p1 .LBB2_54-.Ltmp39, $1  }
0x2fb: {  	_ =	sdelay $0x3  }
0x2fc: {  	p1 =	slt.s32 s2, $0x1  }
.Ltmp40:
0x2fd: {  	_ = 	snop;
	(pc) =	sbr.rel @p1 .LBB2_53-.Ltmp40, $1  }
0x2fe: {  	_ =	sdelay $0x3  }
0x2ff: {  	s4 =	simm.s32 $0xE418;
	p1 =	por $0x0, $0x0  }
0x300: {  	v1 =	vld.msk @!p1 [tilespmem:s4+$0x0], $0x1;
	_ =	sdelay $0x4  }
0x301: {  	(v2sf) =	vpush @!p1 v1, $0x0;
	_ =	sdelay $0xd  }
0x302: {  	p3 =	sne.s32 s2, $0x1  }
.Ltmp41:
0x303: {  	s5 =	spop @!p1 (v2sf);
	(pc) =	sbr.rel @!p3 .LBB2_51-.Ltmp41, $4  }
0x304: {  	p2 =	seq.s32 @!p1 s0, s5  }
0x305: {  	s5 =	simm.s32 $0x0;
	p2 =	por !p2, p1  }
0x306: {  	s7 =	simm.s32 $0xFFFFFFFF;
	s5 =	simm.s32 @p2 $0xFFFFFFFF  }
0x307: {  	s6 =	simm.s32 $0x1;
	s5 =	smov.u32 @p1 s7  }
.LBB2_50:
0x308: {  	s7 =	smov.u32 s5;
	p1 =	sne.s32 s5, $0xFFFFFFFF  }
0x309: {  	s4 =	sadd.s32 $0x1, s4;
	s5 =	smov.u32 s6;
	s6 =	sadd.s32 $0x1, s6  }
0x30a: {  	p2 =	sne.s32 s2, s6;
	v1 =	vld.msk @!p1 [tilespmem:s4+$0x0], $0x1;
	_ =	sdelay $0x4  }
0x30b: {  	(v2sf) =	vpush @!p1 v1, $0x0;
	_ =	sdelay $0xe  }
.Ltmp42:
0x30c: {  	s8 =	spop @!p1 (v2sf);
	(pc) =	sbr.rel @p2 .LBB2_50-.Ltmp42, $4  }
0x30d: {  	p3 =	seq.s32 @!p1 s0, s8  }
0x30e: {  	p3 =	por !p3, p1  }
0x30f: {  	s5 =	simm.s32 @p3 $0xFFFFFFFF  }
0x310: {  	s5 =	smov.u32 @p1 s7  }
.LBB2_51:
0x311: {  	p1 =	seq.s32 s5, $0xFFFFFFFF  }
.Ltmp43:
0x312: {  	_ = 	snop;
	(pc) =	sbr.rel @p1 .LBB2_53-.Ltmp43, $1  }
0x313: {  	_ =	sdelay $0x3  }
0x314: {  	s0 =	sshll.u32 s3, $0x8  }
0x315: {  	s0 =	sand.u32 $0x3FFFFF00, s0  }
0x316: {  	v0 =	vld [tilespmem:s0+$0xE438];
	_ =	sdelay $0x2  }
0x317: {  	s4 =	sshll.u32 s5, $0xA  }
0x318: {  	s4 =	sshra.s32 s4, $0x2  }
0x319: {  	[tilespmem:s4+$0xE438] =	vst.add.f32.msk $0xffff, v0  }
0x31a: {  	v0 =	vld [tilespmem:s0+$0xE448];
	_ =	sdelay $0x4  }
0x31b: {  	[tilespmem:s4+$0xE448] =	vst.add.f32.msk $0xffff, v0  }
0x31c: {  	v0 =	vld [tilespmem:s0+$0xE458];
	_ =	sdelay $0x4  }
0x31d: {  	[tilespmem:s4+$0xE458] =	vst.add.f32.msk $0xffff, v0  }
0x31e: {  	v0 =	vld [tilespmem:s0+$0xE468];
	_ =	sdelay $0x4  }
0x31f: {  	[tilespmem:s4+$0xE468] =	vst.add.f32.msk $0xffff, v0  }
0x320: {  	v0 =	vld [tilespmem:s0+$0xE478];
	_ =	sdelay $0x4  }
0x321: {  	[tilespmem:s4+$0xE478] =	vst.add.f32.msk $0xffff, v0  }
0x322: {  	v0 =	vld [tilespmem:s0+$0xE488];
	_ =	sdelay $0x4  }
0x323: {  	[tilespmem:s4+$0xE488] =	vst.add.f32.msk $0xffff, v0  }
0x324: {  	v0 =	vld [tilespmem:s0+$0xE498];
	_ =	sdelay $0x4  }
0x325: {  	[tilespmem:s4+$0xE498] =	vst.add.f32.msk $0xffff, v0  }
0x326: {  	v0 =	vld [tilespmem:s0+$0xE4A8];
	_ =	sdelay $0x4  }
0x327: {  	[tilespmem:s4+$0xE4A8] =	vst.add.f32.msk $0xffff, v0  }
0x328: {  	v0 =	vld [tilespmem:s0+$0xE4B8];
	_ =	sdelay $0x4  }
0x329: {  	[tilespmem:s4+$0xE4B8] =	vst.add.f32.msk $0xffff, v0  }
0x32a: {  	v0 =	vld [tilespmem:s0+$0xE4C8];
	_ =	sdelay $0x4  }
0x32b: {  	[tilespmem:s4+$0xE4C8] =	vst.add.f32.msk $0xffff, v0  }
0x32c: {  	v0 =	vld [tilespmem:s0+$0xE4D8];
	_ =	sdelay $0x4  }
0x32d: {  	[tilespmem:s4+$0xE4D8] =	vst.add.f32.msk $0xffff, v0  }
0x32e: {  	v0 =	vld [tilespmem:s0+$0xE4E8];
	_ =	sdelay $0x4  }
0x32f: {  	[tilespmem:s4+$0xE4E8] =	vst.add.f32.msk $0xffff, v0  }
0x330: {  	v0 =	vld [tilespmem:s0+$0xE4F8];
	_ =	sdelay $0x4  }
0x331: {  	[tilespmem:s4+$0xE4F8] =	vst.add.f32.msk $0xffff, v0  }
0x332: {  	v0 =	vld [tilespmem:s0+$0xE508];
	_ =	sdelay $0x4  }
0x333: {  	[tilespmem:s4+$0xE508] =	vst.add.f32.msk $0xffff, v0  }
0x334: {  	v0 =	vld [tilespmem:s0+$0xE518];
	_ =	sdelay $0x4  }
0x335: {  	[tilespmem:s4+$0xE518] =	vst.add.f32.msk $0xffff, v0  }
0x336: {  	v0 =	vld [tilespmem:s0+$0xE528]  }
.Ltmp44:
0x337: {  	_ = 	snop;
	(pc) =	sbr.rel .LBB2_54-.Ltmp44, $2  }
0x338: {  	_ =	sdelay $0x2  }
0x339: {  	[tilespmem:s4+$0xE528] =	vst.add.f32.msk $0xffff, v0  }
.LBB2_55:
0x33a: {  	p1 =	slt.s32 s2, $0x1  }
.Ltmp45:
0x33b: {  	_ = 	snop;
	(pc) =	sbr.rel @p1 .LBB2_59-.Ltmp45, $3  }
0x33c: {  	_ =	sdelay $0x1  }
0x33d: {  	s0 =	simm.s32 $0x8  }
0x33e: {  	s4 =	simm.s32 $0x0;
	[sflag:s0] =	ssyncpa.u1 $0x1  }
0x33f: {  	s0 =	simm.s32 $0xE418  }
0x340: {  	v0 =	vld.msk [tilespmem:s0+$0x0], $0x1;
	_ =	sdelay $0x4  }
0x341: {  	(v2sf) =	vpush v0, $0x0;
	_ =	sdelay $0xe  }
0x342: {  	s0 =	sadd.s32 $0xFFFFFFFF, s2;
	s3 =	spop (v2sf)  }
0x343: {  	s6 =	simm.s32 $0xE438;
	p1 =	sne.s32 s0, $0x0;
	p2 =	sgt.u32 s3, $0x270F70  }
.Ltmp46:
0x344: {  	s2 =	simm.s32 $0xE538;
	s5 =	sand.u32 @!p2 $0x3FFFF8, s3;
	(pc) =	sbr.rel @!p1 .LBB2_58-.Ltmp46, $4  }
0x345: {  	s7 =	sadd.s32 @!p2 $0x80, s3;
	s4 =	simm.s32 @!p2 $0x400;
	s8 =	sadd.s32 @!p2 s1, s5  }
0x346: {  	s5 =	sand.u32 @!p2 $0x7, s3;
	s3 =	simm.s32 $0xE419;
	s7 =	sand.u32 @!p2 $0x7FFFF8, s7  }
0x347: {  	[hbm4b:s8+s5] =	stream.linear.scatter @!p2 [tilespmem:s6], [sflag:$0x7], $0x80, $0x38;
	[tilespmem:$0x1E678] =	vst v63  }
0x348: {  	s4 =	sadd.s32 $0x0, s4;
	s6 =	simm.s32 @!p2 $0xE4B8;
	s7 =	sadd.s32 @!p2 s1, s7  }
.LBB2_57:
0x349: {  	[hbm4b:s7+s5] =	stream.linear.scatter @!p2 [tilespmem:s6], [sflag:$0x7], $0x80, $0x38;
	[tilespmem:$0x1E678] =	vst v63  }
0x34a: {  	s0 =	sadd.s32 $0xFFFFFFFF, s0;
	s6 =	smov.u32 s2;
	v0 =	vld.msk [tilespmem:s3+$0x0], $0x1  }
0x34b: {  	p1 =	sne.s32 s0, $0x0;
	_ =	sdelay $0x3  }
0x34c: {  	(v2sf) =	vpush v0, $0x0;
	_ =	sdelay $0xe  }
0x34d: {  	s2 =	sadd.s32 $0x100, s2;
	s8 =	simm.s32 $0x0;
	s5 =	spop (v2sf)  }
.Ltmp47:
0x34e: {  	s3 =	sadd.s32 $0x1, s3;
	p2 =	sgt.u32 s5, $0x270F70;
	(pc) =	sbr.rel @p1 .LBB2_57-.Ltmp47, $4  }
0x34f: {  	s8 =	simm.s32 @!p2 $0x400;
	s7 =	sand.u32 @!p2 $0x3FFFF8, s5;
	s9 =	sadd.s32 @!p2 $0x80, s5  }
0x350: {  	s5 =	sand.u32 @!p2 $0x7, s5;
	s7 =	sadd.s32 @!p2 s1, s7;
	s9 =	sand.u32 @!p2 $0x7FFFF8, s9  }
0x351: {  	[hbm4b:s7+s5] =	stream.linear.scatter @!p2 [tilespmem:s6], [sflag:$0x7], $0x80, $0x38;
	[tilespmem:$0x1E678] =	vst v63  }
0x352: {  	s4 =	sadd.s32 s4, s8;
	s6 =	sadd.s32 @!p2 $0x80, s6;
	s7 =	sadd.s32 @!p2 s1, s9  }
.LBB2_58:
0x353: {  	[hbm4b:s7+s5] =	stream.linear.scatter @!p2 [tilespmem:s6], [sflag:$0x7], $0x80, $0x38;
	[tilespmem:$0x1E678] =	vst v63  }
0x354: {  	s4 =	sshrl.u32 s4, $0x2  }
.LBB2_59:
0x355: {  	s0 =	simm.s32 $0x7  }
0x356: {  	_ =	swait.ge [sflag:s0], s4  }
0x357: {  	s1 =	ssub.s32 $0x0, s4;
	[sflag:s0] =	ssyncset.done $0x0  }
0x358: {  	[sflag:s0] =	ssyncadd.s32 s1  }
0x359: {  	[sflag:s0] =	ssyncpa.u1 $0x1  }
.LBB2_60:
0x35a: {  	_ =	sfence;
	s0 =	simm.s32 $0x1  }
0x35b: {  	[sflag:s0] =	ssyncpa.u1 $0x1  }
0x35c: {  	_ =	strace $0x9000004D  }
0x35d: {  	[bflag:$0x2] =	sbarrier.arrive $0xFFFF  }
0x35e: {  	s0 =	rddreg [dreg:$0x4]  }
0x35f: {  	s0 =	sadd.s32 @!p0 $0x100000, s0  }
0x360: {  	[sflag:s0] =	ssyncadd.tile.s32 @!p0 $0x1;
	_ =	shalt  }
.Lfunc_end2:
_tile_overlayer_lowered:
.L_overlay_start_2:
0x361: {  	(tag) =	ssettag $0x2  }
0x362: {  	s0 =	rddreg [dreg:$0x0];
	s2 =	stileid.u32  }
0x363: {  	s1 =	rddreg [dreg:$0x1];
	p0 =	sne.s32 s2, $0x0  }
0x364: {  	s3 =	rddreg [dreg:$0x2];
	[bflag:$0x3] =	sbarrier.arrive $0xFFFF;
	s2 =	simm.s32 @!p0 $0x1C01  }
0x365: {  	[timem:s3], [sflag:s2] =	dma.local @!p0 [hbm:s0], s1  }
0x366: {  	s0 =	simm.s32 @!p0 $0x1  }
0x367: {  	_ =	swait.ge @!p0 [sflag:s0], s1  }
0x368: {  	s1 =	ssub.s32 @!p0 $0x0, s1;
	[sflag:s0] =	ssyncset.done @!p0 $0x0  }
0x369: {  	[sflag:s0] =	ssyncadd.s32 @!p0 s1  }
0x36a: {  	[bflag:$0x3] =	sbarrier.arrive $0xFFFF  }
0x36b: {  	_ =	shalt  }

</sc_bundles>
